<compile_context>
chip_gen: v7x
topology: tpu7x:2x2x1
jax: 0.10.2.dev20260603
libtpu: 0.0.44.dev20260713+nightly
codegen_flags: <defaults>
</compile_context>

<pallas_src>
import functools

import jax
import jax.numpy as jnp
from jax import lax
from jax.experimental import pallas as pl
from jax.experimental.pallas import tpu as pltpu
from jax.experimental.pallas import tpu_sc as plsc

NC = 2
NS = 16
NW = NC * NS
L = 16

N = 10000
D = 128
FL = (N // NS) // 8 * 8
TAIL = N - NS * FL
NPAD = ((N + NS * L - 1) // (NS * L)) * NS * L
STRIPE = NPAD // NS

E = 320000
EB = ((E // 128 + NW * 8 - 1) // (NW * 8)) * NW * 8
EPAD = EB * 128
RW = EB // NW
R16 = EB // NS

_MESH = plsc.VectorSubcoreMesh(
    core_axis_name="c", subcore_axis_name="s", num_cores=NC, num_subcores=NS)


def _rsqrt_pos(d):
    i = plsc.bitcast(d, jnp.int32)
    i = jnp.int32(0x5F3759DF) - (i >> 1)
    y = plsc.bitcast(i, jnp.float32)
    for _ in range(3):
        y = y * (1.5 - 0.5 * d * y * y)
    return jnp.where(d > 0.0, y, 0.0)


def _norm2_body(row2, col2, w2, nrm_out,
                r_buf, wv_buf, c_buf, deg_buf, dinv_buf, red_buf, nrm_buf,
                sp_deg, sp_dinv):
    c = lax.axis_index("c")
    s = lax.axis_index("s")

    pltpu.sync_copy(row2.at[pl.ds(s * R16, R16)], r_buf)
    pltpu.sync_copy(w2.at[pl.ds(s * R16, R16)], wv_buf)

    def zero(i, carry):
        deg_buf[pl.ds(i * L, L)] = jnp.zeros((L,), jnp.float32)
        return carry
    lax.fori_loop(0, NPAD // L, zero, 0)

    def acc_deg(g, carry):
        gi = g // (128 // L)
        gj = g % (128 // L)
        idx = r_buf[gi, pl.ds(gj * L, L)]
        wv = wv_buf[gi, pl.ds(gj * L, L)]
        plsc.addupdate_scatter(deg_buf, [idx], wv)
        return carry
    lax.fori_loop(0, R16 * (128 // L), acc_deg, 0)

    pltpu.sync_copy(deg_buf, sp_deg.at[s])
    plsc.subcore_barrier()

    pltpu.sync_copy(sp_deg.at[:, pl.ds(s * STRIPE, STRIPE)], red_buf)

    def red(g, carry):
        a = red_buf[0, pl.ds(g * L, L)]
        for r in range(1, NS):
            a = a + red_buf[r, pl.ds(g * L, L)]
        deg_buf[pl.ds(g * L, L)] = _rsqrt_pos(a)
        return carry
    lax.fori_loop(0, STRIPE // L, red, 0)
    pltpu.sync_copy(deg_buf.at[pl.ds(0, STRIPE)],
                    sp_dinv.at[pl.ds(s * STRIPE, STRIPE)])
    plsc.subcore_barrier()

    pltpu.sync_copy(sp_dinv, dinv_buf)
    w = s * NC + c
    pltpu.sync_copy(row2.at[pl.ds(w * RW, RW)], r_buf.at[pl.ds(0, RW)])
    pltpu.sync_copy(col2.at[pl.ds(w * RW, RW)], c_buf)
    pltpu.sync_copy(w2.at[pl.ds(w * RW, RW)], wv_buf.at[pl.ds(0, RW)])

    def nrm(g, carry):
        gi = g // (128 // L)
        gj = g % (128 // L)
        ri = r_buf[gi, pl.ds(gj * L, L)]
        ci = c_buf[gi, pl.ds(gj * L, L)]
        wv = wv_buf[gi, pl.ds(gj * L, L)]
        nv = (plsc.load_gather(dinv_buf, [ri]) * wv
              * plsc.load_gather(dinv_buf, [ci]))
        nrm_buf[gi, pl.ds(gj * L, L)] = nv
        return carry
    lax.fori_loop(0, RW * (128 // L), nrm, 0)
    pltpu.sync_copy(nrm_buf, nrm_out.at[pl.ds(w * RW, RW)])


_norm2_kernel = functools.partial(
    pl.kernel,
    out_type=jax.ShapeDtypeStruct((EB, 128), jnp.float32),
    mesh=_MESH,
    compiler_params=pltpu.CompilerParams(needs_layout_passes=False),
    scratch_types=[
        pltpu.VMEM((R16, 128), jnp.int32),
        pltpu.VMEM((R16, 128), jnp.float32),
        pltpu.VMEM((RW, 128), jnp.int32),
        pltpu.VMEM((NPAD,), jnp.float32),
        pltpu.VMEM((NPAD,), jnp.float32),
        pltpu.VMEM((NS, STRIPE), jnp.float32),
        pltpu.VMEM((RW, 128), jnp.float32),
        pltpu.VMEM_SHARED((NS, NPAD), jnp.float32),
        pltpu.VMEM_SHARED((NPAD,), jnp.float32),
    ],
)(_norm2_body)


def _hop_body(x_hbm, row2, col2, nrm2, zeros_hbm, out_hbm,
              row_t, col_t, nrm_t, xrows, acc, sem):
    c = lax.axis_index("c")
    s = lax.axis_index("s")
    w = s * NC + c

    pltpu.sync_copy(row2.at[pl.ds(w * RW, RW)], row_t)
    pltpu.sync_copy(col2.at[pl.ds(w * RW, RW)], col_t)
    pltpu.sync_copy(nrm2.at[pl.ds(w * RW, RW)], nrm_t)
    pltpu.sync_copy(zeros_hbm.at[pl.ds(0, FL)], acc.at[pl.ds(s * FL, FL)])

    @pl.when(s == NS - 1)
    def _zero_tail():
        pltpu.sync_copy(zeros_hbm.at[pl.ds(FL, TAIL)],
                        acc.at[pl.ds(NS * FL, TAIL)])
    plsc.subcore_barrier()

    def batch(i, carry):
        pltpu.async_copy(x_hbm.at[col_t.at[i]], xrows, sem).wait()

        def scale(e, c2):
            sv = plsc.load_gather(
                nrm_t, [jnp.full((L,), i, jnp.int32),
                        jnp.full((L,), e, jnp.int32)])
            for j in range(D // L):
                xrows[e, pl.ds(j * L, L)] = xrows[e, pl.ds(j * L, L)] * sv
            return c2
        lax.fori_loop(0, 128, scale, 0)
        pltpu.sync_copy(xrows, acc.at[row_t.at[i]], add=True)
        return carry
    lax.fori_loop(0, RW, batch, 0)

    plsc.subcore_barrier()
    pltpu.sync_copy(acc.at[pl.ds(s * FL, FL)],
                    out_hbm.at[c, pl.ds(s * FL, FL)])

    @pl.when(s == NS - 1)
    def _flush_tail():
        pltpu.sync_copy(acc.at[pl.ds(NS * FL, TAIL)],
                        out_hbm.at[c, pl.ds(NS * FL, TAIL)])


_hop_kernel = functools.partial(
    pl.kernel,
    out_type=jax.ShapeDtypeStruct((NC, N, D), jnp.float32),
    mesh=_MESH,
    compiler_params=pltpu.CompilerParams(needs_layout_passes=False),
    scratch_types=[
        pltpu.VMEM((RW, 128), jnp.int32),
        pltpu.VMEM((RW, 128), jnp.int32),
        pltpu.VMEM((RW, 128), jnp.float32),
        pltpu.VMEM((128, D), jnp.float32),
        pltpu.VMEM_SHARED((N, D), jnp.float32),
        pltpu.SemaphoreType.DMA,
    ],
)(_hop_body)


def _combine_body(p_ref, o_ref):
    o_ref[...] = p_ref[0] + p_ref[1]


def _combine(p):
    nb = 10
    return pl.pallas_call(
        _combine_body,
        grid=(nb,),
        in_specs=[pl.BlockSpec((NC, N // nb, D), lambda i: (0, i, 0))],
        out_specs=pl.BlockSpec((N // nb, D), lambda i: (i, 0)),
        out_shape=jax.ShapeDtypeStruct((N, D), jnp.float32),
    )(p)


def _mm_body(x_ref, h1_ref, h2_ref, h3p_ref, tf_ref, tb_ref, o_ref):
    w0 = tf_ref[0]
    w1 = tb_ref[0] + tb_ref[1]
    w2 = tf_ref[1] + tb_ref[2]
    w3 = tf_ref[2]
    h3 = h3p_ref[0] + h3p_ref[1]
    o_ref[...] = (
        jnp.dot(x_ref[...], w0, preferred_element_type=jnp.float32)
        + jnp.dot(h1_ref[...], w1, preferred_element_type=jnp.float32)
        + jnp.dot(h2_ref[...], w2, preferred_element_type=jnp.float32)
        + jnp.dot(h3, w3, preferred_element_type=jnp.float32))


def _mm(x, h1, h2, h3p, tf, tb):
    nb = 10
    blk = N // nb
    return pl.pallas_call(
        _mm_body,
        grid=(nb,),
        in_specs=[
            pl.BlockSpec((blk, D), lambda i: (i, 0)),
            pl.BlockSpec((blk, D), lambda i: (i, 0)),
            pl.BlockSpec((blk, D), lambda i: (i, 0)),
            pl.BlockSpec((NC, blk, D), lambda i: (0, i, 0)),
            pl.BlockSpec((3, D, D), lambda i: (0, 0, 0)),
            pl.BlockSpec((3, D, D), lambda i: (0, 0, 0)),
        ],
        out_specs=pl.BlockSpec((blk, D), lambda i: (i, 0)),
        out_shape=jax.ShapeDtypeStruct((N, D), jnp.float32),
    )(x, h1, h2, h3p, tf, tb)


def kernel(x, edge_index, edge_weight, theta_forward, theta_backward):
    row = edge_index[0]
    col = edge_index[1]
    pad = EPAD - row.shape[0]
    row2 = jnp.concatenate(
        [row, jnp.zeros((pad,), jnp.int32)]).reshape(EB, 128)
    col2 = jnp.concatenate(
        [col, jnp.zeros((pad,), jnp.int32)]).reshape(EB, 128)
    w2 = jnp.concatenate(
        [edge_weight, jnp.zeros((pad,), jnp.float32)]).reshape(EB, 128)

    nrm2 = _norm2_kernel(row2, col2, w2)
    zeros = jnp.zeros((FL + TAIL, D), jnp.float32)

    h1p = _hop_kernel(x, row2, col2, nrm2, zeros)
    h1 = _combine(h1p)
    h2p = _hop_kernel(h1, row2, col2, nrm2, zeros)
    h2 = _combine(h2p)
    h3p = _hop_kernel(h2, row2, col2, nrm2, zeros)
    return _mm(x, h1, h2, h3p, theta_forward, theta_backward)

# --- scband reference (transcript-rebuilt; emitter-appended) ---
"""Pipeline reference for scband-diffusion-conv-32865089749452 (READ-ONLY COPY).

The authoritative reference and input builder live on the scoring server;
editing this copy changes nothing except your own understanding.
"""

import jax, jax.numpy as jnp
import numpy as np

K = 3
N = 10000
E = 320000
D_IN = 128
D_OUT = 128


def setup_inputs(seed: int = 0) -> dict:
    key = jax.random.key(seed)
    k1, k2, k3, k4, k5 = jax.random.split(key, 5)
    x = jax.random.normal(k1, (N, D_IN), dtype=jnp.float32)
    edge_index = jax.random.randint(k2, (2, E), 0, N, dtype=jnp.int32)
    edge_weight = jax.random.uniform(k3, (E,), dtype=jnp.float32)
    # xavier_uniform on (K, D_IN, D_OUT): fan_in = D_IN * 1 (receptive field from dims>=2 folded),
    # torch computes fan_in = size(1)*rf, fan_out = size(0)*rf with rf = prod(size[2:]) = D_OUT
    fan_in = D_IN * D_OUT
    fan_out = K * D_OUT
    bound = float(np.sqrt(6.0 / (fan_in + fan_out)))
    theta_forward = jax.random.uniform(k4, (K, D_IN, D_OUT), minval=-bound, maxval=bound, dtype=jnp.float32)
    theta_backward = jax.random.uniform(k5, (K, D_IN, D_OUT), minval=-bound, maxval=bound, dtype=jnp.float32)
    return {
        "x": x,
        "edge_index": edge_index,
        "edge_weight": edge_weight,
        "theta_forward": theta_forward,
        "theta_backward": theta_backward,
    }


def reference(x, edge_index, edge_weight, theta_forward, theta_backward):
    row = edge_index[0]
    col = edge_index[1]
    n = x.shape[0]

    def propagate(xv, norm):
        # deg = scatter_add(zeros(N), row, norm)
        deg = jnp.zeros((n,), dtype=xv.dtype).at[row].add(norm)
        deg_inv = jnp.power(deg, -0.5)
        deg_inv = jnp.where(jnp.isinf(deg_inv), 0.0, deg_inv)
        norm2 = deg_inv[row] * norm * deg_inv[col]
        # message: norm2[:, None] * x[col]; scatter-add to row
        return jnp.zeros_like(xv).at[row].add(norm2[:, None] * xv[col])

    Tx_0 = x
    Tx_1 = propagate(x, edge_weight)
    out = jnp.matmul(Tx_0, theta_forward[0]) + jnp.matmul(Tx_1, theta_backward[0])
    k_steps = theta_forward.shape[0]
    for k in range(1, k_steps):
        Tx_2 = propagate(Tx_1, edge_weight)
        out = out + jnp.matmul(Tx_2, theta_forward[k]) + jnp.matmul(Tx_1, theta_backward[k])
        Tx_1, Tx_2 = Tx_2, Tx_1
    return out

if __name__ == "__main__":
    import jax
    _d = setup_inputs()
    print(jax.jit(kernel)(*tuple(_d.values())))

</pallas_src>

<mosaic_0001>
#map = affine_map<(d0, d1) -> (0, 0)>
module attributes {stable_mosaic.version = 14 : i64} {
  func.func @_norm2_body(%arg0: i32, %arg1: i32, %arg2: memref<2560x128xi32, #tpu.memory_space<hbm>>, %arg3: memref<2560x128xi32, #tpu.memory_space<hbm>>, %arg4: memref<2560x128xf32, #tpu.memory_space<hbm>>, %arg5: memref<2560x128xf32, #tpu.memory_space<hbm>>, %arg6: memref<160x128xi32, #tpu.memory_space<vmem>>, %arg7: memref<160x128xf32, #tpu.memory_space<vmem>>, %arg8: memref<80x128xi32, #tpu.memory_space<vmem>>, %arg9: memref<10240xf32, #tpu.memory_space<vmem>>, %arg10: memref<10240xf32, #tpu.memory_space<vmem>>, %arg11: memref<16x640xf32, #tpu.memory_space<vmem>>, %arg12: memref<80x128xf32, #tpu.memory_space<vmem>>, %arg13: memref<16x10240xf32, #tpu.memory_space<vmem_shared>>, %arg14: memref<10240xf32, #tpu.memory_space<vmem_shared>>) attributes {dimension_semantics = [#tpu.dimension_semantics<core_parallel>, #tpu.dimension_semantics<subcore_parallel>], iteration_bounds = array<i64: 2, 16>, scalar_prefetch = 0 : i64, scratch_operands = 9 : i64, tpu.core_type = #tpu.core_type<sc_vector_subcore>, window_params = [{transform_indices = #map}, {transform_indices = #map}, {transform_indices = #map}, {transform_indices = #map}]} {
    %mul3A = arith.constant 160 : i32
    %mul3A_0 = arith.muli %arg1, %mul3A : i32
    "tpu.region"() ({
      %run_scoped3A = tpu.sem_alloc : memref<!tpu.dma_semaphore, #tpu.memory_space<semaphore_mem>>
      %dma_start3A = arith.constant 0 : i32
      %dma_start3A_41 = tpu.memref_slice %arg2[%mul3A_0, %dma_start3A] : memref<2560x128xi32, #tpu.memory_space<hbm>> -> memref<160x128xi32, #tpu.memory_space<hbm>>
      %dma_start3A_42 = arith.constant 0 : i32
      %dma_start3A_43 = tpu.memref_slice %arg2[%mul3A_0, %dma_start3A_42] : memref<2560x128xi32, #tpu.memory_space<hbm>> -> memref<160x128xi32, #tpu.memory_space<hbm>>
      tpu.enqueue_dma source(%dma_start3A_43 : memref<160x128xi32, #tpu.memory_space<hbm>>) target(%arg6 : memref<160x128xi32, #tpu.memory_space<vmem>>) target_semaphore(%run_scoped3A : memref<!tpu.dma_semaphore, #tpu.memory_space<semaphore_mem>>)
      %dma_wait3A = arith.constant 0 : i32
      %dma_wait3A_44 = tpu.memref_slice %arg2[%mul3A_0, %dma_wait3A] : memref<2560x128xi32, #tpu.memory_space<hbm>> -> memref<160x128xi32, #tpu.memory_space<hbm>>
      %dma_wait3A_45 = arith.constant 0 : i32
      %dma_wait3A_46 = tpu.memref_slice %arg2[%mul3A_0, %dma_wait3A_45] : memref<2560x128xi32, #tpu.memory_space<hbm>> -> memref<160x128xi32, #tpu.memory_space<hbm>>
      tpu.wait_dma2 semaphore(%run_scoped3A : memref<!tpu.dma_semaphore, #tpu.memory_space<semaphore_mem>>) src(%dma_wait3A_46 : memref<160x128xi32, #tpu.memory_space<hbm>>) dst(%arg6 : memref<160x128xi32, #tpu.memory_space<vmem>>)
      tpu.yield
    }) : () -> ()
    %mul3A_1 = arith.constant 160 : i32
    %mul3A_2 = arith.muli %arg1, %mul3A_1 : i32
    "tpu.region"() ({
      %run_scoped3A = tpu.sem_alloc : memref<!tpu.dma_semaphore, #tpu.memory_space<semaphore_mem>>
      %dma_start3A = arith.constant 0 : i32
      %dma_start3A_41 = tpu.memref_slice %arg4[%mul3A_2, %dma_start3A] : memref<2560x128xf32, #tpu.memory_space<hbm>> -> memref<160x128xf32, #tpu.memory_space<hbm>>
      %dma_start3A_42 = arith.constant 0 : i32
      %dma_start3A_43 = tpu.memref_slice %arg4[%mul3A_2, %dma_start3A_42] : memref<2560x128xf32, #tpu.memory_space<hbm>> -> memref<160x128xf32, #tpu.memory_space<hbm>>
      tpu.enqueue_dma source(%dma_start3A_43 : memref<160x128xf32, #tpu.memory_space<hbm>>) target(%arg7 : memref<160x128xf32, #tpu.memory_space<vmem>>) target_semaphore(%run_scoped3A : memref<!tpu.dma_semaphore, #tpu.memory_space<semaphore_mem>>)
      %dma_wait3A = arith.constant 0 : i32
      %dma_wait3A_44 = tpu.memref_slice %arg4[%mul3A_2, %dma_wait3A] : memref<2560x128xf32, #tpu.memory_space<hbm>> -> memref<160x128xf32, #tpu.memory_space<hbm>>
      %dma_wait3A_45 = arith.constant 0 : i32
      %dma_wait3A_46 = tpu.memref_slice %arg4[%mul3A_2, %dma_wait3A_45] : memref<2560x128xf32, #tpu.memory_space<hbm>> -> memref<160x128xf32, #tpu.memory_space<hbm>>
      tpu.wait_dma2 semaphore(%run_scoped3A : memref<!tpu.dma_semaphore, #tpu.memory_space<semaphore_mem>>) src(%dma_wait3A_46 : memref<160x128xf32, #tpu.memory_space<hbm>>) dst(%arg7 : memref<160x128xf32, #tpu.memory_space<vmem>>)
      tpu.yield
    }) : () -> ()
    %scan3A = arith.constant 0 : i32
    %scan3A_3 = arith.constant 0 : i32
    %scan3A_4 = arith.constant 640 : i32
    %scan3A_5 = arith.addi %scan3A_3, %scan3A_4 : i32
    %scan3A_6 = arith.constant 1 : i32
    scf.for %scan3A_41 = %scan3A_3 to %scan3A_5 step %scan3A_6  : i32 {
      %broadcast_in_dim3A = arith.constant 0.000000e+00 : f32
      %broadcast_in_dim3A_42 = vector.broadcast %broadcast_in_dim3A : f32 to vector<16xf32>
      %mul3A_43 = arith.constant 16 : i32
      %mul3A_44 = arith.muli %scan3A_41, %mul3A_43 : i32
      %swap3A = arith.index_cast %mul3A_44 : i32 to index
      %swap3A_45 = tpu.vector_load %arg9[%swap3A] {strides = array<i32>} : memref<10240xf32, #tpu.memory_space<vmem>>, vector<16xf32>,
      tpu.vector_store %arg9[%swap3A], %broadcast_in_dim3A_42 {strides = array<i32>} : memref<10240xf32, #tpu.memory_space<vmem>>, vector<16xf32>,
    }
    %scan3A_7 = arith.constant 640 : i32
    %scan3A_8 = arith.constant 0 : i32
    %scan3A_9 = arith.constant 0 : i32
    %scan3A_10 = arith.constant 1280 : i32
    %scan3A_11 = arith.addi %scan3A_9, %scan3A_10 : i32
    %scan3A_12 = arith.constant 1 : i32
    scf.for %scan3A_41 = %scan3A_9 to %scan3A_11 step %scan3A_12  : i32 {
      %jit3A = arith.constant 8 : i32
      %div3A = arith.divsi %scan3A_41, %jit3A : i32
      %sign3A = arith.constant 0 : i32
      %sign3A_42 = arith.cmpi sgt, %scan3A_41, %sign3A : i32
      %sign3A_43 = arith.extui %sign3A_42 : i1 to i32
      %sign3A_44 = arith.constant 0 : i32
      %sign3A_45 = arith.cmpi slt, %scan3A_41, %sign3A_44 : i32
      %sign3A_46 = arith.extui %sign3A_45 : i1 to i32
      %sign3A_47 = arith.subi %sign3A_43, %sign3A_46 : i32
      %sign3A_48 = arith.constant 0 : i32
      %sign3A_49 = arith.cmpi sgt, %jit3A, %sign3A_48 : i32
      %sign3A_50 = arith.extui %sign3A_49 : i1 to i32
      %sign3A_51 = arith.constant 0 : i32
      %sign3A_52 = arith.cmpi slt, %jit3A, %sign3A_51 : i32
      %sign3A_53 = arith.extui %sign3A_52 : i1 to i32
      %sign3A_54 = arith.subi %sign3A_50, %sign3A_53 : i32
      %ne3A = arith.cmpi ne, %sign3A_47, %sign3A_54 : i32
      %rem3A = arith.remsi %scan3A_41, %jit3A : i32
      %ne3A_55 = arith.constant 0 : i32
      %ne3A_56 = arith.cmpi ne, %rem3A, %ne3A_55 : i32
      %and3A = arith.andi %ne3A, %ne3A_56 : i1
      %sub3A = arith.constant 1 : i32
      %sub3A_57 = arith.subi %div3A, %sub3A : i32
      %select_n3A = arith.select %and3A, %sub3A_57, %div3A : i32
      %jit3A_58 = arith.constant 8 : i32
      %eq3A = arith.constant 0 : i32
      %eq3A_59 = arith.cmpi eq, %jit3A_58, %eq3A : i32
      %jit3A_60 = arith.constant 1 : i32
      %select_n3A_61 = arith.select %eq3A_59, %jit3A_60, %jit3A_58 : i32
      %rem3A_62 = arith.remsi %scan3A_41, %select_n3A_61 : i32
      %ne3A_63 = arith.constant 0 : i32
      %ne3A_64 = arith.cmpi ne, %rem3A_62, %ne3A_63 : i32
      %lt3A = arith.constant 0 : i32
      %lt3A_65 = arith.cmpi slt, %rem3A_62, %lt3A : i32
      %lt3A_66 = arith.constant 0 : i32
      %lt3A_67 = arith.cmpi slt, %select_n3A_61, %lt3A_66 : i32
      %ne3A_68 = arith.xori %lt3A_65, %lt3A_67 : i1
      %and3A_69 = arith.andi %ne3A_68, %ne3A_64 : i1
      %add3A_70 = arith.addi %rem3A_62, %select_n3A_61 : i32
      %select_n3A_71 = arith.select %and3A_69, %add3A_70, %rem3A_62 : i32
      %mul3A_72 = arith.constant 16 : i32
      %mul3A_73 = arith.muli %select_n3A_71, %mul3A_72 : i32
      %get3A = arith.index_cast %select_n3A : i32 to index
      %get3A_74 = arith.index_cast %mul3A_73 : i32 to index
      %get3A_75 = tpu.vector_load %arg6[%get3A, %get3A_74] {strides = array<i32>} : memref<160x128xi32, #tpu.memory_space<vmem>>, vector<16xi32>,
      %mul3A_76 = arith.constant 16 : i32
      %mul3A_77 = arith.muli %select_n3A_71, %mul3A_76 : i32
      %get3A_78 = arith.index_cast %select_n3A : i32 to index
      %get3A_79 = arith.index_cast %mul3A_77 : i32 to index
      %get3A_80 = tpu.vector_load %arg7[%get3A_78, %get3A_79] {strides = array<i32>} : memref<160x128xf32, #tpu.memory_space<vmem>>, vector<16xf32>,
      tpu.vector_store_idx %arg9[%get3A_75], %get3A_80 {add = true} : memref<10240xf32, #tpu.memory_space<vmem>>[vector<16xi32>], vector<16xf32>,
    }
    %scan3A_13 = arith.constant 1280 : i32
    "tpu.region"() ({
      %run_scoped3A = tpu.sem_alloc : memref<!tpu.dma_semaphore, #tpu.memory_space<semaphore_mem>>
      %dma_start3A = arith.constant 0 : i32
      %dma_start3A_41 = tpu.memref_slice %arg13[%arg1, %dma_start3A] : memref<16x10240xf32, #tpu.memory_space<vmem_shared>> -> memref<1x10240xf32, #tpu.memory_space<vmem_shared>>
      %dma_start3A_42 = tpu.memref_squeeze %dma_start3A_41 : memref<1x10240xf32, #tpu.memory_space<vmem_shared>> -> memref<10240xf32, #tpu.memory_space<vmem_shared>>
      %dma_start3A_43 = arith.constant 0 : i32
      %dma_start3A_44 = tpu.memref_slice %arg13[%arg1, %dma_start3A_43] : memref<16x10240xf32, #tpu.memory_space<vmem_shared>> -> memref<1x10240xf32, #tpu.memory_space<vmem_shared>>
      %dma_start3A_45 = tpu.memref_squeeze %dma_start3A_44 : memref<1x10240xf32, #tpu.memory_space<vmem_shared>> -> memref<10240xf32, #tpu.memory_space<vmem_shared>>
      tpu.enqueue_dma source(%arg9 : memref<10240xf32, #tpu.memory_space<vmem>>) target(%dma_start3A_45 : memref<10240xf32, #tpu.memory_space<vmem_shared>>) target_semaphore(%run_scoped3A : memref<!tpu.dma_semaphore, #tpu.memory_space<semaphore_mem>>)
      %dma_wait3A = arith.constant 0 : i32
      %dma_wait3A_46 = tpu.memref_slice %arg13[%arg1, %dma_wait3A] : memref<16x10240xf32, #tpu.memory_space<vmem_shared>> -> memref<1x10240xf32, #tpu.memory_space<vmem_shared>>
      %dma_wait3A_47 = tpu.memref_squeeze %dma_wait3A_46 : memref<1x10240xf32, #tpu.memory_space<vmem_shared>> -> memref<10240xf32, #tpu.memory_space<vmem_shared>>
      %dma_wait3A_48 = arith.constant 0 : i32
      %dma_wait3A_49 = tpu.memref_slice %arg13[%arg1, %dma_wait3A_48] : memref<16x10240xf32, #tpu.memory_space<vmem_shared>> -> memref<1x10240xf32, #tpu.memory_space<vmem_shared>>
      %dma_wait3A_50 = tpu.memref_squeeze %dma_wait3A_49 : memref<1x10240xf32, #tpu.memory_space<vmem_shared>> -> memref<10240xf32, #tpu.memory_space<vmem_shared>>
      tpu.wait_dma2 semaphore(%run_scoped3A : memref<!tpu.dma_semaphore, #tpu.memory_space<semaphore_mem>>) src(%arg9 : memref<10240xf32, #tpu.memory_space<vmem>>) dst(%dma_wait3A_50 : memref<10240xf32, #tpu.memory_space<vmem_shared>>)
      tpu.yield
    }) : () -> ()
    %barrier3A = arith.constant 0 : index
    tpu.barrier barrier_id(%barrier3A)
    %mul3A_14 = arith.constant 640 : i32
    %mul3A_15 = arith.muli %arg1, %mul3A_14 : i32
    "tpu.region"() ({
      %run_scoped3A = tpu.sem_alloc : memref<!tpu.dma_semaphore, #tpu.memory_space<semaphore_mem>>
      %dma_start3A = arith.constant 0 : i32
      %dma_start3A_41 = tpu.memref_slice %arg13[%dma_start3A, %mul3A_15] : memref<16x10240xf32, #tpu.memory_space<vmem_shared>> -> memref<16x640xf32, #tpu.memory_space<vmem_shared>>
      %dma_start3A_42 = arith.constant 0 : i32
      %dma_start3A_43 = tpu.memref_slice %arg13[%dma_start3A_42, %mul3A_15] : memref<16x10240xf32, #tpu.memory_space<vmem_shared>> -> memref<16x640xf32, #tpu.memory_space<vmem_shared>>
      tpu.enqueue_dma source(%dma_start3A_43 : memref<16x640xf32, #tpu.memory_space<vmem_shared>>) target(%arg11 : memref<16x640xf32, #tpu.memory_space<vmem>>) target_semaphore(%run_scoped3A : memref<!tpu.dma_semaphore, #tpu.memory_space<semaphore_mem>>)
      %dma_wait3A = arith.constant 0 : i32
      %dma_wait3A_44 = tpu.memref_slice %arg13[%dma_wait3A, %mul3A_15] : memref<16x10240xf32, #tpu.memory_space<vmem_shared>> -> memref<16x640xf32, #tpu.memory_space<vmem_shared>>
      %dma_wait3A_45 = arith.constant 0 : i32
      %dma_wait3A_46 = tpu.memref_slice %arg13[%dma_wait3A_45, %mul3A_15] : memref<16x10240xf32, #tpu.memory_space<vmem_shared>> -> memref<16x640xf32, #tpu.memory_space<vmem_shared>>
      tpu.wait_dma2 semaphore(%run_scoped3A : memref<!tpu.dma_semaphore, #tpu.memory_space<semaphore_mem>>) src(%dma_wait3A_46 : memref<16x640xf32, #tpu.memory_space<vmem_shared>>) dst(%arg11 : memref<16x640xf32, #tpu.memory_space<vmem>>)
      tpu.yield
    }) : () -> ()
    %scan3A_16 = arith.constant 0 : i32
    %scan3A_17 = arith.constant 0 : i32
    %scan3A_18 = arith.constant 40 : i32
    %scan3A_19 = arith.addi %scan3A_17, %scan3A_18 : i32
    %scan3A_20 = arith.constant 1 : i32
    scf.for %scan3A_41 = %scan3A_17 to %scan3A_19 step %scan3A_20  : i32 {
      %mul3A_42 = arith.constant 16 : i32
      %mul3A_43 = arith.muli %scan3A_41, %mul3A_42 : i32
      %get3A = arith.constant 0 : i32
      %get3A_44 = arith.index_cast %get3A : i32 to index
      %get3A_45 = arith.index_cast %mul3A_43 : i32 to index
      %get3A_46 = tpu.vector_load %arg11[%get3A_44, %get3A_45] {strides = array<i32>} : memref<16x640xf32, #tpu.memory_space<vmem>>, vector<16xf32>,
      %mul3A_47 = arith.constant 16 : i32
      %mul3A_48 = arith.muli %scan3A_41, %mul3A_47 : i32
      %get3A_49 = arith.constant 1 : i32
      %get3A_50 = arith.index_cast %get3A_49 : i32 to index
      %get3A_51 = arith.index_cast %mul3A_48 : i32 to index
      %get3A_52 = tpu.vector_load %arg11[%get3A_50, %get3A_51] {strides = array<i32>} : memref<16x640xf32, #tpu.memory_space<vmem>>, vector<16xf32>,
      %add3A_53 = arith.addf %get3A_46, %get3A_52 : vector<16xf32>
      %mul3A_54 = arith.constant 16 : i32
      %mul3A_55 = arith.muli %scan3A_41, %mul3A_54 : i32
      %get3A_56 = arith.constant 2 : i32
      %get3A_57 = arith.index_cast %get3A_56 : i32 to index
      %get3A_58 = arith.index_cast %mul3A_55 : i32 to index
      %get3A_59 = tpu.vector_load %arg11[%get3A_57, %get3A_58] {strides = array<i32>} : memref<16x640xf32, #tpu.memory_space<vmem>>, vector<16xf32>,
      %add3A_60 = arith.addf %add3A_53, %get3A_59 : vector<16xf32>
      %mul3A_61 = arith.constant 16 : i32
      %mul3A_62 = arith.muli %scan3A_41, %mul3A_61 : i32
      %get3A_63 = arith.constant 3 : i32
      %get3A_64 = arith.index_cast %get3A_63 : i32 to index
      %get3A_65 = arith.index_cast %mul3A_62 : i32 to index
      %get3A_66 = tpu.vector_load %arg11[%get3A_64, %get3A_65] {strides = array<i32>} : memref<16x640xf32, #tpu.memory_space<vmem>>, vector<16xf32>,
      %add3A_67 = arith.addf %add3A_60, %get3A_66 : vector<16xf32>
      %mul3A_68 = arith.constant 16 : i32
      %mul3A_69 = arith.muli %scan3A_41, %mul3A_68 : i32
      %get3A_70 = arith.constant 4 : i32
      %get3A_71 = arith.index_cast %get3A_70 : i32 to index
      %get3A_72 = arith.index_cast %mul3A_69 : i32 to index
      %get3A_73 = tpu.vector_load %arg11[%get3A_71, %get3A_72] {strides = array<i32>} : memref<16x640xf32, #tpu.memory_space<vmem>>, vector<16xf32>,
      %add3A_74 = arith.addf %add3A_67, %get3A_73 : vector<16xf32>
      %mul3A_75 = arith.constant 16 : i32
      %mul3A_76 = arith.muli %scan3A_41, %mul3A_75 : i32
      %get3A_77 = arith.constant 5 : i32
      %get3A_78 = arith.index_cast %get3A_77 : i32 to index
      %get3A_79 = arith.index_cast %mul3A_76 : i32 to index
      %get3A_80 = tpu.vector_load %arg11[%get3A_78, %get3A_79] {strides = array<i32>} : memref<16x640xf32, #tpu.memory_space<vmem>>, vector<16xf32>,
      %add3A_81 = arith.addf %add3A_74, %get3A_80 : vector<16xf32>
      %mul3A_82 = arith.constant 16 : i32
      %mul3A_83 = arith.muli %scan3A_41, %mul3A_82 : i32
      %get3A_84 = arith.constant 6 : i32
      %get3A_85 = arith.index_cast %get3A_84 : i32 to index
      %get3A_86 = arith.index_cast %mul3A_83 : i32 to index
      %get3A_87 = tpu.vector_load %arg11[%get3A_85, %get3A_86] {strides = array<i32>} : memref<16x640xf32, #tpu.memory_space<vmem>>, vector<16xf32>,
      %add3A_88 = arith.addf %add3A_81, %get3A_87 : vector<16xf32>
      %mul3A_89 = arith.constant 16 : i32
      %mul3A_90 = arith.muli %scan3A_41, %mul3A_89 : i32
      %get3A_91 = arith.constant 7 : i32
      %get3A_92 = arith.index_cast %get3A_91 : i32 to index
      %get3A_93 = arith.index_cast %mul3A_90 : i32 to index
      %get3A_94 = tpu.vector_load %arg11[%get3A_92, %get3A_93] {strides = array<i32>} : memref<16x640xf32, #tpu.memory_space<vmem>>, vector<16xf32>,
      %add3A_95 = arith.addf %add3A_88, %get3A_94 : vector<16xf32>
      %mul3A_96 = arith.constant 16 : i32
      %mul3A_97 = arith.muli %scan3A_41, %mul3A_96 : i32
      %get3A_98 = arith.constant 8 : i32
      %get3A_99 = arith.index_cast %get3A_98 : i32 to index
      %get3A_100 = arith.index_cast %mul3A_97 : i32 to index
      %get3A_101 = tpu.vector_load %arg11[%get3A_99, %get3A_100] {strides = array<i32>} : memref<16x640xf32, #tpu.memory_space<vmem>>, vector<16xf32>,
      %add3A_102 = arith.addf %add3A_95, %get3A_101 : vector<16xf32>
      %mul3A_103 = arith.constant 16 : i32
      %mul3A_104 = arith.muli %scan3A_41, %mul3A_103 : i32
      %get3A_105 = arith.constant 9 : i32
      %get3A_106 = arith.index_cast %get3A_105 : i32 to index
      %get3A_107 = arith.index_cast %mul3A_104 : i32 to index
      %get3A_108 = tpu.vector_load %arg11[%get3A_106, %get3A_107] {strides = array<i32>} : memref<16x640xf32, #tpu.memory_space<vmem>>, vector<16xf32>,
      %add3A_109 = arith.addf %add3A_102, %get3A_108 : vector<16xf32>
      %mul3A_110 = arith.constant 16 : i32
      %mul3A_111 = arith.muli %scan3A_41, %mul3A_110 : i32
      %get3A_112 = arith.constant 10 : i32
      %get3A_113 = arith.index_cast %get3A_112 : i32 to index
      %get3A_114 = arith.index_cast %mul3A_111 : i32 to index
      %get3A_115 = tpu.vector_load %arg11[%get3A_113, %get3A_114] {strides = array<i32>} : memref<16x640xf32, #tpu.memory_space<vmem>>, vector<16xf32>,
      %add3A_116 = arith.addf %add3A_109, %get3A_115 : vector<16xf32>
      %mul3A_117 = arith.constant 16 : i32
      %mul3A_118 = arith.muli %scan3A_41, %mul3A_117 : i32
      %get3A_119 = arith.constant 11 : i32
      %get3A_120 = arith.index_cast %get3A_119 : i32 to index
      %get3A_121 = arith.index_cast %mul3A_118 : i32 to index
      %get3A_122 = tpu.vector_load %arg11[%get3A_120, %get3A_121] {strides = array<i32>} : memref<16x640xf32, #tpu.memory_space<vmem>>, vector<16xf32>,
      %add3A_123 = arith.addf %add3A_116, %get3A_122 : vector<16xf32>
      %mul3A_124 = arith.constant 16 : i32
      %mul3A_125 = arith.muli %scan3A_41, %mul3A_124 : i32
      %get3A_126 = arith.constant 12 : i32
      %get3A_127 = arith.index_cast %get3A_126 : i32 to index
      %get3A_128 = arith.index_cast %mul3A_125 : i32 to index
      %get3A_129 = tpu.vector_load %arg11[%get3A_127, %get3A_128] {strides = array<i32>} : memref<16x640xf32, #tpu.memory_space<vmem>>, vector<16xf32>,
      %add3A_130 = arith.addf %add3A_123, %get3A_129 : vector<16xf32>
      %mul3A_131 = arith.constant 16 : i32
      %mul3A_132 = arith.muli %scan3A_41, %mul3A_131 : i32
      %get3A_133 = arith.constant 13 : i32
      %get3A_134 = arith.index_cast %get3A_133 : i32 to index
      %get3A_135 = arith.index_cast %mul3A_132 : i32 to index
      %get3A_136 = tpu.vector_load %arg11[%get3A_134, %get3A_135] {strides = array<i32>} : memref<16x640xf32, #tpu.memory_space<vmem>>, vector<16xf32>,
      %add3A_137 = arith.addf %add3A_130, %get3A_136 : vector<16xf32>
      %mul3A_138 = arith.constant 16 : i32
      %mul3A_139 = arith.muli %scan3A_41, %mul3A_138 : i32
      %get3A_140 = arith.constant 14 : i32
      %get3A_141 = arith.index_cast %get3A_140 : i32 to index
      %get3A_142 = arith.index_cast %mul3A_139 : i32 to index
      %get3A_143 = tpu.vector_load %arg11[%get3A_141, %get3A_142] {strides = array<i32>} : memref<16x640xf32, #tpu.memory_space<vmem>>, vector<16xf32>,
      %add3A_144 = arith.addf %add3A_137, %get3A_143 : vector<16xf32>
      %mul3A_145 = arith.constant 16 : i32
      %mul3A_146 = arith.muli %scan3A_41, %mul3A_145 : i32
      %get3A_147 = arith.constant 15 : i32
      %get3A_148 = arith.index_cast %get3A_147 : i32 to index
      %get3A_149 = arith.index_cast %mul3A_146 : i32 to index
      %get3A_150 = tpu.vector_load %arg11[%get3A_148, %get3A_149] {strides = array<i32>} : memref<16x640xf32, #tpu.memory_space<vmem>>, vector<16xf32>,
      %add3A_151 = arith.addf %add3A_144, %get3A_150 : vector<16xf32>
      %bitcast3A = vector.bitcast %add3A_151 : vector<16xf32> to vector<16xi32>
      %shift_right_arithmetic3A = arith.constant 1 : i32
      %shift_right_arithmetic3A_152 = vector.broadcast %shift_right_arithmetic3A : i32 to vector<16xi32>
      %shift_right_arithmetic3A_153 = arith.shrsi %bitcast3A, %shift_right_arithmetic3A_152 : vector<16xi32>
      %sub3A = arith.constant 1597463007 : i32
      %sub3A_154 = vector.broadcast %sub3A : i32 to vector<16xi32>
      %sub3A_155 = arith.subi %sub3A_154, %shift_right_arithmetic3A_153 : vector<16xi32>
      %bitcast3A_156 = vector.bitcast %sub3A_155 : vector<16xi32> to vector<16xf32>
      %mul3A_157 = arith.constant 5.000000e-01 : f32
      %mul3A_158 = vector.broadcast %mul3A_157 : f32 to vector<16xf32>
      %mul3A_159 = arith.mulf %mul3A_158, %add3A_151 : vector<16xf32>
      %mul3A_160 = arith.mulf %mul3A_159, %bitcast3A_156 : vector<16xf32>
      %mul3A_161 = arith.mulf %mul3A_160, %bitcast3A_156 : vector<16xf32>
      %sub3A_162 = arith.constant 1.500000e+00 : f32
      %sub3A_163 = vector.broadcast %sub3A_162 : f32 to vector<16xf32>
      %sub3A_164 = arith.subf %sub3A_163, %mul3A_161 : vector<16xf32>
      %mul3A_165 = arith.mulf %bitcast3A_156, %sub3A_164 : vector<16xf32>
      %mul3A_166 = arith.constant 5.000000e-01 : f32
      %mul3A_167 = vector.broadcast %mul3A_166 : f32 to vector<16xf32>
      %mul3A_168 = arith.mulf %mul3A_167, %add3A_151 : vector<16xf32>
      %mul3A_169 = arith.mulf %mul3A_168, %mul3A_165 : vector<16xf32>
      %mul3A_170 = arith.mulf %mul3A_169, %mul3A_165 : vector<16xf32>
      %sub3A_171 = arith.constant 1.500000e+00 : f32
      %sub3A_172 = vector.broadcast %sub3A_171 : f32 to vector<16xf32>
      %sub3A_173 = arith.subf %sub3A_172, %mul3A_170 : vector<16xf32>
      %mul3A_174 = arith.mulf %mul3A_165, %sub3A_173 : vector<16xf32>
      %mul3A_175 = arith.constant 5.000000e-01 : f32
      %mul3A_176 = vector.broadcast %mul3A_175 : f32 to vector<16xf32>
      %mul3A_177 = arith.mulf %mul3A_176, %add3A_151 : vector<16xf32>
      %mul3A_178 = arith.mulf %mul3A_177, %mul3A_174 : vector<16xf32>
      %mul3A_179 = arith.mulf %mul3A_178, %mul3A_174 : vector<16xf32>
      %sub3A_180 = arith.constant 1.500000e+00 : f32
      %sub3A_181 = vector.broadcast %sub3A_180 : f32 to vector<16xf32>
      %sub3A_182 = arith.subf %sub3A_181, %mul3A_179 : vector<16xf32>
      %mul3A_183 = arith.mulf %mul3A_174, %sub3A_182 : vector<16xf32>
      %gt3A = arith.constant 0.000000e+00 : f32
      %gt3A_184 = vector.broadcast %gt3A : f32 to vector<16xf32>
      %gt3A_185 = arith.cmpf ogt, %add3A_151, %gt3A_184 : vector<16xf32>
      %jit3A = arith.constant 0.000000e+00 : f32
      %broadcast_in_dim3A = vector.broadcast %jit3A : f32 to vector<16xf32>
      %select_n3A = arith.select %gt3A_185, %mul3A_183, %broadcast_in_dim3A : vector<16xi1>, vector<16xf32>
      %mul3A_186 = arith.constant 16 : i32
      %mul3A_187 = arith.muli %scan3A_41, %mul3A_186 : i32
      %swap3A = arith.index_cast %mul3A_187 : i32 to index
      %swap3A_188 = tpu.vector_load %arg9[%swap3A] {strides = array<i32>} : memref<10240xf32, #tpu.memory_space<vmem>>, vector<16xf32>,
      tpu.vector_store %arg9[%swap3A], %select_n3A {strides = array<i32>} : memref<10240xf32, #tpu.memory_space<vmem>>, vector<16xf32>,
    }
    %scan3A_21 = arith.constant 40 : i32
    %mul3A_22 = arith.constant 640 : i32
    %mul3A_23 = arith.muli %arg1, %mul3A_22 : i32
    "tpu.region"() ({
      %run_scoped3A = tpu.sem_alloc : memref<!tpu.dma_semaphore, #tpu.memory_space<semaphore_mem>>
      %dma_start3A = arith.constant 0 : i32
      %dma_start3A_41 = tpu.memref_slice %arg9[%dma_start3A] : memref<10240xf32, #tpu.memory_space<vmem>> -> memref<640xf32, #tpu.memory_space<vmem>>
      %dma_start3A_42 = tpu.memref_slice %arg14[%mul3A_23] : memref<10240xf32, #tpu.memory_space<vmem_shared>> -> memref<640xf32, #tpu.memory_space<vmem_shared>>
      %dma_start3A_43 = tpu.memref_slice %arg14[%mul3A_23] : memref<10240xf32, #tpu.memory_space<vmem_shared>> -> memref<640xf32, #tpu.memory_space<vmem_shared>>
      %dma_start3A_44 = arith.constant 0 : i32
      %dma_start3A_45 = tpu.memref_slice %arg9[%dma_start3A_44] : memref<10240xf32, #tpu.memory_space<vmem>> -> memref<640xf32, #tpu.memory_space<vmem>>
      tpu.enqueue_dma source(%dma_start3A_45 : memref<640xf32, #tpu.memory_space<vmem>>) target(%dma_start3A_43 : memref<640xf32, #tpu.memory_space<vmem_shared>>) target_semaphore(%run_scoped3A : memref<!tpu.dma_semaphore, #tpu.memory_space<semaphore_mem>>)
      %dma_wait3A = arith.constant 0 : i32
      %dma_wait3A_46 = tpu.memref_slice %arg9[%dma_wait3A] : memref<10240xf32, #tpu.memory_space<vmem>> -> memref<640xf32, #tpu.memory_space<vmem>>
      %dma_wait3A_47 = tpu.memref_slice %arg14[%mul3A_23] : memref<10240xf32, #tpu.memory_space<vmem_shared>> -> memref<640xf32, #tpu.memory_space<vmem_shared>>
      %dma_wait3A_48 = tpu.memref_slice %arg14[%mul3A_23] : memref<10240xf32, #tpu.memory_space<vmem_shared>> -> memref<640xf32, #tpu.memory_space<vmem_shared>>
      %dma_wait3A_49 = arith.constant 0 : i32
      %dma_wait3A_50 = tpu.memref_slice %arg9[%dma_wait3A_49] : memref<10240xf32, #tpu.memory_space<vmem>> -> memref<640xf32, #tpu.memory_space<vmem>>
      tpu.wait_dma2 semaphore(%run_scoped3A : memref<!tpu.dma_semaphore, #tpu.memory_space<semaphore_mem>>) src(%dma_wait3A_50 : memref<640xf32, #tpu.memory_space<vmem>>) dst(%dma_wait3A_48 : memref<640xf32, #tpu.memory_space<vmem_shared>>)
      tpu.yield
    }) : () -> ()
    %barrier3A_24 = arith.constant 0 : index
    tpu.barrier barrier_id(%barrier3A_24)
    "tpu.region"() ({
      %run_scoped3A = tpu.sem_alloc : memref<!tpu.dma_semaphore, #tpu.memory_space<semaphore_mem>>
      tpu.enqueue_dma source(%arg14 : memref<10240xf32, #tpu.memory_space<vmem_shared>>) target(%arg10 : memref<10240xf32, #tpu.memory_space<vmem>>) target_semaphore(%run_scoped3A : memref<!tpu.dma_semaphore, #tpu.memory_space<semaphore_mem>>)
      tpu.wait_dma2 semaphore(%run_scoped3A : memref<!tpu.dma_semaphore, #tpu.memory_space<semaphore_mem>>) src(%arg14 : memref<10240xf32, #tpu.memory_space<vmem_shared>>) dst(%arg10 : memref<10240xf32, #tpu.memory_space<vmem>>)
      tpu.yield
    }) : () -> ()
    %mul3A_25 = arith.constant 2 : i32
    %mul3A_26 = arith.muli %arg1, %mul3A_25 : i32
    %add3A = arith.addi %mul3A_26, %arg0 : i32
    %mul3A_27 = arith.constant 80 : i32
    %mul3A_28 = arith.muli %add3A, %mul3A_27 : i32
    "tpu.region"() ({
      %run_scoped3A = tpu.sem_alloc : memref<!tpu.dma_semaphore, #tpu.memory_space<semaphore_mem>>
      %dma_start3A = arith.constant 0 : i32
      %dma_start3A_41 = arith.constant 0 : i32
      %dma_start3A_42 = tpu.memref_slice %arg6[%dma_start3A, %dma_start3A_41] : memref<160x128xi32, #tpu.memory_space<vmem>> -> memref<80x128xi32, #tpu.memory_space<vmem>>
      %dma_start3A_43 = arith.constant 0 : i32
      %dma_start3A_44 = tpu.memref_slice %arg2[%mul3A_28, %dma_start3A_43] : memref<2560x128xi32, #tpu.memory_space<hbm>> -> memref<80x128xi32, #tpu.memory_space<hbm>>
      %dma_start3A_45 = arith.constant 0 : i32
      %dma_start3A_46 = arith.constant 0 : i32
      %dma_start3A_47 = tpu.memref_slice %arg6[%dma_start3A_45, %dma_start3A_46] : memref<160x128xi32, #tpu.memory_space<vmem>> -> memref<80x128xi32, #tpu.memory_space<vmem>>
      %dma_start3A_48 = arith.constant 0 : i32
      %dma_start3A_49 = tpu.memref_slice %arg2[%mul3A_28, %dma_start3A_48] : memref<2560x128xi32, #tpu.memory_space<hbm>> -> memref<80x128xi32, #tpu.memory_space<hbm>>
      tpu.enqueue_dma source(%dma_start3A_49 : memref<80x128xi32, #tpu.memory_space<hbm>>) target(%dma_start3A_47 : memref<80x128xi32, #tpu.memory_space<vmem>>) target_semaphore(%run_scoped3A : memref<!tpu.dma_semaphore, #tpu.memory_space<semaphore_mem>>)
      %dma_wait3A = arith.constant 0 : i32
      %dma_wait3A_50 = arith.constant 0 : i32
      %dma_wait3A_51 = tpu.memref_slice %arg6[%dma_wait3A, %dma_wait3A_50] : memref<160x128xi32, #tpu.memory_space<vmem>> -> memref<80x128xi32, #tpu.memory_space<vmem>>
      %dma_wait3A_52 = arith.constant 0 : i32
      %dma_wait3A_53 = tpu.memref_slice %arg2[%mul3A_28, %dma_wait3A_52] : memref<2560x128xi32, #tpu.memory_space<hbm>> -> memref<80x128xi32, #tpu.memory_space<hbm>>
      %dma_wait3A_54 = arith.constant 0 : i32
      %dma_wait3A_55 = arith.constant 0 : i32
      %dma_wait3A_56 = tpu.memref_slice %arg6[%dma_wait3A_54, %dma_wait3A_55] : memref<160x128xi32, #tpu.memory_space<vmem>> -> memref<80x128xi32, #tpu.memory_space<vmem>>
      %dma_wait3A_57 = arith.constant 0 : i32
      %dma_wait3A_58 = tpu.memref_slice %arg2[%mul3A_28, %dma_wait3A_57] : memref<2560x128xi32, #tpu.memory_space<hbm>> -> memref<80x128xi32, #tpu.memory_space<hbm>>
      tpu.wait_dma2 semaphore(%run_scoped3A : memref<!tpu.dma_semaphore, #tpu.memory_space<semaphore_mem>>) src(%dma_wait3A_58 : memref<80x128xi32, #tpu.memory_space<hbm>>) dst(%dma_wait3A_56 : memref<80x128xi32, #tpu.memory_space<vmem>>)
      tpu.yield
    }) : () -> ()
    %mul3A_29 = arith.constant 80 : i32
    %mul3A_30 = arith.muli %add3A, %mul3A_29 : i32
    "tpu.region"() ({
      %run_scoped3A = tpu.sem_alloc : memref<!tpu.dma_semaphore, #tpu.memory_space<semaphore_mem>>
      %dma_start3A = arith.constant 0 : i32
      %dma_start3A_41 = tpu.memref_slice %arg3[%mul3A_30, %dma_start3A] : memref<2560x128xi32, #tpu.memory_space<hbm>> -> memref<80x128xi32, #tpu.memory_space<hbm>>
      %dma_start3A_42 = arith.constant 0 : i32
      %dma_start3A_43 = tpu.memref_slice %arg3[%mul3A_30, %dma_start3A_42] : memref<2560x128xi32, #tpu.memory_space<hbm>> -> memref<80x128xi32, #tpu.memory_space<hbm>>
      tpu.enqueue_dma source(%dma_start3A_43 : memref<80x128xi32, #tpu.memory_space<hbm>>) target(%arg8 : memref<80x128xi32, #tpu.memory_space<vmem>>) target_semaphore(%run_scoped3A : memref<!tpu.dma_semaphore, #tpu.memory_space<semaphore_mem>>)
      %dma_wait3A = arith.constant 0 : i32
      %dma_wait3A_44 = tpu.memref_slice %arg3[%mul3A_30, %dma_wait3A] : memref<2560x128xi32, #tpu.memory_space<hbm>> -> memref<80x128xi32, #tpu.memory_space<hbm>>
      %dma_wait3A_45 = arith.constant 0 : i32
      %dma_wait3A_46 = tpu.memref_slice %arg3[%mul3A_30, %dma_wait3A_45] : memref<2560x128xi32, #tpu.memory_space<hbm>> -> memref<80x128xi32, #tpu.memory_space<hbm>>
      tpu.wait_dma2 semaphore(%run_scoped3A : memref<!tpu.dma_semaphore, #tpu.memory_space<semaphore_mem>>) src(%dma_wait3A_46 : memref<80x128xi32, #tpu.memory_space<hbm>>) dst(%arg8 : memref<80x128xi32, #tpu.memory_space<vmem>>)
      tpu.yield
    }) : () -> ()
    %mul3A_31 = arith.constant 80 : i32
    %mul3A_32 = arith.muli %add3A, %mul3A_31 : i32
    "tpu.region"() ({
      %run_scoped3A = tpu.sem_alloc : memref<!tpu.dma_semaphore, #tpu.memory_space<semaphore_mem>>
      %dma_start3A = arith.constant 0 : i32
      %dma_start3A_41 = arith.constant 0 : i32
      %dma_start3A_42 = tpu.memref_slice %arg7[%dma_start3A, %dma_start3A_41] : memref<160x128xf32, #tpu.memory_space<vmem>> -> memref<80x128xf32, #tpu.memory_space<vmem>>
      %dma_start3A_43 = arith.constant 0 : i32
      %dma_start3A_44 = tpu.memref_slice %arg4[%mul3A_32, %dma_start3A_43] : memref<2560x128xf32, #tpu.memory_space<hbm>> -> memref<80x128xf32, #tpu.memory_space<hbm>>
      %dma_start3A_45 = arith.constant 0 : i32
      %dma_start3A_46 = arith.constant 0 : i32
      %dma_start3A_47 = tpu.memref_slice %arg7[%dma_start3A_45, %dma_start3A_46] : memref<160x128xf32, #tpu.memory_space<vmem>> -> memref<80x128xf32, #tpu.memory_space<vmem>>
      %dma_start3A_48 = arith.constant 0 : i32
      %dma_start3A_49 = tpu.memref_slice %arg4[%mul3A_32, %dma_start3A_48] : memref<2560x128xf32, #tpu.memory_space<hbm>> -> memref<80x128xf32, #tpu.memory_space<hbm>>
      tpu.enqueue_dma source(%dma_start3A_49 : memref<80x128xf32, #tpu.memory_space<hbm>>) target(%dma_start3A_47 : memref<80x128xf32, #tpu.memory_space<vmem>>) target_semaphore(%run_scoped3A : memref<!tpu.dma_semaphore, #tpu.memory_space<semaphore_mem>>)
      %dma_wait3A = arith.constant 0 : i32
      %dma_wait3A_50 = arith.constant 0 : i32
      %dma_wait3A_51 = tpu.memref_slice %arg7[%dma_wait3A, %dma_wait3A_50] : memref<160x128xf32, #tpu.memory_space<vmem>> -> memref<80x128xf32, #tpu.memory_space<vmem>>
      %dma_wait3A_52 = arith.constant 0 : i32
      %dma_wait3A_53 = tpu.memref_slice %arg4[%mul3A_32, %dma_wait3A_52] : memref<2560x128xf32, #tpu.memory_space<hbm>> -> memref<80x128xf32, #tpu.memory_space<hbm>>
      %dma_wait3A_54 = arith.constant 0 : i32
      %dma_wait3A_55 = arith.constant 0 : i32
      %dma_wait3A_56 = tpu.memref_slice %arg7[%dma_wait3A_54, %dma_wait3A_55] : memref<160x128xf32, #tpu.memory_space<vmem>> -> memref<80x128xf32, #tpu.memory_space<vmem>>
      %dma_wait3A_57 = arith.constant 0 : i32
      %dma_wait3A_58 = tpu.memref_slice %arg4[%mul3A_32, %dma_wait3A_57] : memref<2560x128xf32, #tpu.memory_space<hbm>> -> memref<80x128xf32, #tpu.memory_space<hbm>>
      tpu.wait_dma2 semaphore(%run_scoped3A : memref<!tpu.dma_semaphore, #tpu.memory_space<semaphore_mem>>) src(%dma_wait3A_58 : memref<80x128xf32, #tpu.memory_space<hbm>>) dst(%dma_wait3A_56 : memref<80x128xf32, #tpu.memory_space<vmem>>)
      tpu.yield
    }) : () -> ()
    %scan3A_33 = arith.constant 0 : i32
    %scan3A_34 = arith.constant 0 : i32
    %scan3A_35 = arith.constant 640 : i32
    %scan3A_36 = arith.addi %scan3A_34, %scan3A_35 : i32
    %scan3A_37 = arith.constant 1 : i32
    scf.for %scan3A_41 = %scan3A_34 to %scan3A_36 step %scan3A_37  : i32 {
      %jit3A = arith.constant 8 : i32
      %div3A = arith.divsi %scan3A_41, %jit3A : i32
      %sign3A = arith.constant 0 : i32
      %sign3A_42 = arith.cmpi sgt, %scan3A_41, %sign3A : i32
      %sign3A_43 = arith.extui %sign3A_42 : i1 to i32
      %sign3A_44 = arith.constant 0 : i32
      %sign3A_45 = arith.cmpi slt, %scan3A_41, %sign3A_44 : i32
      %sign3A_46 = arith.extui %sign3A_45 : i1 to i32
      %sign3A_47 = arith.subi %sign3A_43, %sign3A_46 : i32
      %sign3A_48 = arith.constant 0 : i32
      %sign3A_49 = arith.cmpi sgt, %jit3A, %sign3A_48 : i32
      %sign3A_50 = arith.extui %sign3A_49 : i1 to i32
      %sign3A_51 = arith.constant 0 : i32
      %sign3A_52 = arith.cmpi slt, %jit3A, %sign3A_51 : i32
      %sign3A_53 = arith.extui %sign3A_52 : i1 to i32
      %sign3A_54 = arith.subi %sign3A_50, %sign3A_53 : i32
      %ne3A = arith.cmpi ne, %sign3A_47, %sign3A_54 : i32
      %rem3A = arith.remsi %scan3A_41, %jit3A : i32
      %ne3A_55 = arith.constant 0 : i32
      %ne3A_56 = arith.cmpi ne, %rem3A, %ne3A_55 : i32
      %and3A = arith.andi %ne3A, %ne3A_56 : i1
      %sub3A = arith.constant 1 : i32
      %sub3A_57 = arith.subi %div3A, %sub3A : i32
      %select_n3A = arith.select %and3A, %sub3A_57, %div3A : i32
      %jit3A_58 = arith.constant 8 : i32
      %eq3A = arith.constant 0 : i32
      %eq3A_59 = arith.cmpi eq, %jit3A_58, %eq3A : i32
      %jit3A_60 = arith.constant 1 : i32
      %select_n3A_61 = arith.select %eq3A_59, %jit3A_60, %jit3A_58 : i32
      %rem3A_62 = arith.remsi %scan3A_41, %select_n3A_61 : i32
      %ne3A_63 = arith.constant 0 : i32
      %ne3A_64 = arith.cmpi ne, %rem3A_62, %ne3A_63 : i32
      %lt3A = arith.constant 0 : i32
      %lt3A_65 = arith.cmpi slt, %rem3A_62, %lt3A : i32
      %lt3A_66 = arith.constant 0 : i32
      %lt3A_67 = arith.cmpi slt, %select_n3A_61, %lt3A_66 : i32
      %ne3A_68 = arith.xori %lt3A_65, %lt3A_67 : i1
      %and3A_69 = arith.andi %ne3A_68, %ne3A_64 : i1
      %add3A_70 = arith.addi %rem3A_62, %select_n3A_61 : i32
      %select_n3A_71 = arith.select %and3A_69, %add3A_70, %rem3A_62 : i32
      %mul3A_72 = arith.constant 16 : i32
      %mul3A_73 = arith.muli %select_n3A_71, %mul3A_72 : i32
      %get3A = arith.index_cast %select_n3A : i32 to index
      %get3A_74 = arith.index_cast %mul3A_73 : i32 to index
      %get3A_75 = tpu.vector_load %arg6[%get3A, %get3A_74] {strides = array<i32>} : memref<160x128xi32, #tpu.memory_space<vmem>>, vector<16xi32>,
      %mul3A_76 = arith.constant 16 : i32
      %mul3A_77 = arith.muli %select_n3A_71, %mul3A_76 : i32
      %get3A_78 = arith.index_cast %select_n3A : i32 to index
      %get3A_79 = arith.index_cast %mul3A_77 : i32 to index
      %get3A_80 = tpu.vector_load %arg8[%get3A_78, %get3A_79] {strides = array<i32>} : memref<80x128xi32, #tpu.memory_space<vmem>>, vector<16xi32>,
      %mul3A_81 = arith.constant 16 : i32
      %mul3A_82 = arith.muli %select_n3A_71, %mul3A_81 : i32
      %get3A_83 = arith.index_cast %select_n3A : i32 to index
      %get3A_84 = arith.index_cast %mul3A_82 : i32 to index
      %get3A_85 = tpu.vector_load %arg7[%get3A_83, %get3A_84] {strides = array<i32>} : memref<160x128xf32, #tpu.memory_space<vmem>>, vector<16xf32>,
      %gather3A = tpu.vector_load_idx %arg10[%get3A_75] : memref<10240xf32, #tpu.memory_space<vmem>>[vector<16xi32>], vector<16xf32>,
      %mul3A_86 = arith.mulf %gather3A, %get3A_85 : vector<16xf32>
      %gather3A_87 = tpu.vector_load_idx %arg10[%get3A_80] : memref<10240xf32, #tpu.memory_space<vmem>>[vector<16xi32>], vector<16xf32>,
      %mul3A_88 = arith.mulf %mul3A_86, %gather3A_87 : vector<16xf32>
      %mul3A_89 = arith.constant 16 : i32
      %mul3A_90 = arith.muli %select_n3A_71, %mul3A_89 : i32
      %swap3A = arith.index_cast %select_n3A : i32 to index
      %swap3A_91 = arith.index_cast %mul3A_90 : i32 to index
      %swap3A_92 = tpu.vector_load %arg12[%swap3A, %swap3A_91] {strides = array<i32>} : memref<80x128xf32, #tpu.memory_space<vmem>>, vector<16xf32>,
      tpu.vector_store %arg12[%swap3A, %swap3A_91], %mul3A_88 {strides = array<i32>} : memref<80x128xf32, #tpu.memory_space<vmem>>, vector<16xf32>,
    }
    %scan3A_38 = arith.constant 640 : i32
    %mul3A_39 = arith.constant 80 : i32
    %mul3A_40 = arith.muli %add3A, %mul3A_39 : i32
    "tpu.region"() ({
      %run_scoped3A = tpu.sem_alloc : memref<!tpu.dma_semaphore, #tpu.memory_space<semaphore_mem>>
      %dma_start3A = arith.constant 0 : i32
      %dma_start3A_41 = tpu.memref_slice %arg5[%mul3A_40, %dma_start3A] : memref<2560x128xf32, #tpu.memory_space<hbm>> -> memref<80x128xf32, #tpu.memory_space<hbm>>
      %dma_start3A_42 = arith.constant 0 : i32
      %dma_start3A_43 = tpu.memref_slice %arg5[%mul3A_40, %dma_start3A_42] : memref<2560x128xf32, #tpu.memory_space<hbm>> -> memref<80x128xf32, #tpu.memory_space<hbm>>
      tpu.enqueue_dma source(%arg12 : memref<80x128xf32, #tpu.memory_space<vmem>>) target(%dma_start3A_43 : memref<80x128xf32, #tpu.memory_space<hbm>>) target_semaphore(%run_scoped3A : memref<!tpu.dma_semaphore, #tpu.memory_space<semaphore_mem>>)
      %dma_wait3A = arith.constant 0 : i32
      %dma_wait3A_44 = tpu.memref_slice %arg5[%mul3A_40, %dma_wait3A] : memref<2560x128xf32, #tpu.memory_space<hbm>> -> memref<80x128xf32, #tpu.memory_space<hbm>>
      %dma_wait3A_45 = arith.constant 0 : i32
      %dma_wait3A_46 = tpu.memref_slice %arg5[%mul3A_40, %dma_wait3A_45] : memref<2560x128xf32, #tpu.memory_space<hbm>> -> memref<80x128xf32, #tpu.memory_space<hbm>>
      tpu.wait_dma2 semaphore(%run_scoped3A : memref<!tpu.dma_semaphore, #tpu.memory_space<semaphore_mem>>) src(%arg12 : memref<80x128xf32, #tpu.memory_space<vmem>>) dst(%dma_wait3A_46 : memref<80x128xf32, #tpu.memory_space<hbm>>)
      tpu.yield
    }) : () -> ()
    return
  }
}

#map = affine_map<(d0, d1) -> (0, 0)>
#map1 = affine_map<(d0, d1) -> (0, 0, 0)>
module attributes {stable_mosaic.version = 14 : i64} {
  func.func @_hop_body(%arg0: i32, %arg1: i32, %arg2: memref<10000x128xf32, #tpu.memory_space<hbm>>, %arg3: memref<2560x128xi32, #tpu.memory_space<hbm>>, %arg4: memref<2560x128xi32, #tpu.memory_space<hbm>>, %arg5: memref<2560x128xf32, #tpu.memory_space<hbm>>, %arg6: memref<640x128xf32, #tpu.memory_space<hbm>>, %arg7: memref<2x10000x128xf32, #tpu.memory_space<hbm>>, %arg8: memref<80x128xi32, #tpu.memory_space<vmem>>, %arg9: memref<80x128xi32, #tpu.memory_space<vmem>>, %arg10: memref<80x128xf32, #tpu.memory_space<vmem>>, %arg11: memref<128x128xf32, #tpu.memory_space<vmem>>, %arg12: memref<10000x128xf32, #tpu.memory_space<vmem_shared>>, %arg13: memref<!tpu.dma_semaphore, #tpu.memory_space<semaphore_mem>>) attributes {dimension_semantics = [#tpu.dimension_semantics<core_parallel>, #tpu.dimension_semantics<subcore_parallel>], iteration_bounds = array<i64: 2, 16>, scalar_prefetch = 0 : i64, scratch_operands = 6 : i64, tpu.core_type = #tpu.core_type<sc_vector_subcore>, window_params = [{transform_indices = #map}, {transform_indices = #map}, {transform_indices = #map}, {transform_indices = #map}, {transform_indices = #map}, {transform_indices = #map1}]} {
    %mul3A = arith.constant 2 : i32
    %mul3A_0 = arith.muli %arg1, %mul3A : i32
    %add3A = arith.addi %mul3A_0, %arg0 : i32
    %mul3A_1 = arith.constant 80 : i32
    %mul3A_2 = arith.muli %add3A, %mul3A_1 : i32
    "tpu.region"() ({
      %run_scoped3A = tpu.sem_alloc : memref<!tpu.dma_semaphore, #tpu.memory_space<semaphore_mem>>
      %dma_start3A = arith.constant 0 : i32
      %dma_start3A_26 = tpu.memref_slice %arg3[%mul3A_2, %dma_start3A] : memref<2560x128xi32, #tpu.memory_space<hbm>> -> memref<80x128xi32, #tpu.memory_space<hbm>>
      %dma_start3A_27 = arith.constant 0 : i32
      %dma_start3A_28 = tpu.memref_slice %arg3[%mul3A_2, %dma_start3A_27] : memref<2560x128xi32, #tpu.memory_space<hbm>> -> memref<80x128xi32, #tpu.memory_space<hbm>>
      tpu.enqueue_dma source(%dma_start3A_28 : memref<80x128xi32, #tpu.memory_space<hbm>>) target(%arg8 : memref<80x128xi32, #tpu.memory_space<vmem>>) target_semaphore(%run_scoped3A : memref<!tpu.dma_semaphore, #tpu.memory_space<semaphore_mem>>)
      %dma_wait3A = arith.constant 0 : i32
      %dma_wait3A_29 = tpu.memref_slice %arg3[%mul3A_2, %dma_wait3A] : memref<2560x128xi32, #tpu.memory_space<hbm>> -> memref<80x128xi32, #tpu.memory_space<hbm>>
      %dma_wait3A_30 = arith.constant 0 : i32
      %dma_wait3A_31 = tpu.memref_slice %arg3[%mul3A_2, %dma_wait3A_30] : memref<2560x128xi32, #tpu.memory_space<hbm>> -> memref<80x128xi32, #tpu.memory_space<hbm>>
      tpu.wait_dma2 semaphore(%run_scoped3A : memref<!tpu.dma_semaphore, #tpu.memory_space<semaphore_mem>>) src(%dma_wait3A_31 : memref<80x128xi32, #tpu.memory_space<hbm>>) dst(%arg8 : memref<80x128xi32, #tpu.memory_space<vmem>>)
      tpu.yield
    }) : () -> ()
    %mul3A_3 = arith.constant 80 : i32
    %mul3A_4 = arith.muli %add3A, %mul3A_3 : i32
    "tpu.region"() ({
      %run_scoped3A = tpu.sem_alloc : memref<!tpu.dma_semaphore, #tpu.memory_space<semaphore_mem>>
      %dma_start3A = arith.constant 0 : i32
      %dma_start3A_26 = tpu.memref_slice %arg4[%mul3A_4, %dma_start3A] : memref<2560x128xi32, #tpu.memory_space<hbm>> -> memref<80x128xi32, #tpu.memory_space<hbm>>
      %dma_start3A_27 = arith.constant 0 : i32
      %dma_start3A_28 = tpu.memref_slice %arg4[%mul3A_4, %dma_start3A_27] : memref<2560x128xi32, #tpu.memory_space<hbm>> -> memref<80x128xi32, #tpu.memory_space<hbm>>
      tpu.enqueue_dma source(%dma_start3A_28 : memref<80x128xi32, #tpu.memory_space<hbm>>) target(%arg9 : memref<80x128xi32, #tpu.memory_space<vmem>>) target_semaphore(%run_scoped3A : memref<!tpu.dma_semaphore, #tpu.memory_space<semaphore_mem>>)
      %dma_wait3A = arith.constant 0 : i32
      %dma_wait3A_29 = tpu.memref_slice %arg4[%mul3A_4, %dma_wait3A] : memref<2560x128xi32, #tpu.memory_space<hbm>> -> memref<80x128xi32, #tpu.memory_space<hbm>>
      %dma_wait3A_30 = arith.constant 0 : i32
      %dma_wait3A_31 = tpu.memref_slice %arg4[%mul3A_4, %dma_wait3A_30] : memref<2560x128xi32, #tpu.memory_space<hbm>> -> memref<80x128xi32, #tpu.memory_space<hbm>>
      tpu.wait_dma2 semaphore(%run_scoped3A : memref<!tpu.dma_semaphore, #tpu.memory_space<semaphore_mem>>) src(%dma_wait3A_31 : memref<80x128xi32, #tpu.memory_space<hbm>>) dst(%arg9 : memref<80x128xi32, #tpu.memory_space<vmem>>)
      tpu.yield
    }) : () -> ()
    %mul3A_5 = arith.constant 80 : i32
    %mul3A_6 = arith.muli %add3A, %mul3A_5 : i32
    "tpu.region"() ({
      %run_scoped3A = tpu.sem_alloc : memref<!tpu.dma_semaphore, #tpu.memory_space<semaphore_mem>>
      %dma_start3A = arith.constant 0 : i32
      %dma_start3A_26 = tpu.memref_slice %arg5[%mul3A_6, %dma_start3A] : memref<2560x128xf32, #tpu.memory_space<hbm>> -> memref<80x128xf32, #tpu.memory_space<hbm>>
      %dma_start3A_27 = arith.constant 0 : i32
      %dma_start3A_28 = tpu.memref_slice %arg5[%mul3A_6, %dma_start3A_27] : memref<2560x128xf32, #tpu.memory_space<hbm>> -> memref<80x128xf32, #tpu.memory_space<hbm>>
      tpu.enqueue_dma source(%dma_start3A_28 : memref<80x128xf32, #tpu.memory_space<hbm>>) target(%arg10 : memref<80x128xf32, #tpu.memory_space<vmem>>) target_semaphore(%run_scoped3A : memref<!tpu.dma_semaphore, #tpu.memory_space<semaphore_mem>>)
      %dma_wait3A = arith.constant 0 : i32
      %dma_wait3A_29 = tpu.memref_slice %arg5[%mul3A_6, %dma_wait3A] : memref<2560x128xf32, #tpu.memory_space<hbm>> -> memref<80x128xf32, #tpu.memory_space<hbm>>
      %dma_wait3A_30 = arith.constant 0 : i32
      %dma_wait3A_31 = tpu.memref_slice %arg5[%mul3A_6, %dma_wait3A_30] : memref<2560x128xf32, #tpu.memory_space<hbm>> -> memref<80x128xf32, #tpu.memory_space<hbm>>
      tpu.wait_dma2 semaphore(%run_scoped3A : memref<!tpu.dma_semaphore, #tpu.memory_space<semaphore_mem>>) src(%dma_wait3A_31 : memref<80x128xf32, #tpu.memory_space<hbm>>) dst(%arg10 : memref<80x128xf32, #tpu.memory_space<vmem>>)
      tpu.yield
    }) : () -> ()
    %mul3A_7 = arith.constant 624 : i32
    %mul3A_8 = arith.muli %arg1, %mul3A_7 : i32
    "tpu.region"() ({
      %run_scoped3A = tpu.sem_alloc : memref<!tpu.dma_semaphore, #tpu.memory_space<semaphore_mem>>
      %dma_start3A = arith.constant 0 : i32
      %dma_start3A_26 = tpu.memref_slice %arg12[%mul3A_8, %dma_start3A] : memref<10000x128xf32, #tpu.memory_space<vmem_shared>> -> memref<624x128xf32, #tpu.memory_space<vmem_shared>>
      %dma_start3A_27 = arith.constant 0 : i32
      %dma_start3A_28 = arith.constant 0 : i32
      %dma_start3A_29 = tpu.memref_slice %arg6[%dma_start3A_27, %dma_start3A_28] : memref<640x128xf32, #tpu.memory_space<hbm>> -> memref<624x128xf32, #tpu.memory_space<hbm>>
      tpu.enqueue_dma source(%dma_start3A_29 : memref<624x128xf32, #tpu.memory_space<hbm>>) target(%dma_start3A_26 : memref<624x128xf32, #tpu.memory_space<vmem_shared>>) target_semaphore(%run_scoped3A : memref<!tpu.dma_semaphore, #tpu.memory_space<semaphore_mem>>)
      %dma_wait3A = arith.constant 0 : i32
      %dma_wait3A_30 = tpu.memref_slice %arg12[%mul3A_8, %dma_wait3A] : memref<10000x128xf32, #tpu.memory_space<vmem_shared>> -> memref<624x128xf32, #tpu.memory_space<vmem_shared>>
      %dma_wait3A_31 = arith.constant 0 : i32
      %dma_wait3A_32 = arith.constant 0 : i32
      %dma_wait3A_33 = tpu.memref_slice %arg6[%dma_wait3A_31, %dma_wait3A_32] : memref<640x128xf32, #tpu.memory_space<hbm>> -> memref<624x128xf32, #tpu.memory_space<hbm>>
      tpu.wait_dma2 semaphore(%run_scoped3A : memref<!tpu.dma_semaphore, #tpu.memory_space<semaphore_mem>>) src(%dma_wait3A_33 : memref<624x128xf32, #tpu.memory_space<hbm>>) dst(%dma_wait3A_30 : memref<624x128xf32, #tpu.memory_space<vmem_shared>>)
      tpu.yield
    }) : () -> ()
    %eq3A = arith.constant 15 : i32
    %eq3A_9 = arith.cmpi eq, %arg1, %eq3A : i32
    %convert_element_type3A = arith.extui %eq3A_9 : i1 to i32
    %cond3A = arith.constant 0 : i32
    %cond3A_10 = arith.cmpi ne, %convert_element_type3A, %cond3A : i32
    scf.if %cond3A_10 {
      "tpu.region"() ({
        %run_scoped3A = tpu.sem_alloc : memref<!tpu.dma_semaphore, #tpu.memory_space<semaphore_mem>>
        %dma_start3A = arith.constant 9984 : i32
        %dma_start3A_26 = arith.constant 0 : i32
        %dma_start3A_27 = tpu.memref_slice %arg12[%dma_start3A, %dma_start3A_26] : memref<10000x128xf32, #tpu.memory_space<vmem_shared>> -> memref<16x128xf32, #tpu.memory_space<vmem_shared>>
        %dma_start3A_28 = arith.constant 624 : i32
        %dma_start3A_29 = arith.constant 0 : i32
        %dma_start3A_30 = tpu.memref_slice %arg6[%dma_start3A_28, %dma_start3A_29] : memref<640x128xf32, #tpu.memory_space<hbm>> -> memref<16x128xf32, #tpu.memory_space<hbm>>
        tpu.enqueue_dma source(%dma_start3A_30 : memref<16x128xf32, #tpu.memory_space<hbm>>) target(%dma_start3A_27 : memref<16x128xf32, #tpu.memory_space<vmem_shared>>) target_semaphore(%run_scoped3A : memref<!tpu.dma_semaphore, #tpu.memory_space<semaphore_mem>>)
        %dma_wait3A = arith.constant 9984 : i32
        %dma_wait3A_31 = arith.constant 0 : i32
        %dma_wait3A_32 = tpu.memref_slice %arg12[%dma_wait3A, %dma_wait3A_31] : memref<10000x128xf32, #tpu.memory_space<vmem_shared>> -> memref<16x128xf32, #tpu.memory_space<vmem_shared>>
        %dma_wait3A_33 = arith.constant 624 : i32
        %dma_wait3A_34 = arith.constant 0 : i32
        %dma_wait3A_35 = tpu.memref_slice %arg6[%dma_wait3A_33, %dma_wait3A_34] : memref<640x128xf32, #tpu.memory_space<hbm>> -> memref<16x128xf32, #tpu.memory_space<hbm>>
        tpu.wait_dma2 semaphore(%run_scoped3A : memref<!tpu.dma_semaphore, #tpu.memory_space<semaphore_mem>>) src(%dma_wait3A_35 : memref<16x128xf32, #tpu.memory_space<hbm>>) dst(%dma_wait3A_32 : memref<16x128xf32, #tpu.memory_space<vmem_shared>>)
        tpu.yield
      }) : () -> ()
    } else {
    }
    %barrier3A = arith.constant 0 : index
    tpu.barrier barrier_id(%barrier3A)
    %scan3A = arith.constant 0 : i32
    %scan3A_11 = arith.constant 0 : i32
    %scan3A_12 = arith.constant 80 : i32
    %scan3A_13 = arith.addi %scan3A_11, %scan3A_12 : i32
    %scan3A_14 = arith.constant 1 : i32
    scf.for %scan3A_26 = %scan3A_11 to %scan3A_13 step %scan3A_14  : i32 {
      %dma_start3A = arith.constant 0 : i32
      %dma_start3A_27 = tpu.memref_slice %arg9[%scan3A_26, %dma_start3A] : memref<80x128xi32, #tpu.memory_space<vmem>> -> memref<1x128xi32, #tpu.memory_space<vmem>>
      %dma_start3A_28 = tpu.memref_squeeze %dma_start3A_27 : memref<1x128xi32, #tpu.memory_space<vmem>> -> memref<128xi32, #tpu.memory_space<vmem>>
      %dma_start3A_29 = arith.constant 0 : i32
      %dma_start3A_30 = arith.constant 0 : i32
      %dma_start3A_31 = tpu.memref_slice %arg2[%dma_start3A_29, %dma_start3A_30] : memref<10000x128xf32, #tpu.memory_space<hbm>> -> memref<10000x128xf32, #tpu.memory_space<hbm>>
      tpu.enqueue_indirect_dma source(%dma_start3A_31 : memref<10000x128xf32, #tpu.memory_space<hbm>>) target(%arg11 : memref<128x128xf32, #tpu.memory_space<vmem>>) offsets(%dma_start3A_28 : memref<128xi32, #tpu.memory_space<vmem>>) semaphore(%arg13 : memref<!tpu.dma_semaphore, #tpu.memory_space<semaphore_mem>>)
      %dma_wait3A = arith.constant 0 : i32
      %dma_wait3A_32 = tpu.memref_slice %arg9[%scan3A_26, %dma_wait3A] : memref<80x128xi32, #tpu.memory_space<vmem>> -> memref<1x128xi32, #tpu.memory_space<vmem>>
      %dma_wait3A_33 = tpu.memref_squeeze %dma_wait3A_32 : memref<1x128xi32, #tpu.memory_space<vmem>> -> memref<128xi32, #tpu.memory_space<vmem>>
      %dma_wait3A_34 = arith.constant 0 : i32
      %dma_wait3A_35 = arith.constant 0 : i32
      %dma_wait3A_36 = tpu.memref_slice %arg2[%dma_wait3A_34, %dma_wait3A_35] : memref<10000x128xf32, #tpu.memory_space<hbm>> -> memref<10000x128xf32, #tpu.memory_space<hbm>>
      tpu.wait_indirect_dma semaphore(%arg13 : memref<!tpu.dma_semaphore, #tpu.memory_space<semaphore_mem>>) src(%dma_wait3A_36 : memref<10000x128xf32, #tpu.memory_space<hbm>>) dst(%arg11 : memref<128x128xf32, #tpu.memory_space<vmem>>)
      %scan3A_37 = arith.constant 0 : i32
      %scan3A_38 = arith.constant 0 : i32
      %scan3A_39 = arith.constant 128 : i32
      %scan3A_40 = arith.addi %scan3A_38, %scan3A_39 : i32
      %scan3A_41 = arith.constant 1 : i32
      scf.for %scan3A_43 = %scan3A_38 to %scan3A_40 step %scan3A_41  : i32 {
        %broadcast_in_dim3A = vector.broadcast %scan3A_26 : i32 to vector<16xi32>
        %broadcast_in_dim3A_44 = vector.broadcast %scan3A_43 : i32 to vector<16xi32>
        %gather3A = tpu.vector_load_idx %arg10[%broadcast_in_dim3A, %broadcast_in_dim3A_44] : memref<80x128xf32, #tpu.memory_space<vmem>>[vector<16xi32>, vector<16xi32>], vector<16xf32>,
        %get3A = arith.index_cast %scan3A_43 : i32 to index
        %get3A_45 = arith.constant 0 : index
        %get3A_46 = tpu.vector_load %arg11[%get3A, %get3A_45] {strides = array<i32>} : memref<128x128xf32, #tpu.memory_space<vmem>>, vector<16xf32>,
        %mul3A_47 = arith.mulf %get3A_46, %gather3A : vector<16xf32>
        %swap3A = arith.index_cast %scan3A_43 : i32 to index
        %swap3A_48 = arith.constant 0 : index
        %swap3A_49 = tpu.vector_load %arg11[%swap3A, %swap3A_48] {strides = array<i32>} : memref<128x128xf32, #tpu.memory_space<vmem>>, vector<16xf32>,
        tpu.vector_store %arg11[%swap3A, %swap3A_48], %mul3A_47 {strides = array<i32>} : memref<128x128xf32, #tpu.memory_space<vmem>>, vector<16xf32>,
        %get3A_50 = arith.index_cast %scan3A_43 : i32 to index
        %get3A_51 = arith.constant 16 : index
        %get3A_52 = tpu.vector_load %arg11[%get3A_50, %get3A_51] {strides = array<i32>} : memref<128x128xf32, #tpu.memory_space<vmem>>, vector<16xf32>,
        %mul3A_53 = arith.mulf %get3A_52, %gather3A : vector<16xf32>
        %swap3A_54 = arith.index_cast %scan3A_43 : i32 to index
        %swap3A_55 = arith.constant 16 : index
        %swap3A_56 = tpu.vector_load %arg11[%swap3A_54, %swap3A_55] {strides = array<i32>} : memref<128x128xf32, #tpu.memory_space<vmem>>, vector<16xf32>,
        tpu.vector_store %arg11[%swap3A_54, %swap3A_55], %mul3A_53 {strides = array<i32>} : memref<128x128xf32, #tpu.memory_space<vmem>>, vector<16xf32>,
        %get3A_57 = arith.index_cast %scan3A_43 : i32 to index
        %get3A_58 = arith.constant 32 : index
        %get3A_59 = tpu.vector_load %arg11[%get3A_57, %get3A_58] {strides = array<i32>} : memref<128x128xf32, #tpu.memory_space<vmem>>, vector<16xf32>,
        %mul3A_60 = arith.mulf %get3A_59, %gather3A : vector<16xf32>
        %swap3A_61 = arith.index_cast %scan3A_43 : i32 to index
        %swap3A_62 = arith.constant 32 : index
        %swap3A_63 = tpu.vector_load %arg11[%swap3A_61, %swap3A_62] {strides = array<i32>} : memref<128x128xf32, #tpu.memory_space<vmem>>, vector<16xf32>,
        tpu.vector_store %arg11[%swap3A_61, %swap3A_62], %mul3A_60 {strides = array<i32>} : memref<128x128xf32, #tpu.memory_space<vmem>>, vector<16xf32>,
        %get3A_64 = arith.index_cast %scan3A_43 : i32 to index
        %get3A_65 = arith.constant 48 : index
        %get3A_66 = tpu.vector_load %arg11[%get3A_64, %get3A_65] {strides = array<i32>} : memref<128x128xf32, #tpu.memory_space<vmem>>, vector<16xf32>,
        %mul3A_67 = arith.mulf %get3A_66, %gather3A : vector<16xf32>
        %swap3A_68 = arith.index_cast %scan3A_43 : i32 to index
        %swap3A_69 = arith.constant 48 : index
        %swap3A_70 = tpu.vector_load %arg11[%swap3A_68, %swap3A_69] {strides = array<i32>} : memref<128x128xf32, #tpu.memory_space<vmem>>, vector<16xf32>,
        tpu.vector_store %arg11[%swap3A_68, %swap3A_69], %mul3A_67 {strides = array<i32>} : memref<128x128xf32, #tpu.memory_space<vmem>>, vector<16xf32>,
        %get3A_71 = arith.index_cast %scan3A_43 : i32 to index
        %get3A_72 = arith.constant 64 : index
        %get3A_73 = tpu.vector_load %arg11[%get3A_71, %get3A_72] {strides = array<i32>} : memref<128x128xf32, #tpu.memory_space<vmem>>, vector<16xf32>,
        %mul3A_74 = arith.mulf %get3A_73, %gather3A : vector<16xf32>
        %swap3A_75 = arith.index_cast %scan3A_43 : i32 to index
        %swap3A_76 = arith.constant 64 : index
        %swap3A_77 = tpu.vector_load %arg11[%swap3A_75, %swap3A_76] {strides = array<i32>} : memref<128x128xf32, #tpu.memory_space<vmem>>, vector<16xf32>,
        tpu.vector_store %arg11[%swap3A_75, %swap3A_76], %mul3A_74 {strides = array<i32>} : memref<128x128xf32, #tpu.memory_space<vmem>>, vector<16xf32>,
        %get3A_78 = arith.index_cast %scan3A_43 : i32 to index
        %get3A_79 = arith.constant 80 : index
        %get3A_80 = tpu.vector_load %arg11[%get3A_78, %get3A_79] {strides = array<i32>} : memref<128x128xf32, #tpu.memory_space<vmem>>, vector<16xf32>,
        %mul3A_81 = arith.mulf %get3A_80, %gather3A : vector<16xf32>
        %swap3A_82 = arith.index_cast %scan3A_43 : i32 to index
        %swap3A_83 = arith.constant 80 : index
        %swap3A_84 = tpu.vector_load %arg11[%swap3A_82, %swap3A_83] {strides = array<i32>} : memref<128x128xf32, #tpu.memory_space<vmem>>, vector<16xf32>,
        tpu.vector_store %arg11[%swap3A_82, %swap3A_83], %mul3A_81 {strides = array<i32>} : memref<128x128xf32, #tpu.memory_space<vmem>>, vector<16xf32>,
        %get3A_85 = arith.index_cast %scan3A_43 : i32 to index
        %get3A_86 = arith.constant 96 : index
        %get3A_87 = tpu.vector_load %arg11[%get3A_85, %get3A_86] {strides = array<i32>} : memref<128x128xf32, #tpu.memory_space<vmem>>, vector<16xf32>,
        %mul3A_88 = arith.mulf %get3A_87, %gather3A : vector<16xf32>
        %swap3A_89 = arith.index_cast %scan3A_43 : i32 to index
        %swap3A_90 = arith.constant 96 : index
        %swap3A_91 = tpu.vector_load %arg11[%swap3A_89, %swap3A_90] {strides = array<i32>} : memref<128x128xf32, #tpu.memory_space<vmem>>, vector<16xf32>,
        tpu.vector_store %arg11[%swap3A_89, %swap3A_90], %mul3A_88 {strides = array<i32>} : memref<128x128xf32, #tpu.memory_space<vmem>>, vector<16xf32>,
        %get3A_92 = arith.index_cast %scan3A_43 : i32 to index
        %get3A_93 = arith.constant 112 : index
        %get3A_94 = tpu.vector_load %arg11[%get3A_92, %get3A_93] {strides = array<i32>} : memref<128x128xf32, #tpu.memory_space<vmem>>, vector<16xf32>,
        %mul3A_95 = arith.mulf %get3A_94, %gather3A : vector<16xf32>
        %swap3A_96 = arith.index_cast %scan3A_43 : i32 to index
        %swap3A_97 = arith.constant 112 : index
        %swap3A_98 = tpu.vector_load %arg11[%swap3A_96, %swap3A_97] {strides = array<i32>} : memref<128x128xf32, #tpu.memory_space<vmem>>, vector<16xf32>,
        tpu.vector_store %arg11[%swap3A_96, %swap3A_97], %mul3A_95 {strides = array<i32>} : memref<128x128xf32, #tpu.memory_space<vmem>>, vector<16xf32>,
      }
      %scan3A_42 = arith.constant 128 : i32
      "tpu.region"() ({
        %run_scoped3A = tpu.sem_alloc : memref<!tpu.dma_semaphore, #tpu.memory_space<semaphore_mem>>
        %dma_start3A_43 = arith.constant 0 : i32
        %dma_start3A_44 = tpu.memref_slice %arg8[%scan3A_26, %dma_start3A_43] : memref<80x128xi32, #tpu.memory_space<vmem>> -> memref<1x128xi32, #tpu.memory_space<vmem>>
        %dma_start3A_45 = tpu.memref_squeeze %dma_start3A_44 : memref<1x128xi32, #tpu.memory_space<vmem>> -> memref<128xi32, #tpu.memory_space<vmem>>
        %dma_start3A_46 = arith.constant 0 : i32
        %dma_start3A_47 = arith.constant 0 : i32
        %dma_start3A_48 = tpu.memref_slice %arg12[%dma_start3A_46, %dma_start3A_47] : memref<10000x128xf32, #tpu.memory_space<vmem_shared>> -> memref<10000x128xf32, #tpu.memory_space<vmem_shared>>
        tpu.enqueue_indirect_dma source(%arg11 : memref<128x128xf32, #tpu.memory_space<vmem>>) target(%dma_start3A_48 : memref<10000x128xf32, #tpu.memory_space<vmem_shared>>) offsets(%dma_start3A_45 : memref<128xi32, #tpu.memory_space<vmem>>) semaphore(%run_scoped3A : memref<!tpu.dma_semaphore, #tpu.memory_space<semaphore_mem>>) {add = true}
        %dma_wait3A_49 = arith.constant 0 : i32
        %dma_wait3A_50 = tpu.memref_slice %arg8[%scan3A_26, %dma_wait3A_49] : memref<80x128xi32, #tpu.memory_space<vmem>> -> memref<1x128xi32, #tpu.memory_space<vmem>>
        %dma_wait3A_51 = tpu.memref_squeeze %dma_wait3A_50 : memref<1x128xi32, #tpu.memory_space<vmem>> -> memref<128xi32, #tpu.memory_space<vmem>>
        %dma_wait3A_52 = arith.constant 0 : i32
        %dma_wait3A_53 = arith.constant 0 : i32
        %dma_wait3A_54 = tpu.memref_slice %arg12[%dma_wait3A_52, %dma_wait3A_53] : memref<10000x128xf32, #tpu.memory_space<vmem_shared>> -> memref<10000x128xf32, #tpu.memory_space<vmem_shared>>
        tpu.wait_indirect_dma semaphore(%run_scoped3A : memref<!tpu.dma_semaphore, #tpu.memory_space<semaphore_mem>>) src(%arg11 : memref<128x128xf32, #tpu.memory_space<vmem>>) dst(%dma_wait3A_54 : memref<10000x128xf32, #tpu.memory_space<vmem_shared>>)
        tpu.yield
      }) : () -> ()
    }
    %scan3A_15 = arith.constant 80 : i32
    %barrier3A_16 = arith.constant 0 : index
    tpu.barrier barrier_id(%barrier3A_16)
    %mul3A_17 = arith.constant 624 : i32
    %mul3A_18 = arith.muli %arg1, %mul3A_17 : i32
    %mul3A_19 = arith.constant 624 : i32
    %mul3A_20 = arith.muli %arg1, %mul3A_19 : i32
    "tpu.region"() ({
      %run_scoped3A = tpu.sem_alloc : memref<!tpu.dma_semaphore, #tpu.memory_space<semaphore_mem>>
      %dma_start3A = arith.constant 0 : i32
      %dma_start3A_26 = tpu.memref_slice %arg7[%arg0, %mul3A_20, %dma_start3A] : memref<2x10000x128xf32, #tpu.memory_space<hbm>> -> memref<1x624x128xf32, #tpu.memory_space<hbm>>
      %dma_start3A_27 = tpu.memref_squeeze %dma_start3A_26 : memref<1x624x128xf32, #tpu.memory_space<hbm>> -> memref<624x128xf32, #tpu.memory_space<hbm>>
      %dma_start3A_28 = arith.constant 0 : i32
      %dma_start3A_29 = tpu.memref_slice %arg12[%mul3A_18, %dma_start3A_28] : memref<10000x128xf32, #tpu.memory_space<vmem_shared>> -> memref<624x128xf32, #tpu.memory_space<vmem_shared>>
      tpu.enqueue_dma source(%dma_start3A_29 : memref<624x128xf32, #tpu.memory_space<vmem_shared>>) target(%dma_start3A_27 : memref<624x128xf32, #tpu.memory_space<hbm>>) target_semaphore(%run_scoped3A : memref<!tpu.dma_semaphore, #tpu.memory_space<semaphore_mem>>)
      %dma_wait3A = arith.constant 0 : i32
      %dma_wait3A_30 = tpu.memref_slice %arg7[%arg0, %mul3A_20, %dma_wait3A] : memref<2x10000x128xf32, #tpu.memory_space<hbm>> -> memref<1x624x128xf32, #tpu.memory_space<hbm>>
      %dma_wait3A_31 = tpu.memref_squeeze %dma_wait3A_30 : memref<1x624x128xf32, #tpu.memory_space<hbm>> -> memref<624x128xf32, #tpu.memory_space<hbm>>
      %dma_wait3A_32 = arith.constant 0 : i32
      %dma_wait3A_33 = tpu.memref_slice %arg12[%mul3A_18, %dma_wait3A_32] : memref<10000x128xf32, #tpu.memory_space<vmem_shared>> -> memref<624x128xf32, #tpu.memory_space<vmem_shared>>
      tpu.wait_dma2 semaphore(%run_scoped3A : memref<!tpu.dma_semaphore, #tpu.memory_space<semaphore_mem>>) src(%dma_wait3A_33 : memref<624x128xf32, #tpu.memory_space<vmem_shared>>) dst(%dma_wait3A_31 : memref<624x128xf32, #tpu.memory_space<hbm>>)
      tpu.yield
    }) : () -> ()
    %eq3A_21 = arith.constant 15 : i32
    %eq3A_22 = arith.cmpi eq, %arg1, %eq3A_21 : i32
    %convert_element_type3A_23 = arith.extui %eq3A_22 : i1 to i32
    %cond3A_24 = arith.constant 0 : i32
    %cond3A_25 = arith.cmpi ne, %convert_element_type3A_23, %cond3A_24 : i32
    scf.if %cond3A_25 {
      "tpu.region"() ({
        %run_scoped3A = tpu.sem_alloc : memref<!tpu.dma_semaphore, #tpu.memory_space<semaphore_mem>>
        %dma_start3A = arith.constant 9984 : i32
        %dma_start3A_26 = arith.constant 0 : i32
        %dma_start3A_27 = tpu.memref_slice %arg7[%arg0, %dma_start3A, %dma_start3A_26] : memref<2x10000x128xf32, #tpu.memory_space<hbm>> -> memref<1x16x128xf32, #tpu.memory_space<hbm>>
        %dma_start3A_28 = tpu.memref_squeeze %dma_start3A_27 : memref<1x16x128xf32, #tpu.memory_space<hbm>> -> memref<16x128xf32, #tpu.memory_space<hbm>>
        %dma_start3A_29 = arith.constant 9984 : i32
        %dma_start3A_30 = arith.constant 0 : i32
        %dma_start3A_31 = tpu.memref_slice %arg12[%dma_start3A_29, %dma_start3A_30] : memref<10000x128xf32, #tpu.memory_space<vmem_shared>> -> memref<16x128xf32, #tpu.memory_space<vmem_shared>>
        tpu.enqueue_dma source(%dma_start3A_31 : memref<16x128xf32, #tpu.memory_space<vmem_shared>>) target(%dma_start3A_28 : memref<16x128xf32, #tpu.memory_space<hbm>>) target_semaphore(%run_scoped3A : memref<!tpu.dma_semaphore, #tpu.memory_space<semaphore_mem>>)
        %dma_wait3A = arith.constant 9984 : i32
        %dma_wait3A_32 = arith.constant 0 : i32
        %dma_wait3A_33 = tpu.memref_slice %arg7[%arg0, %dma_wait3A, %dma_wait3A_32] : memref<2x10000x128xf32, #tpu.memory_space<hbm>> -> memref<1x16x128xf32, #tpu.memory_space<hbm>>
        %dma_wait3A_34 = tpu.memref_squeeze %dma_wait3A_33 : memref<1x16x128xf32, #tpu.memory_space<hbm>> -> memref<16x128xf32, #tpu.memory_space<hbm>>
        %dma_wait3A_35 = arith.constant 9984 : i32
        %dma_wait3A_36 = arith.constant 0 : i32
        %dma_wait3A_37 = tpu.memref_slice %arg12[%dma_wait3A_35, %dma_wait3A_36] : memref<10000x128xf32, #tpu.memory_space<vmem_shared>> -> memref<16x128xf32, #tpu.memory_space<vmem_shared>>
        tpu.wait_dma2 semaphore(%run_scoped3A : memref<!tpu.dma_semaphore, #tpu.memory_space<semaphore_mem>>) src(%dma_wait3A_37 : memref<16x128xf32, #tpu.memory_space<vmem_shared>>) dst(%dma_wait3A_34 : memref<16x128xf32, #tpu.memory_space<hbm>>)
        tpu.yield
      }) : () -> ()
    } else {
    }
    return
  }
}

#map = affine_map<(d0, d1) -> (0, 0)>
#map1 = affine_map<(d0, d1) -> (0, 0, 0)>
module attributes {stable_mosaic.version = 14 : i64} {
  func.func @_hop_body(%arg0: i32, %arg1: i32, %arg2: memref<10000x128xf32, #tpu.memory_space<hbm>>, %arg3: memref<2560x128xi32, #tpu.memory_space<hbm>>, %arg4: memref<2560x128xi32, #tpu.memory_space<hbm>>, %arg5: memref<2560x128xf32, #tpu.memory_space<hbm>>, %arg6: memref<640x128xf32, #tpu.memory_space<hbm>>, %arg7: memref<2x10000x128xf32, #tpu.memory_space<hbm>>, %arg8: memref<80x128xi32, #tpu.memory_space<vmem>>, %arg9: memref<80x128xi32, #tpu.memory_space<vmem>>, %arg10: memref<80x128xf32, #tpu.memory_space<vmem>>, %arg11: memref<128x128xf32, #tpu.memory_space<vmem>>, %arg12: memref<10000x128xf32, #tpu.memory_space<vmem_shared>>, %arg13: memref<!tpu.dma_semaphore, #tpu.memory_space<semaphore_mem>>) attributes {dimension_semantics = [#tpu.dimension_semantics<core_parallel>, #tpu.dimension_semantics<subcore_parallel>], iteration_bounds = array<i64: 2, 16>, scalar_prefetch = 0 : i64, scratch_operands = 6 : i64, tpu.core_type = #tpu.core_type<sc_vector_subcore>, window_params = [{transform_indices = #map}, {transform_indices = #map}, {transform_indices = #map}, {transform_indices = #map}, {transform_indices = #map}, {transform_indices = #map1}]} {
    %mul3A = arith.constant 2 : i32
    %mul3A_0 = arith.muli %arg1, %mul3A : i32
    %add3A = arith.addi %mul3A_0, %arg0 : i32
    %mul3A_1 = arith.constant 80 : i32
    %mul3A_2 = arith.muli %add3A, %mul3A_1 : i32
    "tpu.region"() ({
      %run_scoped3A = tpu.sem_alloc : memref<!tpu.dma_semaphore, #tpu.memory_space<semaphore_mem>>
      %dma_start3A = arith.constant 0 : i32
      %dma_start3A_26 = tpu.memref_slice %arg3[%mul3A_2, %dma_start3A] : memref<2560x128xi32, #tpu.memory_space<hbm>> -> memref<80x128xi32, #tpu.memory_space<hbm>>
      %dma_start3A_27 = arith.constant 0 : i32
      %dma_start3A_28 = tpu.memref_slice %arg3[%mul3A_2, %dma_start3A_27] : memref<2560x128xi32, #tpu.memory_space<hbm>> -> memref<80x128xi32, #tpu.memory_space<hbm>>
      tpu.enqueue_dma source(%dma_start3A_28 : memref<80x128xi32, #tpu.memory_space<hbm>>) target(%arg8 : memref<80x128xi32, #tpu.memory_space<vmem>>) target_semaphore(%run_scoped3A : memref<!tpu.dma_semaphore, #tpu.memory_space<semaphore_mem>>)
      %dma_wait3A = arith.constant 0 : i32
      %dma_wait3A_29 = tpu.memref_slice %arg3[%mul3A_2, %dma_wait3A] : memref<2560x128xi32, #tpu.memory_space<hbm>> -> memref<80x128xi32, #tpu.memory_space<hbm>>
      %dma_wait3A_30 = arith.constant 0 : i32
      %dma_wait3A_31 = tpu.memref_slice %arg3[%mul3A_2, %dma_wait3A_30] : memref<2560x128xi32, #tpu.memory_space<hbm>> -> memref<80x128xi32, #tpu.memory_space<hbm>>
      tpu.wait_dma2 semaphore(%run_scoped3A : memref<!tpu.dma_semaphore, #tpu.memory_space<semaphore_mem>>) src(%dma_wait3A_31 : memref<80x128xi32, #tpu.memory_space<hbm>>) dst(%arg8 : memref<80x128xi32, #tpu.memory_space<vmem>>)
      tpu.yield
    }) : () -> ()
    %mul3A_3 = arith.constant 80 : i32
    %mul3A_4 = arith.muli %add3A, %mul3A_3 : i32
    "tpu.region"() ({
      %run_scoped3A = tpu.sem_alloc : memref<!tpu.dma_semaphore, #tpu.memory_space<semaphore_mem>>
      %dma_start3A = arith.constant 0 : i32
      %dma_start3A_26 = tpu.memref_slice %arg4[%mul3A_4, %dma_start3A] : memref<2560x128xi32, #tpu.memory_space<hbm>> -> memref<80x128xi32, #tpu.memory_space<hbm>>
      %dma_start3A_27 = arith.constant 0 : i32
      %dma_start3A_28 = tpu.memref_slice %arg4[%mul3A_4, %dma_start3A_27] : memref<2560x128xi32, #tpu.memory_space<hbm>> -> memref<80x128xi32, #tpu.memory_space<hbm>>
      tpu.enqueue_dma source(%dma_start3A_28 : memref<80x128xi32, #tpu.memory_space<hbm>>) target(%arg9 : memref<80x128xi32, #tpu.memory_space<vmem>>) target_semaphore(%run_scoped3A : memref<!tpu.dma_semaphore, #tpu.memory_space<semaphore_mem>>)
      %dma_wait3A = arith.constant 0 : i32
      %dma_wait3A_29 = tpu.memref_slice %arg4[%mul3A_4, %dma_wait3A] : memref<2560x128xi32, #tpu.memory_space<hbm>> -> memref<80x128xi32, #tpu.memory_space<hbm>>
      %dma_wait3A_30 = arith.constant 0 : i32
      %dma_wait3A_31 = tpu.memref_slice %arg4[%mul3A_4, %dma_wait3A_30] : memref<2560x128xi32, #tpu.memory_space<hbm>> -> memref<80x128xi32, #tpu.memory_space<hbm>>
      tpu.wait_dma2 semaphore(%run_scoped3A : memref<!tpu.dma_semaphore, #tpu.memory_space<semaphore_mem>>) src(%dma_wait3A_31 : memref<80x128xi32, #tpu.memory_space<hbm>>) dst(%arg9 : memref<80x128xi32, #tpu.memory_space<vmem>>)
      tpu.yield
    }) : () -> ()
    %mul3A_5 = arith.constant 80 : i32
    %mul3A_6 = arith.muli %add3A, %mul3A_5 : i32
    "tpu.region"() ({
      %run_scoped3A = tpu.sem_alloc : memref<!tpu.dma_semaphore, #tpu.memory_space<semaphore_mem>>
      %dma_start3A = arith.constant 0 : i32
      %dma_start3A_26 = tpu.memref_slice %arg5[%mul3A_6, %dma_start3A] : memref<2560x128xf32, #tpu.memory_space<hbm>> -> memref<80x128xf32, #tpu.memory_space<hbm>>
      %dma_start3A_27 = arith.constant 0 : i32
      %dma_start3A_28 = tpu.memref_slice %arg5[%mul3A_6, %dma_start3A_27] : memref<2560x128xf32, #tpu.memory_space<hbm>> -> memref<80x128xf32, #tpu.memory_space<hbm>>
      tpu.enqueue_dma source(%dma_start3A_28 : memref<80x128xf32, #tpu.memory_space<hbm>>) target(%arg10 : memref<80x128xf32, #tpu.memory_space<vmem>>) target_semaphore(%run_scoped3A : memref<!tpu.dma_semaphore, #tpu.memory_space<semaphore_mem>>)
      %dma_wait3A = arith.constant 0 : i32
      %dma_wait3A_29 = tpu.memref_slice %arg5[%mul3A_6, %dma_wait3A] : memref<2560x128xf32, #tpu.memory_space<hbm>> -> memref<80x128xf32, #tpu.memory_space<hbm>>
      %dma_wait3A_30 = arith.constant 0 : i32
      %dma_wait3A_31 = tpu.memref_slice %arg5[%mul3A_6, %dma_wait3A_30] : memref<2560x128xf32, #tpu.memory_space<hbm>> -> memref<80x128xf32, #tpu.memory_space<hbm>>
      tpu.wait_dma2 semaphore(%run_scoped3A : memref<!tpu.dma_semaphore, #tpu.memory_space<semaphore_mem>>) src(%dma_wait3A_31 : memref<80x128xf32, #tpu.memory_space<hbm>>) dst(%arg10 : memref<80x128xf32, #tpu.memory_space<vmem>>)
      tpu.yield
    }) : () -> ()
    %mul3A_7 = arith.constant 624 : i32
    %mul3A_8 = arith.muli %arg1, %mul3A_7 : i32
    "tpu.region"() ({
      %run_scoped3A = tpu.sem_alloc : memref<!tpu.dma_semaphore, #tpu.memory_space<semaphore_mem>>
      %dma_start3A = arith.constant 0 : i32
      %dma_start3A_26 = tpu.memref_slice %arg12[%mul3A_8, %dma_start3A] : memref<10000x128xf32, #tpu.memory_space<vmem_shared>> -> memref<624x128xf32, #tpu.memory_space<vmem_shared>>
      %dma_start3A_27 = arith.constant 0 : i32
      %dma_start3A_28 = arith.constant 0 : i32
      %dma_start3A_29 = tpu.memref_slice %arg6[%dma_start3A_27, %dma_start3A_28] : memref<640x128xf32, #tpu.memory_space<hbm>> -> memref<624x128xf32, #tpu.memory_space<hbm>>
      tpu.enqueue_dma source(%dma_start3A_29 : memref<624x128xf32, #tpu.memory_space<hbm>>) target(%dma_start3A_26 : memref<624x128xf32, #tpu.memory_space<vmem_shared>>) target_semaphore(%run_scoped3A : memref<!tpu.dma_semaphore, #tpu.memory_space<semaphore_mem>>)
      %dma_wait3A = arith.constant 0 : i32
      %dma_wait3A_30 = tpu.memref_slice %arg12[%mul3A_8, %dma_wait3A] : memref<10000x128xf32, #tpu.memory_space<vmem_shared>> -> memref<624x128xf32, #tpu.memory_space<vmem_shared>>
      %dma_wait3A_31 = arith.constant 0 : i32
      %dma_wait3A_32 = arith.constant 0 : i32
      %dma_wait3A_33 = tpu.memref_slice %arg6[%dma_wait3A_31, %dma_wait3A_32] : memref<640x128xf32, #tpu.memory_space<hbm>> -> memref<624x128xf32, #tpu.memory_space<hbm>>
      tpu.wait_dma2 semaphore(%run_scoped3A : memref<!tpu.dma_semaphore, #tpu.memory_space<semaphore_mem>>) src(%dma_wait3A_33 : memref<624x128xf32, #tpu.memory_space<hbm>>) dst(%dma_wait3A_30 : memref<624x128xf32, #tpu.memory_space<vmem_shared>>)
      tpu.yield
    }) : () -> ()
    %eq3A = arith.constant 15 : i32
    %eq3A_9 = arith.cmpi eq, %arg1, %eq3A : i32
    %convert_element_type3A = arith.extui %eq3A_9 : i1 to i32
    %cond3A = arith.constant 0 : i32
    %cond3A_10 = arith.cmpi ne, %convert_element_type3A, %cond3A : i32
    scf.if %cond3A_10 {
      "tpu.region"() ({
        %run_scoped3A = tpu.sem_alloc : memref<!tpu.dma_semaphore, #tpu.memory_space<semaphore_mem>>
        %dma_start3A = arith.constant 9984 : i32
        %dma_start3A_26 = arith.constant 0 : i32
        %dma_start3A_27 = tpu.memref_slice %arg12[%dma_start3A, %dma_start3A_26] : memref<10000x128xf32, #tpu.memory_space<vmem_shared>> -> memref<16x128xf32, #tpu.memory_space<vmem_shared>>
        %dma_start3A_28 = arith.constant 624 : i32
        %dma_start3A_29 = arith.constant 0 : i32
        %dma_start3A_30 = tpu.memref_slice %arg6[%dma_start3A_28, %dma_start3A_29] : memref<640x128xf32, #tpu.memory_space<hbm>> -> memref<16x128xf32, #tpu.memory_space<hbm>>
        tpu.enqueue_dma source(%dma_start3A_30 : memref<16x128xf32, #tpu.memory_space<hbm>>) target(%dma_start3A_27 : memref<16x128xf32, #tpu.memory_space<vmem_shared>>) target_semaphore(%run_scoped3A : memref<!tpu.dma_semaphore, #tpu.memory_space<semaphore_mem>>)
        %dma_wait3A = arith.constant 9984 : i32
        %dma_wait3A_31 = arith.constant 0 : i32
        %dma_wait3A_32 = tpu.memref_slice %arg12[%dma_wait3A, %dma_wait3A_31] : memref<10000x128xf32, #tpu.memory_space<vmem_shared>> -> memref<16x128xf32, #tpu.memory_space<vmem_shared>>
        %dma_wait3A_33 = arith.constant 624 : i32
        %dma_wait3A_34 = arith.constant 0 : i32
        %dma_wait3A_35 = tpu.memref_slice %arg6[%dma_wait3A_33, %dma_wait3A_34] : memref<640x128xf32, #tpu.memory_space<hbm>> -> memref<16x128xf32, #tpu.memory_space<hbm>>
        tpu.wait_dma2 semaphore(%run_scoped3A : memref<!tpu.dma_semaphore, #tpu.memory_space<semaphore_mem>>) src(%dma_wait3A_35 : memref<16x128xf32, #tpu.memory_space<hbm>>) dst(%dma_wait3A_32 : memref<16x128xf32, #tpu.memory_space<vmem_shared>>)
        tpu.yield
      }) : () -> ()
    } else {
    }
    %barrier3A = arith.constant 0 : index
    tpu.barrier barrier_id(%barrier3A)
    %scan3A = arith.constant 0 : i32
    %scan3A_11 = arith.constant 0 : i32
    %scan3A_12 = arith.constant 80 : i32
    %scan3A_13 = arith.addi %scan3A_11, %scan3A_12 : i32
    %scan3A_14 = arith.constant 1 : i32
    scf.for %scan3A_26 = %scan3A_11 to %scan3A_13 step %scan3A_14  : i32 {
      %dma_start3A = arith.constant 0 : i32
      %dma_start3A_27 = tpu.memref_slice %arg9[%scan3A_26, %dma_start3A] : memref<80x128xi32, #tpu.memory_space<vmem>> -> memref<1x128xi32, #tpu.memory_space<vmem>>
      %dma_start3A_28 = tpu.memref_squeeze %dma_start3A_27 : memref<1x128xi32, #tpu.memory_space<vmem>> -> memref<128xi32, #tpu.memory_space<vmem>>
      %dma_start3A_29 = arith.constant 0 : i32
      %dma_start3A_30 = arith.constant 0 : i32
      %dma_start3A_31 = tpu.memref_slice %arg2[%dma_start3A_29, %dma_start3A_30] : memref<10000x128xf32, #tpu.memory_space<hbm>> -> memref<10000x128xf32, #tpu.memory_space<hbm>>
      tpu.enqueue_indirect_dma source(%dma_start3A_31 : memref<10000x128xf32, #tpu.memory_space<hbm>>) target(%arg11 : memref<128x128xf32, #tpu.memory_space<vmem>>) offsets(%dma_start3A_28 : memref<128xi32, #tpu.memory_space<vmem>>) semaphore(%arg13 : memref<!tpu.dma_semaphore, #tpu.memory_space<semaphore_mem>>)
      %dma_wait3A = arith.constant 0 : i32
      %dma_wait3A_32 = tpu.memref_slice %arg9[%scan3A_26, %dma_wait3A] : memref<80x128xi32, #tpu.memory_space<vmem>> -> memref<1x128xi32, #tpu.memory_space<vmem>>
      %dma_wait3A_33 = tpu.memref_squeeze %dma_wait3A_32 : memref<1x128xi32, #tpu.memory_space<vmem>> -> memref<128xi32, #tpu.memory_space<vmem>>
      %dma_wait3A_34 = arith.constant 0 : i32
      %dma_wait3A_35 = arith.constant 0 : i32
      %dma_wait3A_36 = tpu.memref_slice %arg2[%dma_wait3A_34, %dma_wait3A_35] : memref<10000x128xf32, #tpu.memory_space<hbm>> -> memref<10000x128xf32, #tpu.memory_space<hbm>>
      tpu.wait_indirect_dma semaphore(%arg13 : memref<!tpu.dma_semaphore, #tpu.memory_space<semaphore_mem>>) src(%dma_wait3A_36 : memref<10000x128xf32, #tpu.memory_space<hbm>>) dst(%arg11 : memref<128x128xf32, #tpu.memory_space<vmem>>)
      %scan3A_37 = arith.constant 0 : i32
      %scan3A_38 = arith.constant 0 : i32
      %scan3A_39 = arith.constant 128 : i32
      %scan3A_40 = arith.addi %scan3A_38, %scan3A_39 : i32
      %scan3A_41 = arith.constant 1 : i32
      scf.for %scan3A_43 = %scan3A_38 to %scan3A_40 step %scan3A_41  : i32 {
        %broadcast_in_dim3A = vector.broadcast %scan3A_26 : i32 to vector<16xi32>
        %broadcast_in_dim3A_44 = vector.broadcast %scan3A_43 : i32 to vector<16xi32>
        %gather3A = tpu.vector_load_idx %arg10[%broadcast_in_dim3A, %broadcast_in_dim3A_44] : memref<80x128xf32, #tpu.memory_space<vmem>>[vector<16xi32>, vector<16xi32>], vector<16xf32>,
        %get3A = arith.index_cast %scan3A_43 : i32 to index
        %get3A_45 = arith.constant 0 : index
        %get3A_46 = tpu.vector_load %arg11[%get3A, %get3A_45] {strides = array<i32>} : memref<128x128xf32, #tpu.memory_space<vmem>>, vector<16xf32>,
        %mul3A_47 = arith.mulf %get3A_46, %gather3A : vector<16xf32>
        %swap3A = arith.index_cast %scan3A_43 : i32 to index
        %swap3A_48 = arith.constant 0 : index
        %swap3A_49 = tpu.vector_load %arg11[%swap3A, %swap3A_48] {strides = array<i32>} : memref<128x128xf32, #tpu.memory_space<vmem>>, vector<16xf32>,
        tpu.vector_store %arg11[%swap3A, %swap3A_48], %mul3A_47 {strides = array<i32>} : memref<128x128xf32, #tpu.memory_space<vmem>>, vector<16xf32>,
        %get3A_50 = arith.index_cast %scan3A_43 : i32 to index
        %get3A_51 = arith.constant 16 : index
        %get3A_52 = tpu.vector_load %arg11[%get3A_50, %get3A_51] {strides = array<i32>} : memref<128x128xf32, #tpu.memory_space<vmem>>, vector<16xf32>,
        %mul3A_53 = arith.mulf %get3A_52, %gather3A : vector<16xf32>
        %swap3A_54 = arith.index_cast %scan3A_43 : i32 to index
        %swap3A_55 = arith.constant 16 : index
        %swap3A_56 = tpu.vector_load %arg11[%swap3A_54, %swap3A_55] {strides = array<i32>} : memref<128x128xf32, #tpu.memory_space<vmem>>, vector<16xf32>,
        tpu.vector_store %arg11[%swap3A_54, %swap3A_55], %mul3A_53 {strides = array<i32>} : memref<128x128xf32, #tpu.memory_space<vmem>>, vector<16xf32>,
        %get3A_57 = arith.index_cast %scan3A_43 : i32 to index
        %get3A_58 = arith.constant 32 : index
        %get3A_59 = tpu.vector_load %arg11[%get3A_57, %get3A_58] {strides = array<i32>} : memref<128x128xf32, #tpu.memory_space<vmem>>, vector<16xf32>,
        %mul3A_60 = arith.mulf %get3A_59, %gather3A : vector<16xf32>
        %swap3A_61 = arith.index_cast %scan3A_43 : i32 to index
        %swap3A_62 = arith.constant 32 : index
        %swap3A_63 = tpu.vector_load %arg11[%swap3A_61, %swap3A_62] {strides = array<i32>} : memref<128x128xf32, #tpu.memory_space<vmem>>, vector<16xf32>,
        tpu.vector_store %arg11[%swap3A_61, %swap3A_62], %mul3A_60 {strides = array<i32>} : memref<128x128xf32, #tpu.memory_space<vmem>>, vector<16xf32>,
        %get3A_64 = arith.index_cast %scan3A_43 : i32 to index
        %get3A_65 = arith.constant 48 : index
        %get3A_66 = tpu.vector_load %arg11[%get3A_64, %get3A_65] {strides = array<i32>} : memref<128x128xf32, #tpu.memory_space<vmem>>, vector<16xf32>,
        %mul3A_67 = arith.mulf %get3A_66, %gather3A : vector<16xf32>
        %swap3A_68 = arith.index_cast %scan3A_43 : i32 to index
        %swap3A_69 = arith.constant 48 : index
        %swap3A_70 = tpu.vector_load %arg11[%swap3A_68, %swap3A_69] {strides = array<i32>} : memref<128x128xf32, #tpu.memory_space<vmem>>, vector<16xf32>,
        tpu.vector_store %arg11[%swap3A_68, %swap3A_69], %mul3A_67 {strides = array<i32>} : memref<128x128xf32, #tpu.memory_space<vmem>>, vector<16xf32>,
        %get3A_71 = arith.index_cast %scan3A_43 : i32 to index
        %get3A_72 = arith.constant 64 : index
        %get3A_73 = tpu.vector_load %arg11[%get3A_71, %get3A_72] {strides = array<i32>} : memref<128x128xf32, #tpu.memory_space<vmem>>, vector<16xf32>,
        %mul3A_74 = arith.mulf %get3A_73, %gather3A : vector<16xf32>
        %swap3A_75 = arith.index_cast %scan3A_43 : i32 to index
        %swap3A_76 = arith.constant 64 : index
        %swap3A_77 = tpu.vector_load %arg11[%swap3A_75, %swap3A_76] {strides = array<i32>} : memref<128x128xf32, #tpu.memory_space<vmem>>, vector<16xf32>,
        tpu.vector_store %arg11[%swap3A_75, %swap3A_76], %mul3A_74 {strides = array<i32>} : memref<128x128xf32, #tpu.memory_space<vmem>>, vector<16xf32>,
        %get3A_78 = arith.index_cast %scan3A_43 : i32 to index
        %get3A_79 = arith.constant 80 : index
        %get3A_80 = tpu.vector_load %arg11[%get3A_78, %get3A_79] {strides = array<i32>} : memref<128x128xf32, #tpu.memory_space<vmem>>, vector<16xf32>,
        %mul3A_81 = arith.mulf %get3A_80, %gather3A : vector<16xf32>
        %swap3A_82 = arith.index_cast %scan3A_43 : i32 to index
        %swap3A_83 = arith.constant 80 : index
        %swap3A_84 = tpu.vector_load %arg11[%swap3A_82, %swap3A_83] {strides = array<i32>} : memref<128x128xf32, #tpu.memory_space<vmem>>, vector<16xf32>,
        tpu.vector_store %arg11[%swap3A_82, %swap3A_83], %mul3A_81 {strides = array<i32>} : memref<128x128xf32, #tpu.memory_space<vmem>>, vector<16xf32>,
        %get3A_85 = arith.index_cast %scan3A_43 : i32 to index
        %get3A_86 = arith.constant 96 : index
        %get3A_87 = tpu.vector_load %arg11[%get3A_85, %get3A_86] {strides = array<i32>} : memref<128x128xf32, #tpu.memory_space<vmem>>, vector<16xf32>,
        %mul3A_88 = arith.mulf %get3A_87, %gather3A : vector<16xf32>
        %swap3A_89 = arith.index_cast %scan3A_43 : i32 to index
        %swap3A_90 = arith.constant 96 : index
        %swap3A_91 = tpu.vector_load %arg11[%swap3A_89, %swap3A_90] {strides = array<i32>} : memref<128x128xf32, #tpu.memory_space<vmem>>, vector<16xf32>,
        tpu.vector_store %arg11[%swap3A_89, %swap3A_90], %mul3A_88 {strides = array<i32>} : memref<128x128xf32, #tpu.memory_space<vmem>>, vector<16xf32>,
        %get3A_92 = arith.index_cast %scan3A_43 : i32 to index
        %get3A_93 = arith.constant 112 : index
        %get3A_94 = tpu.vector_load %arg11[%get3A_92, %get3A_93] {strides = array<i32>} : memref<128x128xf32, #tpu.memory_space<vmem>>, vector<16xf32>,
        %mul3A_95 = arith.mulf %get3A_94, %gather3A : vector<16xf32>
        %swap3A_96 = arith.index_cast %scan3A_43 : i32 to index
        %swap3A_97 = arith.constant 112 : index
        %swap3A_98 = tpu.vector_load %arg11[%swap3A_96, %swap3A_97] {strides = array<i32>} : memref<128x128xf32, #tpu.memory_space<vmem>>, vector<16xf32>,
        tpu.vector_store %arg11[%swap3A_96, %swap3A_97], %mul3A_95 {strides = array<i32>} : memref<128x128xf32, #tpu.memory_space<vmem>>, vector<16xf32>,
      }
      %scan3A_42 = arith.constant 128 : i32
      "tpu.region"() ({
        %run_scoped3A = tpu.sem_alloc : memref<!tpu.dma_semaphore, #tpu.memory_space<semaphore_mem>>
        %dma_start3A_43 = arith.constant 0 : i32
        %dma_start3A_44 = tpu.memref_slice %arg8[%scan3A_26, %dma_start3A_43] : memref<80x128xi32, #tpu.memory_space<vmem>> -> memref<1x128xi32, #tpu.memory_space<vmem>>
        %dma_start3A_45 = tpu.memref_squeeze %dma_start3A_44 : memref<1x128xi32, #tpu.memory_space<vmem>> -> memref<128xi32, #tpu.memory_space<vmem>>
        %dma_start3A_46 = arith.constant 0 : i32
        %dma_start3A_47 = arith.constant 0 : i32
        %dma_start3A_48 = tpu.memref_slice %arg12[%dma_start3A_46, %dma_start3A_47] : memref<10000x128xf32, #tpu.memory_space<vmem_shared>> -> memref<10000x128xf32, #tpu.memory_space<vmem_shared>>
        tpu.enqueue_indirect_dma source(%arg11 : memref<128x128xf32, #tpu.memory_space<vmem>>) target(%dma_start3A_48 : memref<10000x128xf32, #tpu.memory_space<vmem_shared>>) offsets(%dma_start3A_45 : memref<128xi32, #tpu.memory_space<vmem>>) semaphore(%run_scoped3A : memref<!tpu.dma_semaphore, #tpu.memory_space<semaphore_mem>>) {add = true}
        %dma_wait3A_49 = arith.constant 0 : i32
        %dma_wait3A_50 = tpu.memref_slice %arg8[%scan3A_26, %dma_wait3A_49] : memref<80x128xi32, #tpu.memory_space<vmem>> -> memref<1x128xi32, #tpu.memory_space<vmem>>
        %dma_wait3A_51 = tpu.memref_squeeze %dma_wait3A_50 : memref<1x128xi32, #tpu.memory_space<vmem>> -> memref<128xi32, #tpu.memory_space<vmem>>
        %dma_wait3A_52 = arith.constant 0 : i32
        %dma_wait3A_53 = arith.constant 0 : i32
        %dma_wait3A_54 = tpu.memref_slice %arg12[%dma_wait3A_52, %dma_wait3A_53] : memref<10000x128xf32, #tpu.memory_space<vmem_shared>> -> memref<10000x128xf32, #tpu.memory_space<vmem_shared>>
        tpu.wait_indirect_dma semaphore(%run_scoped3A : memref<!tpu.dma_semaphore, #tpu.memory_space<semaphore_mem>>) src(%arg11 : memref<128x128xf32, #tpu.memory_space<vmem>>) dst(%dma_wait3A_54 : memref<10000x128xf32, #tpu.memory_space<vmem_shared>>)
        tpu.yield
      }) : () -> ()
    }
    %scan3A_15 = arith.constant 80 : i32
    %barrier3A_16 = arith.constant 0 : index
    tpu.barrier barrier_id(%barrier3A_16)
    %mul3A_17 = arith.constant 624 : i32
    %mul3A_18 = arith.muli %arg1, %mul3A_17 : i32
    %mul3A_19 = arith.constant 624 : i32
    %mul3A_20 = arith.muli %arg1, %mul3A_19 : i32
    "tpu.region"() ({
      %run_scoped3A = tpu.sem_alloc : memref<!tpu.dma_semaphore, #tpu.memory_space<semaphore_mem>>
      %dma_start3A = arith.constant 0 : i32
      %dma_start3A_26 = tpu.memref_slice %arg7[%arg0, %mul3A_20, %dma_start3A] : memref<2x10000x128xf32, #tpu.memory_space<hbm>> -> memref<1x624x128xf32, #tpu.memory_space<hbm>>
      %dma_start3A_27 = tpu.memref_squeeze %dma_start3A_26 : memref<1x624x128xf32, #tpu.memory_space<hbm>> -> memref<624x128xf32, #tpu.memory_space<hbm>>
      %dma_start3A_28 = arith.constant 0 : i32
      %dma_start3A_29 = tpu.memref_slice %arg12[%mul3A_18, %dma_start3A_28] : memref<10000x128xf32, #tpu.memory_space<vmem_shared>> -> memref<624x128xf32, #tpu.memory_space<vmem_shared>>
      tpu.enqueue_dma source(%dma_start3A_29 : memref<624x128xf32, #tpu.memory_space<vmem_shared>>) target(%dma_start3A_27 : memref<624x128xf32, #tpu.memory_space<hbm>>) target_semaphore(%run_scoped3A : memref<!tpu.dma_semaphore, #tpu.memory_space<semaphore_mem>>)
      %dma_wait3A = arith.constant 0 : i32
      %dma_wait3A_30 = tpu.memref_slice %arg7[%arg0, %mul3A_20, %dma_wait3A] : memref<2x10000x128xf32, #tpu.memory_space<hbm>> -> memref<1x624x128xf32, #tpu.memory_space<hbm>>
      %dma_wait3A_31 = tpu.memref_squeeze %dma_wait3A_30 : memref<1x624x128xf32, #tpu.memory_space<hbm>> -> memref<624x128xf32, #tpu.memory_space<hbm>>
      %dma_wait3A_32 = arith.constant 0 : i32
      %dma_wait3A_33 = tpu.memref_slice %arg12[%mul3A_18, %dma_wait3A_32] : memref<10000x128xf32, #tpu.memory_space<vmem_shared>> -> memref<624x128xf32, #tpu.memory_space<vmem_shared>>
      tpu.wait_dma2 semaphore(%run_scoped3A : memref<!tpu.dma_semaphore, #tpu.memory_space<semaphore_mem>>) src(%dma_wait3A_33 : memref<624x128xf32, #tpu.memory_space<vmem_shared>>) dst(%dma_wait3A_31 : memref<624x128xf32, #tpu.memory_space<hbm>>)
      tpu.yield
    }) : () -> ()
    %eq3A_21 = arith.constant 15 : i32
    %eq3A_22 = arith.cmpi eq, %arg1, %eq3A_21 : i32
    %convert_element_type3A_23 = arith.extui %eq3A_22 : i1 to i32
    %cond3A_24 = arith.constant 0 : i32
    %cond3A_25 = arith.cmpi ne, %convert_element_type3A_23, %cond3A_24 : i32
    scf.if %cond3A_25 {
      "tpu.region"() ({
        %run_scoped3A = tpu.sem_alloc : memref<!tpu.dma_semaphore, #tpu.memory_space<semaphore_mem>>
        %dma_start3A = arith.constant 9984 : i32
        %dma_start3A_26 = arith.constant 0 : i32
        %dma_start3A_27 = tpu.memref_slice %arg7[%arg0, %dma_start3A, %dma_start3A_26] : memref<2x10000x128xf32, #tpu.memory_space<hbm>> -> memref<1x16x128xf32, #tpu.memory_space<hbm>>
        %dma_start3A_28 = tpu.memref_squeeze %dma_start3A_27 : memref<1x16x128xf32, #tpu.memory_space<hbm>> -> memref<16x128xf32, #tpu.memory_space<hbm>>
        %dma_start3A_29 = arith.constant 9984 : i32
        %dma_start3A_30 = arith.constant 0 : i32
        %dma_start3A_31 = tpu.memref_slice %arg12[%dma_start3A_29, %dma_start3A_30] : memref<10000x128xf32, #tpu.memory_space<vmem_shared>> -> memref<16x128xf32, #tpu.memory_space<vmem_shared>>
        tpu.enqueue_dma source(%dma_start3A_31 : memref<16x128xf32, #tpu.memory_space<vmem_shared>>) target(%dma_start3A_28 : memref<16x128xf32, #tpu.memory_space<hbm>>) target_semaphore(%run_scoped3A : memref<!tpu.dma_semaphore, #tpu.memory_space<semaphore_mem>>)
        %dma_wait3A = arith.constant 9984 : i32
        %dma_wait3A_32 = arith.constant 0 : i32
        %dma_wait3A_33 = tpu.memref_slice %arg7[%arg0, %dma_wait3A, %dma_wait3A_32] : memref<2x10000x128xf32, #tpu.memory_space<hbm>> -> memref<1x16x128xf32, #tpu.memory_space<hbm>>
        %dma_wait3A_34 = tpu.memref_squeeze %dma_wait3A_33 : memref<1x16x128xf32, #tpu.memory_space<hbm>> -> memref<16x128xf32, #tpu.memory_space<hbm>>
        %dma_wait3A_35 = arith.constant 9984 : i32
        %dma_wait3A_36 = arith.constant 0 : i32
        %dma_wait3A_37 = tpu.memref_slice %arg12[%dma_wait3A_35, %dma_wait3A_36] : memref<10000x128xf32, #tpu.memory_space<vmem_shared>> -> memref<16x128xf32, #tpu.memory_space<vmem_shared>>
        tpu.wait_dma2 semaphore(%run_scoped3A : memref<!tpu.dma_semaphore, #tpu.memory_space<semaphore_mem>>) src(%dma_wait3A_37 : memref<16x128xf32, #tpu.memory_space<vmem_shared>>) dst(%dma_wait3A_34 : memref<16x128xf32, #tpu.memory_space<hbm>>)
        tpu.yield
      }) : () -> ()
    } else {
    }
    return
  }
}

#map = affine_map<(d0, d1) -> (0, 0)>
#map1 = affine_map<(d0, d1) -> (0, 0, 0)>
module attributes {stable_mosaic.version = 14 : i64} {
  func.func @_hop_body(%arg0: i32, %arg1: i32, %arg2: memref<10000x128xf32, #tpu.memory_space<hbm>>, %arg3: memref<2560x128xi32, #tpu.memory_space<hbm>>, %arg4: memref<2560x128xi32, #tpu.memory_space<hbm>>, %arg5: memref<2560x128xf32, #tpu.memory_space<hbm>>, %arg6: memref<640x128xf32, #tpu.memory_space<hbm>>, %arg7: memref<2x10000x128xf32, #tpu.memory_space<hbm>>, %arg8: memref<80x128xi32, #tpu.memory_space<vmem>>, %arg9: memref<80x128xi32, #tpu.memory_space<vmem>>, %arg10: memref<80x128xf32, #tpu.memory_space<vmem>>, %arg11: memref<128x128xf32, #tpu.memory_space<vmem>>, %arg12: memref<10000x128xf32, #tpu.memory_space<vmem_shared>>, %arg13: memref<!tpu.dma_semaphore, #tpu.memory_space<semaphore_mem>>) attributes {dimension_semantics = [#tpu.dimension_semantics<core_parallel>, #tpu.dimension_semantics<subcore_parallel>], iteration_bounds = array<i64: 2, 16>, scalar_prefetch = 0 : i64, scratch_operands = 6 : i64, tpu.core_type = #tpu.core_type<sc_vector_subcore>, window_params = [{transform_indices = #map}, {transform_indices = #map}, {transform_indices = #map}, {transform_indices = #map}, {transform_indices = #map}, {transform_indices = #map1}]} {
    %mul3A = arith.constant 2 : i32
    %mul3A_0 = arith.muli %arg1, %mul3A : i32
    %add3A = arith.addi %mul3A_0, %arg0 : i32
    %mul3A_1 = arith.constant 80 : i32
    %mul3A_2 = arith.muli %add3A, %mul3A_1 : i32
    "tpu.region"() ({
      %run_scoped3A = tpu.sem_alloc : memref<!tpu.dma_semaphore, #tpu.memory_space<semaphore_mem>>
      %dma_start3A = arith.constant 0 : i32
      %dma_start3A_26 = tpu.memref_slice %arg3[%mul3A_2, %dma_start3A] : memref<2560x128xi32, #tpu.memory_space<hbm>> -> memref<80x128xi32, #tpu.memory_space<hbm>>
      %dma_start3A_27 = arith.constant 0 : i32
      %dma_start3A_28 = tpu.memref_slice %arg3[%mul3A_2, %dma_start3A_27] : memref<2560x128xi32, #tpu.memory_space<hbm>> -> memref<80x128xi32, #tpu.memory_space<hbm>>
      tpu.enqueue_dma source(%dma_start3A_28 : memref<80x128xi32, #tpu.memory_space<hbm>>) target(%arg8 : memref<80x128xi32, #tpu.memory_space<vmem>>) target_semaphore(%run_scoped3A : memref<!tpu.dma_semaphore, #tpu.memory_space<semaphore_mem>>)
      %dma_wait3A = arith.constant 0 : i32
      %dma_wait3A_29 = tpu.memref_slice %arg3[%mul3A_2, %dma_wait3A] : memref<2560x128xi32, #tpu.memory_space<hbm>> -> memref<80x128xi32, #tpu.memory_space<hbm>>
      %dma_wait3A_30 = arith.constant 0 : i32
      %dma_wait3A_31 = tpu.memref_slice %arg3[%mul3A_2, %dma_wait3A_30] : memref<2560x128xi32, #tpu.memory_space<hbm>> -> memref<80x128xi32, #tpu.memory_space<hbm>>
      tpu.wait_dma2 semaphore(%run_scoped3A : memref<!tpu.dma_semaphore, #tpu.memory_space<semaphore_mem>>) src(%dma_wait3A_31 : memref<80x128xi32, #tpu.memory_space<hbm>>) dst(%arg8 : memref<80x128xi32, #tpu.memory_space<vmem>>)
      tpu.yield
    }) : () -> ()
    %mul3A_3 = arith.constant 80 : i32
    %mul3A_4 = arith.muli %add3A, %mul3A_3 : i32
    "tpu.region"() ({
      %run_scoped3A = tpu.sem_alloc : memref<!tpu.dma_semaphore, #tpu.memory_space<semaphore_mem>>
      %dma_start3A = arith.constant 0 : i32
      %dma_start3A_26 = tpu.memref_slice %arg4[%mul3A_4, %dma_start3A] : memref<2560x128xi32, #tpu.memory_space<hbm>> -> memref<80x128xi32, #tpu.memory_space<hbm>>
      %dma_start3A_27 = arith.constant 0 : i32
      %dma_start3A_28 = tpu.memref_slice %arg4[%mul3A_4, %dma_start3A_27] : memref<2560x128xi32, #tpu.memory_space<hbm>> -> memref<80x128xi32, #tpu.memory_space<hbm>>
      tpu.enqueue_dma source(%dma_start3A_28 : memref<80x128xi32, #tpu.memory_space<hbm>>) target(%arg9 : memref<80x128xi32, #tpu.memory_space<vmem>>) target_semaphore(%run_scoped3A : memref<!tpu.dma_semaphore, #tpu.memory_space<semaphore_mem>>)
      %dma_wait3A = arith.constant 0 : i32
      %dma_wait3A_29 = tpu.memref_slice %arg4[%mul3A_4, %dma_wait3A] : memref<2560x128xi32, #tpu.memory_space<hbm>> -> memref<80x128xi32, #tpu.memory_space<hbm>>
      %dma_wait3A_30 = arith.constant 0 : i32
      %dma_wait3A_31 = tpu.memref_slice %arg4[%mul3A_4, %dma_wait3A_30] : memref<2560x128xi32, #tpu.memory_space<hbm>> -> memref<80x128xi32, #tpu.memory_space<hbm>>
      tpu.wait_dma2 semaphore(%run_scoped3A : memref<!tpu.dma_semaphore, #tpu.memory_space<semaphore_mem>>) src(%dma_wait3A_31 : memref<80x128xi32, #tpu.memory_space<hbm>>) dst(%arg9 : memref<80x128xi32, #tpu.memory_space<vmem>>)
      tpu.yield
    }) : () -> ()
    %mul3A_5 = arith.constant 80 : i32
    %mul3A_6 = arith.muli %add3A, %mul3A_5 : i32
    "tpu.region"() ({
      %run_scoped3A = tpu.sem_alloc : memref<!tpu.dma_semaphore, #tpu.memory_space<semaphore_mem>>
      %dma_start3A = arith.constant 0 : i32
      %dma_start3A_26 = tpu.memref_slice %arg5[%mul3A_6, %dma_start3A] : memref<2560x128xf32, #tpu.memory_space<hbm>> -> memref<80x128xf32, #tpu.memory_space<hbm>>
      %dma_start3A_27 = arith.constant 0 : i32
      %dma_start3A_28 = tpu.memref_slice %arg5[%mul3A_6, %dma_start3A_27] : memref<2560x128xf32, #tpu.memory_space<hbm>> -> memref<80x128xf32, #tpu.memory_space<hbm>>
      tpu.enqueue_dma source(%dma_start3A_28 : memref<80x128xf32, #tpu.memory_space<hbm>>) target(%arg10 : memref<80x128xf32, #tpu.memory_space<vmem>>) target_semaphore(%run_scoped3A : memref<!tpu.dma_semaphore, #tpu.memory_space<semaphore_mem>>)
      %dma_wait3A = arith.constant 0 : i32
      %dma_wait3A_29 = tpu.memref_slice %arg5[%mul3A_6, %dma_wait3A] : memref<2560x128xf32, #tpu.memory_space<hbm>> -> memref<80x128xf32, #tpu.memory_space<hbm>>
      %dma_wait3A_30 = arith.constant 0 : i32
      %dma_wait3A_31 = tpu.memref_slice %arg5[%mul3A_6, %dma_wait3A_30] : memref<2560x128xf32, #tpu.memory_space<hbm>> -> memref<80x128xf32, #tpu.memory_space<hbm>>
      tpu.wait_dma2 semaphore(%run_scoped3A : memref<!tpu.dma_semaphore, #tpu.memory_space<semaphore_mem>>) src(%dma_wait3A_31 : memref<80x128xf32, #tpu.memory_space<hbm>>) dst(%arg10 : memref<80x128xf32, #tpu.memory_space<vmem>>)
      tpu.yield
    }) : () -> ()
    %mul3A_7 = arith.constant 624 : i32
    %mul3A_8 = arith.muli %arg1, %mul3A_7 : i32
    "tpu.region"() ({
      %run_scoped3A = tpu.sem_alloc : memref<!tpu.dma_semaphore, #tpu.memory_space<semaphore_mem>>
      %dma_start3A = arith.constant 0 : i32
      %dma_start3A_26 = tpu.memref_slice %arg12[%mul3A_8, %dma_start3A] : memref<10000x128xf32, #tpu.memory_space<vmem_shared>> -> memref<624x128xf32, #tpu.memory_space<vmem_shared>>
      %dma_start3A_27 = arith.constant 0 : i32
      %dma_start3A_28 = arith.constant 0 : i32
      %dma_start3A_29 = tpu.memref_slice %arg6[%dma_start3A_27, %dma_start3A_28] : memref<640x128xf32, #tpu.memory_space<hbm>> -> memref<624x128xf32, #tpu.memory_space<hbm>>
      tpu.enqueue_dma source(%dma_start3A_29 : memref<624x128xf32, #tpu.memory_space<hbm>>) target(%dma_start3A_26 : memref<624x128xf32, #tpu.memory_space<vmem_shared>>) target_semaphore(%run_scoped3A : memref<!tpu.dma_semaphore, #tpu.memory_space<semaphore_mem>>)
      %dma_wait3A = arith.constant 0 : i32
      %dma_wait3A_30 = tpu.memref_slice %arg12[%mul3A_8, %dma_wait3A] : memref<10000x128xf32, #tpu.memory_space<vmem_shared>> -> memref<624x128xf32, #tpu.memory_space<vmem_shared>>
      %dma_wait3A_31 = arith.constant 0 : i32
      %dma_wait3A_32 = arith.constant 0 : i32
      %dma_wait3A_33 = tpu.memref_slice %arg6[%dma_wait3A_31, %dma_wait3A_32] : memref<640x128xf32, #tpu.memory_space<hbm>> -> memref<624x128xf32, #tpu.memory_space<hbm>>
      tpu.wait_dma2 semaphore(%run_scoped3A : memref<!tpu.dma_semaphore, #tpu.memory_space<semaphore_mem>>) src(%dma_wait3A_33 : memref<624x128xf32, #tpu.memory_space<hbm>>) dst(%dma_wait3A_30 : memref<624x128xf32, #tpu.memory_space<vmem_shared>>)
      tpu.yield
    }) : () -> ()
    %eq3A = arith.constant 15 : i32
    %eq3A_9 = arith.cmpi eq, %arg1, %eq3A : i32
    %convert_element_type3A = arith.extui %eq3A_9 : i1 to i32
    %cond3A = arith.constant 0 : i32
    %cond3A_10 = arith.cmpi ne, %convert_element_type3A, %cond3A : i32
    scf.if %cond3A_10 {
      "tpu.region"() ({
        %run_scoped3A = tpu.sem_alloc : memref<!tpu.dma_semaphore, #tpu.memory_space<semaphore_mem>>
        %dma_start3A = arith.constant 9984 : i32
        %dma_start3A_26 = arith.constant 0 : i32
        %dma_start3A_27 = tpu.memref_slice %arg12[%dma_start3A, %dma_start3A_26] : memref<10000x128xf32, #tpu.memory_space<vmem_shared>> -> memref<16x128xf32, #tpu.memory_space<vmem_shared>>
        %dma_start3A_28 = arith.constant 624 : i32
        %dma_start3A_29 = arith.constant 0 : i32
        %dma_start3A_30 = tpu.memref_slice %arg6[%dma_start3A_28, %dma_start3A_29] : memref<640x128xf32, #tpu.memory_space<hbm>> -> memref<16x128xf32, #tpu.memory_space<hbm>>
        tpu.enqueue_dma source(%dma_start3A_30 : memref<16x128xf32, #tpu.memory_space<hbm>>) target(%dma_start3A_27 : memref<16x128xf32, #tpu.memory_space<vmem_shared>>) target_semaphore(%run_scoped3A : memref<!tpu.dma_semaphore, #tpu.memory_space<semaphore_mem>>)
        %dma_wait3A = arith.constant 9984 : i32
        %dma_wait3A_31 = arith.constant 0 : i32
        %dma_wait3A_32 = tpu.memref_slice %arg12[%dma_wait3A, %dma_wait3A_31] : memref<10000x128xf32, #tpu.memory_space<vmem_shared>> -> memref<16x128xf32, #tpu.memory_space<vmem_shared>>
        %dma_wait3A_33 = arith.constant 624 : i32
        %dma_wait3A_34 = arith.constant 0 : i32
        %dma_wait3A_35 = tpu.memref_slice %arg6[%dma_wait3A_33, %dma_wait3A_34] : memref<640x128xf32, #tpu.memory_space<hbm>> -> memref<16x128xf32, #tpu.memory_space<hbm>>
        tpu.wait_dma2 semaphore(%run_scoped3A : memref<!tpu.dma_semaphore, #tpu.memory_space<semaphore_mem>>) src(%dma_wait3A_35 : memref<16x128xf32, #tpu.memory_space<hbm>>) dst(%dma_wait3A_32 : memref<16x128xf32, #tpu.memory_space<vmem_shared>>)
        tpu.yield
      }) : () -> ()
    } else {
    }
    %barrier3A = arith.constant 0 : index
    tpu.barrier barrier_id(%barrier3A)
    %scan3A = arith.constant 0 : i32
    %scan3A_11 = arith.constant 0 : i32
    %scan3A_12 = arith.constant 80 : i32
    %scan3A_13 = arith.addi %scan3A_11, %scan3A_12 : i32
    %scan3A_14 = arith.constant 1 : i32
    scf.for %scan3A_26 = %scan3A_11 to %scan3A_13 step %scan3A_14  : i32 {
      %dma_start3A = arith.constant 0 : i32
      %dma_start3A_27 = tpu.memref_slice %arg9[%scan3A_26, %dma_start3A] : memref<80x128xi32, #tpu.memory_space<vmem>> -> memref<1x128xi32, #tpu.memory_space<vmem>>
      %dma_start3A_28 = tpu.memref_squeeze %dma_start3A_27 : memref<1x128xi32, #tpu.memory_space<vmem>> -> memref<128xi32, #tpu.memory_space<vmem>>
      %dma_start3A_29 = arith.constant 0 : i32
      %dma_start3A_30 = arith.constant 0 : i32
      %dma_start3A_31 = tpu.memref_slice %arg2[%dma_start3A_29, %dma_start3A_30] : memref<10000x128xf32, #tpu.memory_space<hbm>> -> memref<10000x128xf32, #tpu.memory_space<hbm>>
      tpu.enqueue_indirect_dma source(%dma_start3A_31 : memref<10000x128xf32, #tpu.memory_space<hbm>>) target(%arg11 : memref<128x128xf32, #tpu.memory_space<vmem>>) offsets(%dma_start3A_28 : memref<128xi32, #tpu.memory_space<vmem>>) semaphore(%arg13 : memref<!tpu.dma_semaphore, #tpu.memory_space<semaphore_mem>>)
      %dma_wait3A = arith.constant 0 : i32
      %dma_wait3A_32 = tpu.memref_slice %arg9[%scan3A_26, %dma_wait3A] : memref<80x128xi32, #tpu.memory_space<vmem>> -> memref<1x128xi32, #tpu.memory_space<vmem>>
      %dma_wait3A_33 = tpu.memref_squeeze %dma_wait3A_32 : memref<1x128xi32, #tpu.memory_space<vmem>> -> memref<128xi32, #tpu.memory_space<vmem>>
      %dma_wait3A_34 = arith.constant 0 : i32
      %dma_wait3A_35 = arith.constant 0 : i32
      %dma_wait3A_36 = tpu.memref_slice %arg2[%dma_wait3A_34, %dma_wait3A_35] : memref<10000x128xf32, #tpu.memory_space<hbm>> -> memref<10000x128xf32, #tpu.memory_space<hbm>>
      tpu.wait_indirect_dma semaphore(%arg13 : memref<!tpu.dma_semaphore, #tpu.memory_space<semaphore_mem>>) src(%dma_wait3A_36 : memref<10000x128xf32, #tpu.memory_space<hbm>>) dst(%arg11 : memref<128x128xf32, #tpu.memory_space<vmem>>)
      %scan3A_37 = arith.constant 0 : i32
      %scan3A_38 = arith.constant 0 : i32
      %scan3A_39 = arith.constant 128 : i32
      %scan3A_40 = arith.addi %scan3A_38, %scan3A_39 : i32
      %scan3A_41 = arith.constant 1 : i32
      scf.for %scan3A_43 = %scan3A_38 to %scan3A_40 step %scan3A_41  : i32 {
        %broadcast_in_dim3A = vector.broadcast %scan3A_26 : i32 to vector<16xi32>
        %broadcast_in_dim3A_44 = vector.broadcast %scan3A_43 : i32 to vector<16xi32>
        %gather3A = tpu.vector_load_idx %arg10[%broadcast_in_dim3A, %broadcast_in_dim3A_44] : memref<80x128xf32, #tpu.memory_space<vmem>>[vector<16xi32>, vector<16xi32>], vector<16xf32>,
        %get3A = arith.index_cast %scan3A_43 : i32 to index
        %get3A_45 = arith.constant 0 : index
        %get3A_46 = tpu.vector_load %arg11[%get3A, %get3A_45] {strides = array<i32>} : memref<128x128xf32, #tpu.memory_space<vmem>>, vector<16xf32>,
        %mul3A_47 = arith.mulf %get3A_46, %gather3A : vector<16xf32>
        %swap3A = arith.index_cast %scan3A_43 : i32 to index
        %swap3A_48 = arith.constant 0 : index
        %swap3A_49 = tpu.vector_load %arg11[%swap3A, %swap3A_48] {strides = array<i32>} : memref<128x128xf32, #tpu.memory_space<vmem>>, vector<16xf32>,
        tpu.vector_store %arg11[%swap3A, %swap3A_48], %mul3A_47 {strides = array<i32>} : memref<128x128xf32, #tpu.memory_space<vmem>>, vector<16xf32>,
        %get3A_50 = arith.index_cast %scan3A_43 : i32 to index
        %get3A_51 = arith.constant 16 : index
        %get3A_52 = tpu.vector_load %arg11[%get3A_50, %get3A_51] {strides = array<i32>} : memref<128x128xf32, #tpu.memory_space<vmem>>, vector<16xf32>,
        %mul3A_53 = arith.mulf %get3A_52, %gather3A : vector<16xf32>
        %swap3A_54 = arith.index_cast %scan3A_43 : i32 to index
        %swap3A_55 = arith.constant 16 : index
        %swap3A_56 = tpu.vector_load %arg11[%swap3A_54, %swap3A_55] {strides = array<i32>} : memref<128x128xf32, #tpu.memory_space<vmem>>, vector<16xf32>,
        tpu.vector_store %arg11[%swap3A_54, %swap3A_55], %mul3A_53 {strides = array<i32>} : memref<128x128xf32, #tpu.memory_space<vmem>>, vector<16xf32>,
        %get3A_57 = arith.index_cast %scan3A_43 : i32 to index
        %get3A_58 = arith.constant 32 : index
        %get3A_59 = tpu.vector_load %arg11[%get3A_57, %get3A_58] {strides = array<i32>} : memref<128x128xf32, #tpu.memory_space<vmem>>, vector<16xf32>,
        %mul3A_60 = arith.mulf %get3A_59, %gather3A : vector<16xf32>
        %swap3A_61 = arith.index_cast %scan3A_43 : i32 to index
        %swap3A_62 = arith.constant 32 : index
        %swap3A_63 = tpu.vector_load %arg11[%swap3A_61, %swap3A_62] {strides = array<i32>} : memref<128x128xf32, #tpu.memory_space<vmem>>, vector<16xf32>,
        tpu.vector_store %arg11[%swap3A_61, %swap3A_62], %mul3A_60 {strides = array<i32>} : memref<128x128xf32, #tpu.memory_space<vmem>>, vector<16xf32>,
        %get3A_64 = arith.index_cast %scan3A_43 : i32 to index
        %get3A_65 = arith.constant 48 : index
        %get3A_66 = tpu.vector_load %arg11[%get3A_64, %get3A_65] {strides = array<i32>} : memref<128x128xf32, #tpu.memory_space<vmem>>, vector<16xf32>,
        %mul3A_67 = arith.mulf %get3A_66, %gather3A : vector<16xf32>
        %swap3A_68 = arith.index_cast %scan3A_43 : i32 to index
        %swap3A_69 = arith.constant 48 : index
        %swap3A_70 = tpu.vector_load %arg11[%swap3A_68, %swap3A_69] {strides = array<i32>} : memref<128x128xf32, #tpu.memory_space<vmem>>, vector<16xf32>,
        tpu.vector_store %arg11[%swap3A_68, %swap3A_69], %mul3A_67 {strides = array<i32>} : memref<128x128xf32, #tpu.memory_space<vmem>>, vector<16xf32>,
        %get3A_71 = arith.index_cast %scan3A_43 : i32 to index
        %get3A_72 = arith.constant 64 : index
        %get3A_73 = tpu.vector_load %arg11[%get3A_71, %get3A_72] {strides = array<i32>} : memref<128x128xf32, #tpu.memory_space<vmem>>, vector<16xf32>,
        %mul3A_74 = arith.mulf %get3A_73, %gather3A : vector<16xf32>
        %swap3A_75 = arith.index_cast %scan3A_43 : i32 to index
        %swap3A_76 = arith.constant 64 : index
        %swap3A_77 = tpu.vector_load %arg11[%swap3A_75, %swap3A_76] {strides = array<i32>} : memref<128x128xf32, #tpu.memory_space<vmem>>, vector<16xf32>,
        tpu.vector_store %arg11[%swap3A_75, %swap3A_76], %mul3A_74 {strides = array<i32>} : memref<128x128xf32, #tpu.memory_space<vmem>>, vector<16xf32>,
        %get3A_78 = arith.index_cast %scan3A_43 : i32 to index
        %get3A_79 = arith.constant 80 : index
        %get3A_80 = tpu.vector_load %arg11[%get3A_78, %get3A_79] {strides = array<i32>} : memref<128x128xf32, #tpu.memory_space<vmem>>, vector<16xf32>,
        %mul3A_81 = arith.mulf %get3A_80, %gather3A : vector<16xf32>
        %swap3A_82 = arith.index_cast %scan3A_43 : i32 to index
        %swap3A_83 = arith.constant 80 : index
        %swap3A_84 = tpu.vector_load %arg11[%swap3A_82, %swap3A_83] {strides = array<i32>} : memref<128x128xf32, #tpu.memory_space<vmem>>, vector<16xf32>,
        tpu.vector_store %arg11[%swap3A_82, %swap3A_83], %mul3A_81 {strides = array<i32>} : memref<128x128xf32, #tpu.memory_space<vmem>>, vector<16xf32>,
        %get3A_85 = arith.index_cast %scan3A_43 : i32 to index
        %get3A_86 = arith.constant 96 : index
        %get3A_87 = tpu.vector_load %arg11[%get3A_85, %get3A_86] {strides = array<i32>} : memref<128x128xf32, #tpu.memory_space<vmem>>, vector<16xf32>,
        %mul3A_88 = arith.mulf %get3A_87, %gather3A : vector<16xf32>
        %swap3A_89 = arith.index_cast %scan3A_43 : i32 to index
        %swap3A_90 = arith.constant 96 : index
        %swap3A_91 = tpu.vector_load %arg11[%swap3A_89, %swap3A_90] {strides = array<i32>} : memref<128x128xf32, #tpu.memory_space<vmem>>, vector<16xf32>,
        tpu.vector_store %arg11[%swap3A_89, %swap3A_90], %mul3A_88 {strides = array<i32>} : memref<128x128xf32, #tpu.memory_space<vmem>>, vector<16xf32>,
        %get3A_92 = arith.index_cast %scan3A_43 : i32 to index
        %get3A_93 = arith.constant 112 : index
        %get3A_94 = tpu.vector_load %arg11[%get3A_92, %get3A_93] {strides = array<i32>} : memref<128x128xf32, #tpu.memory_space<vmem>>, vector<16xf32>,
        %mul3A_95 = arith.mulf %get3A_94, %gather3A : vector<16xf32>
        %swap3A_96 = arith.index_cast %scan3A_43 : i32 to index
        %swap3A_97 = arith.constant 112 : index
        %swap3A_98 = tpu.vector_load %arg11[%swap3A_96, %swap3A_97] {strides = array<i32>} : memref<128x128xf32, #tpu.memory_space<vmem>>, vector<16xf32>,
        tpu.vector_store %arg11[%swap3A_96, %swap3A_97], %mul3A_95 {strides = array<i32>} : memref<128x128xf32, #tpu.memory_space<vmem>>, vector<16xf32>,
      }
      %scan3A_42 = arith.constant 128 : i32
      "tpu.region"() ({
        %run_scoped3A = tpu.sem_alloc : memref<!tpu.dma_semaphore, #tpu.memory_space<semaphore_mem>>
        %dma_start3A_43 = arith.constant 0 : i32
        %dma_start3A_44 = tpu.memref_slice %arg8[%scan3A_26, %dma_start3A_43] : memref<80x128xi32, #tpu.memory_space<vmem>> -> memref<1x128xi32, #tpu.memory_space<vmem>>
        %dma_start3A_45 = tpu.memref_squeeze %dma_start3A_44 : memref<1x128xi32, #tpu.memory_space<vmem>> -> memref<128xi32, #tpu.memory_space<vmem>>
        %dma_start3A_46 = arith.constant 0 : i32
        %dma_start3A_47 = arith.constant 0 : i32
        %dma_start3A_48 = tpu.memref_slice %arg12[%dma_start3A_46, %dma_start3A_47] : memref<10000x128xf32, #tpu.memory_space<vmem_shared>> -> memref<10000x128xf32, #tpu.memory_space<vmem_shared>>
        tpu.enqueue_indirect_dma source(%arg11 : memref<128x128xf32, #tpu.memory_space<vmem>>) target(%dma_start3A_48 : memref<10000x128xf32, #tpu.memory_space<vmem_shared>>) offsets(%dma_start3A_45 : memref<128xi32, #tpu.memory_space<vmem>>) semaphore(%run_scoped3A : memref<!tpu.dma_semaphore, #tpu.memory_space<semaphore_mem>>) {add = true}
        %dma_wait3A_49 = arith.constant 0 : i32
        %dma_wait3A_50 = tpu.memref_slice %arg8[%scan3A_26, %dma_wait3A_49] : memref<80x128xi32, #tpu.memory_space<vmem>> -> memref<1x128xi32, #tpu.memory_space<vmem>>
        %dma_wait3A_51 = tpu.memref_squeeze %dma_wait3A_50 : memref<1x128xi32, #tpu.memory_space<vmem>> -> memref<128xi32, #tpu.memory_space<vmem>>
        %dma_wait3A_52 = arith.constant 0 : i32
        %dma_wait3A_53 = arith.constant 0 : i32
        %dma_wait3A_54 = tpu.memref_slice %arg12[%dma_wait3A_52, %dma_wait3A_53] : memref<10000x128xf32, #tpu.memory_space<vmem_shared>> -> memref<10000x128xf32, #tpu.memory_space<vmem_shared>>
        tpu.wait_indirect_dma semaphore(%run_scoped3A : memref<!tpu.dma_semaphore, #tpu.memory_space<semaphore_mem>>) src(%arg11 : memref<128x128xf32, #tpu.memory_space<vmem>>) dst(%dma_wait3A_54 : memref<10000x128xf32, #tpu.memory_space<vmem_shared>>)
        tpu.yield
      }) : () -> ()
    }
    %scan3A_15 = arith.constant 80 : i32
    %barrier3A_16 = arith.constant 0 : index
    tpu.barrier barrier_id(%barrier3A_16)
    %mul3A_17 = arith.constant 624 : i32
    %mul3A_18 = arith.muli %arg1, %mul3A_17 : i32
    %mul3A_19 = arith.constant 624 : i32
    %mul3A_20 = arith.muli %arg1, %mul3A_19 : i32
    "tpu.region"() ({
      %run_scoped3A = tpu.sem_alloc : memref<!tpu.dma_semaphore, #tpu.memory_space<semaphore_mem>>
      %dma_start3A = arith.constant 0 : i32
      %dma_start3A_26 = tpu.memref_slice %arg7[%arg0, %mul3A_20, %dma_start3A] : memref<2x10000x128xf32, #tpu.memory_space<hbm>> -> memref<1x624x128xf32, #tpu.memory_space<hbm>>
      %dma_start3A_27 = tpu.memref_squeeze %dma_start3A_26 : memref<1x624x128xf32, #tpu.memory_space<hbm>> -> memref<624x128xf32, #tpu.memory_space<hbm>>
      %dma_start3A_28 = arith.constant 0 : i32
      %dma_start3A_29 = tpu.memref_slice %arg12[%mul3A_18, %dma_start3A_28] : memref<10000x128xf32, #tpu.memory_space<vmem_shared>> -> memref<624x128xf32, #tpu.memory_space<vmem_shared>>
      tpu.enqueue_dma source(%dma_start3A_29 : memref<624x128xf32, #tpu.memory_space<vmem_shared>>) target(%dma_start3A_27 : memref<624x128xf32, #tpu.memory_space<hbm>>) target_semaphore(%run_scoped3A : memref<!tpu.dma_semaphore, #tpu.memory_space<semaphore_mem>>)
      %dma_wait3A = arith.constant 0 : i32
      %dma_wait3A_30 = tpu.memref_slice %arg7[%arg0, %mul3A_20, %dma_wait3A] : memref<2x10000x128xf32, #tpu.memory_space<hbm>> -> memref<1x624x128xf32, #tpu.memory_space<hbm>>
      %dma_wait3A_31 = tpu.memref_squeeze %dma_wait3A_30 : memref<1x624x128xf32, #tpu.memory_space<hbm>> -> memref<624x128xf32, #tpu.memory_space<hbm>>
      %dma_wait3A_32 = arith.constant 0 : i32
      %dma_wait3A_33 = tpu.memref_slice %arg12[%mul3A_18, %dma_wait3A_32] : memref<10000x128xf32, #tpu.memory_space<vmem_shared>> -> memref<624x128xf32, #tpu.memory_space<vmem_shared>>
      tpu.wait_dma2 semaphore(%run_scoped3A : memref<!tpu.dma_semaphore, #tpu.memory_space<semaphore_mem>>) src(%dma_wait3A_33 : memref<624x128xf32, #tpu.memory_space<vmem_shared>>) dst(%dma_wait3A_31 : memref<624x128xf32, #tpu.memory_space<hbm>>)
      tpu.yield
    }) : () -> ()
    %eq3A_21 = arith.constant 15 : i32
    %eq3A_22 = arith.cmpi eq, %arg1, %eq3A_21 : i32
    %convert_element_type3A_23 = arith.extui %eq3A_22 : i1 to i32
    %cond3A_24 = arith.constant 0 : i32
    %cond3A_25 = arith.cmpi ne, %convert_element_type3A_23, %cond3A_24 : i32
    scf.if %cond3A_25 {
      "tpu.region"() ({
        %run_scoped3A = tpu.sem_alloc : memref<!tpu.dma_semaphore, #tpu.memory_space<semaphore_mem>>
        %dma_start3A = arith.constant 9984 : i32
        %dma_start3A_26 = arith.constant 0 : i32
        %dma_start3A_27 = tpu.memref_slice %arg7[%arg0, %dma_start3A, %dma_start3A_26] : memref<2x10000x128xf32, #tpu.memory_space<hbm>> -> memref<1x16x128xf32, #tpu.memory_space<hbm>>
        %dma_start3A_28 = tpu.memref_squeeze %dma_start3A_27 : memref<1x16x128xf32, #tpu.memory_space<hbm>> -> memref<16x128xf32, #tpu.memory_space<hbm>>
        %dma_start3A_29 = arith.constant 9984 : i32
        %dma_start3A_30 = arith.constant 0 : i32
        %dma_start3A_31 = tpu.memref_slice %arg12[%dma_start3A_29, %dma_start3A_30] : memref<10000x128xf32, #tpu.memory_space<vmem_shared>> -> memref<16x128xf32, #tpu.memory_space<vmem_shared>>
        tpu.enqueue_dma source(%dma_start3A_31 : memref<16x128xf32, #tpu.memory_space<vmem_shared>>) target(%dma_start3A_28 : memref<16x128xf32, #tpu.memory_space<hbm>>) target_semaphore(%run_scoped3A : memref<!tpu.dma_semaphore, #tpu.memory_space<semaphore_mem>>)
        %dma_wait3A = arith.constant 9984 : i32
        %dma_wait3A_32 = arith.constant 0 : i32
        %dma_wait3A_33 = tpu.memref_slice %arg7[%arg0, %dma_wait3A, %dma_wait3A_32] : memref<2x10000x128xf32, #tpu.memory_space<hbm>> -> memref<1x16x128xf32, #tpu.memory_space<hbm>>
        %dma_wait3A_34 = tpu.memref_squeeze %dma_wait3A_33 : memref<1x16x128xf32, #tpu.memory_space<hbm>> -> memref<16x128xf32, #tpu.memory_space<hbm>>
        %dma_wait3A_35 = arith.constant 9984 : i32
        %dma_wait3A_36 = arith.constant 0 : i32
        %dma_wait3A_37 = tpu.memref_slice %arg12[%dma_wait3A_35, %dma_wait3A_36] : memref<10000x128xf32, #tpu.memory_space<vmem_shared>> -> memref<16x128xf32, #tpu.memory_space<vmem_shared>>
        tpu.wait_dma2 semaphore(%run_scoped3A : memref<!tpu.dma_semaphore, #tpu.memory_space<semaphore_mem>>) src(%dma_wait3A_37 : memref<16x128xf32, #tpu.memory_space<vmem_shared>>) dst(%dma_wait3A_34 : memref<16x128xf32, #tpu.memory_space<hbm>>)
        tpu.yield
      }) : () -> ()
    } else {
    }
    return
  }
}

module attributes {stable_mosaic.version = 14 : i64} {
  func.func @_combine_body(%arg0: i32, %arg1: memref<2x1000x128xf32, #tpu.memory_space<vmem>>, %arg2: memref<1000x128xf32, #tpu.memory_space<vmem>>) attributes {dimension_semantics = [#tpu.dimension_semantics<arbitrary>], iteration_bounds = array<i64: 10>, scalar_prefetch = 0 : i64, scratch_operands = 0 : i64, tpu.core_type = #tpu.core_type<tc>, window_params = [{transform_indices = @transform_0, window_bounds = array<i64: 2, 1000, 128>}, {transform_indices = @transform_1, window_bounds = array<i64: 1000, 128>}]} {
    %get3A = arith.constant 0 : index
    %get3A_0 = arith.constant 0 : index
    %get3A_1 = arith.constant 0 : index
    %get3A_2 = vector.load %arg1[%get3A, %get3A_0, %get3A_1] : memref<2x1000x128xf32, #tpu.memory_space<vmem>>, vector<1x1000x128xf32>
    %get3A_3 = vector.shape_cast %get3A_2 : vector<1x1000x128xf32> to vector<1000x128xf32>
    %get3A_4 = arith.constant 1 : index
    %get3A_5 = arith.constant 0 : index
    %get3A_6 = arith.constant 0 : index
    %get3A_7 = vector.load %arg1[%get3A_4, %get3A_5, %get3A_6] : memref<2x1000x128xf32, #tpu.memory_space<vmem>>, vector<1x1000x128xf32>
    %get3A_8 = vector.shape_cast %get3A_7 : vector<1x1000x128xf32> to vector<1000x128xf32>
    %add3A = arith.addf %get3A_3, %get3A_8 : vector<1000x128xf32>
    %swap3A = arith.constant 0 : index
    %swap3A_9 = arith.constant 0 : index
    %swap3A_10 = vector.load %arg2[%swap3A, %swap3A_9] : memref<1000x128xf32, #tpu.memory_space<vmem>>, vector<1000x128xf32>
    tpu.vector_store %arg2[%swap3A, %swap3A_9], %add3A {strides = array<i32>} : memref<1000x128xf32, #tpu.memory_space<vmem>>, vector<1000x128xf32>,
    return
  }
  func.func @transform_0(%arg0: i32) -> (i32, i32, i32) {
    %c0_i32 = arith.constant 0 : i32
    %c0_i32_0 = arith.constant 0 : i32
    %c0_i32_1 = arith.constant 0 : i32
    return %c0_i32, %arg0, %c0_i32_0 : i32, i32, i32
  }
  func.func @transform_1(%arg0: i32) -> (i32, i32) {
    %c0_i32 = arith.constant 0 : i32
    %c0_i32_0 = arith.constant 0 : i32
    return %arg0, %c0_i32 : i32, i32
  }
}

module attributes {stable_mosaic.version = 14 : i64} {
  func.func @_mm_body(%arg0: i32, %arg1: memref<1000x128xf32, #tpu.memory_space<vmem>>, %arg2: memref<1000x128xf32, #tpu.memory_space<vmem>>, %arg3: memref<1000x128xf32, #tpu.memory_space<vmem>>, %arg4: memref<2x1000x128xf32, #tpu.memory_space<vmem>>, %arg5: memref<3x128x128xf32, #tpu.memory_space<vmem>>, %arg6: memref<3x128x128xf32, #tpu.memory_space<vmem>>, %arg7: memref<1000x128xf32, #tpu.memory_space<vmem>>) attributes {dimension_semantics = [#tpu.dimension_semantics<arbitrary>], iteration_bounds = array<i64: 10>, scalar_prefetch = 0 : i64, scratch_operands = 0 : i64, tpu.core_type = #tpu.core_type<tc>, window_params = [{transform_indices = @transform_0, window_bounds = array<i64: 1000, 128>}, {transform_indices = @transform_1, window_bounds = array<i64: 1000, 128>}, {transform_indices = @transform_2, window_bounds = array<i64: 1000, 128>}, {transform_indices = @transform_3, window_bounds = array<i64: 2, 1000, 128>}, {pipeline_mode = #tpu.pipeline_mode<synchronous>, transform_indices = @transform_4, window_bounds = array<i64: 3, 128, 128>}, {pipeline_mode = #tpu.pipeline_mode<synchronous>, transform_indices = @transform_5, window_bounds = array<i64: 3, 128, 128>}, {transform_indices = @transform_6, window_bounds = array<i64: 1000, 128>}]} {
    %get3A = arith.constant 0 : index
    %get3A_0 = arith.constant 0 : index
    %get3A_1 = arith.constant 0 : index
    %get3A_2 = vector.load %arg5[%get3A, %get3A_0, %get3A_1] : memref<3x128x128xf32, #tpu.memory_space<vmem>>, vector<1x128x128xf32>
    %get3A_3 = vector.shape_cast %get3A_2 : vector<1x128x128xf32> to vector<128x128xf32>
    %get3A_4 = arith.constant 0 : index
    %get3A_5 = arith.constant 0 : index
    %get3A_6 = arith.constant 0 : index
    %get3A_7 = vector.load %arg6[%get3A_4, %get3A_5, %get3A_6] : memref<3x128x128xf32, #tpu.memory_space<vmem>>, vector<1x128x128xf32>
    %get3A_8 = vector.shape_cast %get3A_7 : vector<1x128x128xf32> to vector<128x128xf32>
    %get3A_9 = arith.constant 1 : index
    %get3A_10 = arith.constant 0 : index
    %get3A_11 = arith.constant 0 : index
    %get3A_12 = vector.load %arg6[%get3A_9, %get3A_10, %get3A_11] : memref<3x128x128xf32, #tpu.memory_space<vmem>>, vector<1x128x128xf32>
    %get3A_13 = vector.shape_cast %get3A_12 : vector<1x128x128xf32> to vector<128x128xf32>
    %add3A = arith.addf %get3A_8, %get3A_13 : vector<128x128xf32>
    %get3A_14 = arith.constant 1 : index
    %get3A_15 = arith.constant 0 : index
    %get3A_16 = arith.constant 0 : index
    %get3A_17 = vector.load %arg5[%get3A_14, %get3A_15, %get3A_16] : memref<3x128x128xf32, #tpu.memory_space<vmem>>, vector<1x128x128xf32>
    %get3A_18 = vector.shape_cast %get3A_17 : vector<1x128x128xf32> to vector<128x128xf32>
    %get3A_19 = arith.constant 2 : index
    %get3A_20 = arith.constant 0 : index
    %get3A_21 = arith.constant 0 : index
    %get3A_22 = vector.load %arg6[%get3A_19, %get3A_20, %get3A_21] : memref<3x128x128xf32, #tpu.memory_space<vmem>>, vector<1x128x128xf32>
    %get3A_23 = vector.shape_cast %get3A_22 : vector<1x128x128xf32> to vector<128x128xf32>
    %add3A_24 = arith.addf %get3A_18, %get3A_23 : vector<128x128xf32>
    %get3A_25 = arith.constant 2 : index
    %get3A_26 = arith.constant 0 : index
    %get3A_27 = arith.constant 0 : index
    %get3A_28 = vector.load %arg5[%get3A_25, %get3A_26, %get3A_27] : memref<3x128x128xf32, #tpu.memory_space<vmem>>, vector<1x128x128xf32>
    %get3A_29 = vector.shape_cast %get3A_28 : vector<1x128x128xf32> to vector<128x128xf32>
    %get3A_30 = arith.constant 0 : index
    %get3A_31 = arith.constant 0 : index
    %get3A_32 = arith.constant 0 : index
    %get3A_33 = vector.load %arg4[%get3A_30, %get3A_31, %get3A_32] : memref<2x1000x128xf32, #tpu.memory_space<vmem>>, vector<1x1000x128xf32>
    %get3A_34 = vector.shape_cast %get3A_33 : vector<1x1000x128xf32> to vector<1000x128xf32>
    %get3A_35 = arith.constant 1 : index
    %get3A_36 = arith.constant 0 : index
    %get3A_37 = arith.constant 0 : index
    %get3A_38 = vector.load %arg4[%get3A_35, %get3A_36, %get3A_37] : memref<2x1000x128xf32, #tpu.memory_space<vmem>>, vector<1x1000x128xf32>
    %get3A_39 = vector.shape_cast %get3A_38 : vector<1x1000x128xf32> to vector<1000x128xf32>
    %add3A_40 = arith.addf %get3A_34, %get3A_39 : vector<1000x128xf32>
    %get3A_41 = arith.constant 0 : index
    %get3A_42 = arith.constant 0 : index
    %get3A_43 = vector.load %arg1[%get3A_41, %get3A_42] : memref<1000x128xf32, #tpu.memory_space<vmem>>, vector<1000x128xf32>
    %dot_general3A = arith.constant dense<0.000000e+00> : vector<1000x128xf32>
    %dot_general3A_44 = tpu.matmul %get3A_43, %get3A_3, %dot_general3A {dimension_numbers = #tpu.dot_dimension_numbers<[1], [0], [0], [1], [0, 0, 1, 1], [], []>, transpose_lhs_hint = false} : vector<1000x128xf32>, vector<128x128xf32>, vector<1000x128xf32> -> vector<1000x128xf32>
    %get3A_45 = arith.constant 0 : index
    %get3A_46 = arith.constant 0 : index
    %get3A_47 = vector.load %arg2[%get3A_45, %get3A_46] : memref<1000x128xf32, #tpu.memory_space<vmem>>, vector<1000x128xf32>
    %dot_general3A_48 = arith.constant dense<0.000000e+00> : vector<1000x128xf32>
    %dot_general3A_49 = tpu.matmul %get3A_47, %add3A, %dot_general3A_48 {dimension_numbers = #tpu.dot_dimension_numbers<[1], [0], [0], [1], [0, 0, 1, 1], [], []>, transpose_lhs_hint = false} : vector<1000x128xf32>, vector<128x128xf32>, vector<1000x128xf32> -> vector<1000x128xf32>
    %add3A_50 = arith.addf %dot_general3A_44, %dot_general3A_49 : vector<1000x128xf32>
    %get3A_51 = arith.constant 0 : index
    %get3A_52 = arith.constant 0 : index
    %get3A_53 = vector.load %arg3[%get3A_51, %get3A_52] : memref<1000x128xf32, #tpu.memory_space<vmem>>, vector<1000x128xf32>
    %dot_general3A_54 = arith.constant dense<0.000000e+00> : vector<1000x128xf32>
    %dot_general3A_55 = tpu.matmul %get3A_53, %add3A_24, %dot_general3A_54 {dimension_numbers = #tpu.dot_dimension_numbers<[1], [0], [0], [1], [0, 0, 1, 1], [], []>, transpose_lhs_hint = false} : vector<1000x128xf32>, vector<128x128xf32>, vector<1000x128xf32> -> vector<1000x128xf32>
    %add3A_56 = arith.addf %add3A_50, %dot_general3A_55 : vector<1000x128xf32>
    %dot_general3A_57 = arith.constant dense<0.000000e+00> : vector<1000x128xf32>
    %dot_general3A_58 = tpu.matmul %add3A_40, %get3A_29, %dot_general3A_57 {dimension_numbers = #tpu.dot_dimension_numbers<[1], [0], [0], [1], [0, 0, 1, 1], [], []>, transpose_lhs_hint = false} : vector<1000x128xf32>, vector<128x128xf32>, vector<1000x128xf32> -> vector<1000x128xf32>
    %add3A_59 = arith.addf %add3A_56, %dot_general3A_58 : vector<1000x128xf32>
    %swap3A = arith.constant 0 : index
    %swap3A_60 = arith.constant 0 : index
    %swap3A_61 = vector.load %arg7[%swap3A, %swap3A_60] : memref<1000x128xf32, #tpu.memory_space<vmem>>, vector<1000x128xf32>
    tpu.vector_store %arg7[%swap3A, %swap3A_60], %add3A_59 {strides = array<i32>} : memref<1000x128xf32, #tpu.memory_space<vmem>>, vector<1000x128xf32>,
    return
  }
  func.func @transform_0(%arg0: i32) -> (i32, i32) {
    %c0_i32 = arith.constant 0 : i32
    %c0_i32_0 = arith.constant 0 : i32
    return %arg0, %c0_i32 : i32, i32
  }
  func.func @transform_1(%arg0: i32) -> (i32, i32) {
    %c0_i32 = arith.constant 0 : i32
    %c0_i32_0 = arith.constant 0 : i32
    return %arg0, %c0_i32 : i32, i32
  }
  func.func @transform_2(%arg0: i32) -> (i32, i32) {
    %c0_i32 = arith.constant 0 : i32
    %c0_i32_0 = arith.constant 0 : i32
    return %arg0, %c0_i32 : i32, i32
  }
  func.func @transform_3(%arg0: i32) -> (i32, i32, i32) {
    %c0_i32 = arith.constant 0 : i32
    %c0_i32_0 = arith.constant 0 : i32
    %c0_i32_1 = arith.constant 0 : i32
    return %c0_i32, %arg0, %c0_i32_0 : i32, i32, i32
  }
  func.func @transform_4(%arg0: i32) -> (i32, i32, i32) {
    %c0_i32 = arith.constant 0 : i32
    %c0_i32_0 = arith.constant 0 : i32
    %c0_i32_1 = arith.constant 0 : i32
    %c0_i32_2 = arith.constant 0 : i32
    return %c0_i32, %c0_i32_0, %c0_i32_1 : i32, i32, i32
  }
  func.func @transform_5(%arg0: i32) -> (i32, i32, i32) {
    %c0_i32 = arith.constant 0 : i32
    %c0_i32_0 = arith.constant 0 : i32
    %c0_i32_1 = arith.constant 0 : i32
    %c0_i32_2 = arith.constant 0 : i32
    return %c0_i32, %c0_i32_0, %c0_i32_1 : i32, i32, i32
  }
  func.func @transform_6(%arg0: i32) -> (i32, i32) {
    %c0_i32 = arith.constant 0 : i32
    %c0_i32_0 = arith.constant 0 : i32
    return %arg0, %c0_i32 : i32, i32
  }
}

</mosaic_0001>

<sc_bundles>
// kernel: kernel.12.cloned.1.call-start
scs
__scs_entry_jumppad:
0x0: {  	(pc) =	sbr.rel $0x88, $3  }
0x1: {  	(tag) =	ssettag $0x0;
	lr =	simm.s32 $0x1  }
0x2: {  	[smem:$0x3F9C] =	sst lr;
	_ =	strace $0xD0000000  }
0x3: {  	_ = 	snop  }
0x4: {  	_ = 	snop  }
0x5: {  	_ = 	snop  }
0x6: {  	_ = 	snop  }
0x7: {  	_ = 	snop  }
__scs_overlays_trampoline_lowered:
0x8: {  	[smem:$0x3FAB] =	sst s0  }
0x9: {  	[smem:$0x3FAC] =	sst s1  }
0xa: {  	[smem:$0x3FAD] =	sst s2  }
0xb: {  	[smem:$0x3FAE] =	sst s3  }
0xc: {  	[smem:$0x3FAF] =	sst s4  }
0xd: {  	[smem:$0x3FB0] =	sst s5  }
0xe: {  	[smem:$0x3FB1] =	sst s6  }
0xf: {  	[smem:$0x3FB2] =	sst s7  }
0x10: {  	[smem:$0x3FB3] =	sst s8  }
0x11: {  	[smem:$0x3FB4] =	sst s9;
	s0 =	simm.s32 @!p0 $0x0  }
0x12: {  	s1 =	sld [smem:$0x3F9A];
	s0 =	simm.s32 @p0 $0x1  }
0x13: {  	[smem:$0x3FB5] =	sst s0;
	s0 =	simm.s32 @!p1 $0x0  }
0x14: {  	s2 =	sld [smem:$0x3F99];
	s0 =	simm.s32 @p1 $0x1  }
0x15: {  	[smem:$0x3FB6] =	sst s0;
	s0 =	simm.s32 @!p2 $0x0  }
0x16: {  	s3 =	sld [smem:$0x3FDB];
	s0 =	simm.s32 @p2 $0x1  }
0x17: {  	s4 =	simm.s32 $0x1BF5;
	[smem:$0x3FB8] =	sst s0  }
0x18: {  	s0 =	sld [smem:$0x3F9B];
	_ =	swait.ge [sflag:s4], $0x0  }
0x19: {  	s7 =	sld [smem:$0x3F9C]  }
0x1a: {  	s8 =	sadd.s32 $0xFFFFE003, lr  }
0x1b: {  	s9 =	sadd.s32 $0xFFFFFEF7, lr;
	s5 =	simm.s32 $0xFFFFFFFF;
	p2 =	slt.u32 s8, $0xFFFFF086  }
0x1c: {  	p1 =	slt.u32 s9, $0xF7A;
	s5 =	simm.s32 @!p2 $0x0  }
0x1d: {  	s5 =	simm.s32 @p1 $0x1;
	p0 =	seq.s32 s7, s2  }
0x1e: {  	s7 =	smul.u32 @!p0 $0xF7A, s2;
	p2 =	seq.s32 @!p0 s5, $0x0  }
0x1f: {  	s9 =	smul.u32 $0xF7A, s1;
	s8 =	simm.s32 @!p0 $0x1BF5;
	p2 =	por !p2, p0  }
0x20: {  	[sflag:s8] =	ssyncset.s32 @!p0 $0xFFFFF086;
	s6 =	sadd.s32 @!p0 s3, s7;
	s7 =	simm.s32 @!p0 $0x108  }
0x21: {  	s3 =	sadd.s32 s3, s9;
	s6 =	sadd.s32 @!p0 $0x88, s6;
	s7 =	simm.s32 @p2 $0x1082  }
0x22: {  	[simem:s7], [sflag:s8] =	dma.local @!p0 [hbm:s6], $0xF7A  }
0x23: {  	s9 =	sor.u32 $0xD0000000, s2;
	s6 =	simm.s32 $0x108;
	_ =	swait.ge @!p0 [sflag:s8], $0x0  }
0x24: {  	s3 =	sadd.s32 $0x88, s3;
	s6 =	simm.s32 @!p1 $0x1082;
	[sflag:s4] =	ssyncset.s32 $0xFFFFF086  }
0x25: {  	[simem:s6], [sflag:s4] =	dma.local [hbm:s3], $0xF7A  }
0x26: {  	[smem:$0x3F9C] =	sst s1;
	(tag) =	ssettag s2;
	_ =	strace s9  }
0x27: {  	s1 =	sld [smem:$0x3FAC]  }
0x28: {  	s2 =	sld [smem:$0x3FAD]  }
0x29: {  	s4 =	sld [smem:$0x3FAF]  }
0x2a: {  	p0 =	seq.s32 s5, $0x0;
	s5 =	sld [smem:$0x3FB0]  }
0x2b: {  	s6 =	sld [smem:$0x3FB1]  }
0x2c: {  	s7 =	sld [smem:$0x3FB2]  }
0x2d: {  	s3 =	simm.s32 $0x108;
	s8 =	sld [smem:$0x3FB3]  }
0x2e: {  	s3 =	simm.s32 @!p0 $0x1082;
	s9 =	sld [smem:$0x3FB4]  }
0x2f: {  	lr =	sadd.s32 s0, s3;
	s0 =	sld [smem:$0x3FAB]  }
0x30: {  	s3 =	sld [smem:$0x3FAE]  }
0x31: {  	[smem:$0x3FB7] =	sst s10  }
0x32: {  	s10 =	sld [smem:$0x3FB5];
	_ =	sdelay $0x3  }
0x33: {  	p0 =	seq.s32 s10, $0x1;
	s10 =	sld [smem:$0x3FB7];
	_ =	sdelay $0x3  }
0x34: {  	[smem:$0x3FB7] =	sst s10  }
0x35: {  	s10 =	sld [smem:$0x3FB6];
	_ =	sdelay $0x3  }
0x36: {  	p1 =	seq.s32 s10, $0x1;
	s10 =	sld [smem:$0x3FB7];
	_ =	sdelay $0x3  }
0x37: {  	[smem:$0x3FB7] =	sst s10  }
0x38: {  	s10 =	sld [smem:$0x3FB8]  }
0x39: {  	_ = 	snop;
	(pc) =	sbr.ind lr, $3  }
0x3a: {  	_ = 	snop  }
0x3b: {  	_ = 	snop  }
0x3c: {  	p2 =	seq.s32 s10, $0x1;
	s10 =	sld [smem:$0x3FB7]  }
0x3d: {  	_ =	shalt  }
0x3e: {  	_ =	shalt  }
0x3f: {  	_ =	shalt  }
0x40: {  	_ =	shalt  }
0x41: {  	_ =	shalt  }
0x42: {  	_ =	shalt  }
0x43: {  	_ =	shalt  }
0x44: {  	_ =	shalt  }
0x45: {  	_ =	shalt  }
0x46: {  	_ =	shalt  }
0x47: {  	_ =	shalt  }
0x48: {  	_ =	shalt  }
0x49: {  	_ =	shalt  }
0x4a: {  	_ =	shalt  }
0x4b: {  	_ =	shalt  }
0x4c: {  	_ =	shalt  }
0x4d: {  	_ =	shalt  }
0x4e: {  	_ =	shalt  }
0x4f: {  	_ =	shalt  }
0x50: {  	_ =	shalt  }
0x51: {  	_ =	shalt  }
0x52: {  	_ =	shalt  }
0x53: {  	_ =	shalt  }
0x54: {  	_ =	shalt  }
0x55: {  	_ =	shalt  }
0x56: {  	_ =	shalt  }
0x57: {  	_ =	shalt  }
0x58: {  	_ =	shalt  }
0x59: {  	_ =	shalt  }
0x5a: {  	_ =	shalt  }
0x5b: {  	_ =	shalt  }
0x5c: {  	_ =	shalt  }
0x5d: {  	_ =	shalt  }
0x5e: {  	_ =	shalt  }
0x5f: {  	_ =	shalt  }
0x60: {  	_ =	shalt  }
0x61: {  	_ =	shalt  }
0x62: {  	_ =	shalt  }
0x63: {  	_ =	shalt  }
0x64: {  	_ =	shalt  }
0x65: {  	_ =	shalt  }
0x66: {  	_ =	shalt  }
0x67: {  	_ =	shalt  }
0x68: {  	_ =	shalt  }
0x69: {  	_ =	shalt  }
0x6a: {  	_ =	shalt  }
0x6b: {  	_ =	shalt  }
0x6c: {  	_ =	shalt  }
0x6d: {  	_ =	shalt  }
0x6e: {  	_ =	shalt  }
0x6f: {  	_ =	shalt  }
0x70: {  	_ =	shalt  }
0x71: {  	_ =	shalt  }
0x72: {  	_ =	shalt  }
0x73: {  	_ =	shalt  }
0x74: {  	_ =	shalt  }
0x75: {  	_ =	shalt  }
0x76: {  	_ =	shalt  }
0x77: {  	_ =	shalt  }
0x78: {  	_ =	shalt  }
0x79: {  	_ =	shalt  }
0x7a: {  	_ =	shalt  }
0x7b: {  	_ =	shalt  }
0x7c: {  	_ =	shalt  }
0x7d: {  	_ =	shalt  }
0x7e: {  	_ =	shalt  }
0x7f: {  	_ =	shalt  }
0x80: {  	_ =	shalt  }
0x81: {  	_ =	shalt  }
0x82: {  	_ =	shalt  }
0x83: {  	_ =	shalt  }
0x84: {  	_ =	shalt  }
0x85: {  	_ =	shalt  }
0x86: {  	_ =	shalt  }
0x87: {  	_ =	shalt  }
.Lfunc_end0:
.L_simem_size_0:
called_computation.1_lowered:
.L_overlay_start_0:
0x88: {  	s2 =	sld [smem:$0x3FD9]  }
0x89: {  	s3 =	sld [smem:$0x3FFE];
	_ =	sdelay $0x1  }
0x8a: {  	s1 =	srdreg.scid  }
0x8b: {  	s0 =	sand.u32 $0x1, s1  }
0x8c: {  	s17 =	sshll.u32 s0, $0xA;
	s2 =	sadd.s32 s3, s2  }
0x8d: {  	s2 =	sadd.s32 s2, s17  }
0x8e: {  	[smem:$0x3FC3] =	sst s2  }
0x8f: {  	_ = 	snop  }
0x90: {  	s2 =	sld [smem:$0x3FC9];
	(tm) =	ssettm $0x1  }
0x91: {  	s18 =	sld [smem:$0x3FFB];
	_ =	sdelay $0x3  }
0x92: {  	_ =	strace s18  }
0x93: {  	s3 =	sld [smem:$0x3FFC];
	_ =	sdelay $0x3  }
0x94: {  	_ =	strace s3  }
0x95: {  	s3 =	sld [smem:$0x3FFD];
	_ =	sdelay $0x3  }
0x96: {  	_ =	strace s3  }
0x97: {  	_ =	strace $0x8FFFFFFF  }
0x98: {  	s19 =	sld [smem:$0x3FDB];
	_ =	sdelay $0x1  }
0x99: {  	s4 =	simm.s32 $_scs_section_size  }
0x9a: {  	s5 =	simm.s32 $_size__tile_overlayer_lowered;
	s6 =	simm.s32 $_tile_overlayer_lowered  }
0x9b: {  	s22 =	simm.s32 $0x1BFF;
	s21 =	sshll.u32 s6, $0x1;
	s3 =	sadd.s32 s4, s19  }
0x9c: {  	s7 =	simm.s32 $0x0;
	s20 =	sshll.u32 s5, $0x1;
	s5 =	sadd.s32 s21, s3  }
0x9d: {  	[timem:s7], [sflag:s22] =	dma.local [hbm:s5], s20  }
0x9e: {  	_ =	swait.ge [sflag:s22], s20  }
0x9f: {  	s4 =	ssub.s32 $0x0, s20;
	[sflag:s22] =	ssyncset.done $0x0  }
0xa0: {  	[sflag:s22] =	ssyncadd.s32 s4;
	_ =	sdelay $0x1  }
0xa1: {  	s23 =	simm.s32 $0x1B8B  }
0xa2: {  	_ =	swait.ge [sflag:s23], $0x1  }
0xa3: {  	[sflag:s23] =	ssyncset.done $0x0  }
0xa4: {  	s25 =	simm.s32 $0x1B8E;
	s24 =	sld [smem:$0x3FFE];
	[sflag:s23] =	ssyncadd.s32 $0xFFFFFFFF  }
0xa5: {  	s26 =	simm.s32 $execute0_lowered;
	[smem:$0x3FD2] =	sst s25  }
0xa6: {  	s5 =	sshll.u32 s26, $0x1;
	_ =	strace $0x80000049;
	[dreg:$0x1] =	wrdreg $0xFFFFFFFF  }
0xa7: {  	s28 =	simm.s32 $_size_execute0_lowered;
	s3 =	sadd.s32 s3, s5;
	[dreg:$0x0] =	wrdreg $0x0  }
0xa8: {  	s5 =	sshll.u32 s28, $0x1;
	[dreg:$0x2] =	wrdreg s3  }
0xa9: {  	[dreg:$0x3] =	wrdreg s5  }
0xaa: {  	[dreg:$0x4] =	wrdreg $0xC0  }
0xab: {  	_ =	task [dreg:s7], $0x5FFFF  }
0xac: {  	[dreg:$0x1] =	wrdreg $0xFFFFFFFF  }
0xad: {  	[dreg:$0x0] =	wrdreg $0x60  }
0xae: {  	[dreg:$0x2] =	wrdreg s2  }
0xaf: {  	[dreg:$0x3] =	wrdreg s24  }
0xb0: {  	[dreg:$0x4] =	wrdreg $0xB8000  }
0xb1: {  	[dreg:$0x5] =	wrdreg $0x9  }
0xb2: {  	_ =	task.clear_ibuf [dreg:s7], $0x6FFFF;
	_ =	strace $0x90000049  }
0xb3: {  	s29 =	simm.s32 $0x9;
	_ =	strace $0x8000004B  }
0xb4: {  	_ =	swait.ge [sflag:s29], $0x1  }
0xb5: {  	[sflag:s29] =	ssyncadd.s32 $0xFFFFFFFF  }
0xb6: {  	_ =	strace $0x9000004B  }
0xb7: {  	_ =	sfence  }
0xb8: {  	s30 =	sld [smem:$0x0];
	_ =	sdelay $0x2  }
0xb9: {  	s31 =	sshll.u32 s1, $0xD;
	s1 =	sshrl.u32 s1, $0x2  }
0xba: {  	s3 =	sand.u32 $0x4000, s31;
	s1 =	sadd.s32 s1, s30  }
0xbb: {  	s0 =	sor.u32 s3, s0;
	s1 =	sshll.u32 s1, $0x11  }
0xbc: {  	s0 =	sor.u32 s1, s0  }
0xbd: {  	s0 =	sadd.s32 $0x8F2B, s0  }
0xbe: {  	[sflag:s0] =	ssyncadd.remote.s32 $0x1  }
0xbf: {  	_ =	sfence.sel $0xFFFF  }
0xc0: {  	[dreg:$0x0] =	wrdreg $0xFFFFFFFF;
	(pc) =	sbr.abs _section_cstart, $3  }
0xc1: {  	[dreg:$0x1] =	wrdreg $0xFFFFFFFF  }
0xc2: {  	_ =	task.clear_ibuf [dreg:s7], $0x2FFFF;
	_ =	strace $0x9FFFFFFF  }
0xc3: {  	(tm) =	ssettm $0x7FFFFFFF  }
tec
execute0_lowered:
.L_overlay_start_1:
0x0: {  	(tag) =	ssettag $0x1  }
0x1: {  	s1 =	rddreg [dreg:$0x0]  }
0x2: {  	s2 =	srdreg.scid;
	s9 =	rddreg [dreg:$0x1]  }
0x3: {  	s0 =	stileid.u32;
	s3 =	rddreg [dreg:$0x2];
	s4 =	simm.s32 $0x0  }
0x4: {  	s15 =	simm.s32 $0x5000;
	s19 =	simm.s32 $0x80;
	s20 =	simm.s32 $0x7800  }
0x5: {  	s21 =	simm.s32 $0x1;
	s22 =	simm.s32 $0x0;
	s6 =	sand.u32 $0x1, s2  }
0x6: {  	s28 =	sshll.u32 s0, $0x1;
	s2 =	rddreg [dreg:$0x3];
	s11 =	smul.u32 $0x4E000, s0  }
0x7: {  	[smem:$0x7FF] =	sst s4;
	s12 =	sadd.s32 $0x23200, s9;
	s14 =	smul.u32 $0x13800, s0  }
0x8: {  	s18 =	sadd.s32 $0x138000, s3;
	p0 =	sne.s32 s0, $0xF;
	s16 =	sshll.u32 s0, $0x6  }
0x9: {  	s5 =	sor.u32 s6, s28;
	_ =	strace $0x8000004A;
	s7 =	ssub.s32 $0x2, s6  }
0xa: {  	s29 =	smul.u32 $0x138800, s6;
	s16 =	sor.u32 $0x1C02, s16;
	s18 =	sshrl.u32 @!p0 s18, $0x3  }
0xb: {  	s5 =	smul.u32 $0x500, s5;
	s10 =	sshrl.u32 s7, $0x1;
	s11 =	sshrl.u32 s11, $0x2  }
0xc: {  	s13 =	ssub.s32 s7, s10;
	s17 =	sadd.s32 s11, s3;
	s30 =	sadd.s32 s14, s29  }
0xd: {  	s10 =	sshrl.u32 s29, $0x3;
	s14 =	simm.s32 $0x2800;
	s8 =	sadd.s32 s5, s9  }
0xe: {  	s5 =	sadd.s32 $0x20A00, s9;
	s9 =	sadd.s32 $0x23100, s9;
	s11 =	sshrl.u32 s30, $0x3  }
0xf: {  	s31 =	sadd.s32 s12, s10;
	s17 =	sshrl.u32 s17, $0x3;
	s6 =	sadd.s32 $0xCA00, s8  }
0x10: {  	s7 =	sadd.s32 $0x2A00, s8;
	s8 =	sadd.s32 $0x16A00, s8;
	s10 =	sadd.s32 s12, s11  }
0x11: {  	s11 =	sadd.s32 $0x27000, s31;
	s12 =	smax.u32 s13, $0x1;
	s13 =	simm.s32 $0x2  }
.LBB2_1:
0x12: {  	[tilespmem:s4], [sflag:$0x2] =	stream.linear.gather [hbm4b:s6+s4], $0x2800, $0x38;
	[tilespmem:$0x1F080] =	vst v63  }
0x13: {  	_ =	swait.ge [sflag:s13], $0x2800  }
0x14: {  	[sflag:s13] =	ssyncset.done $0x0  }
0x15: {  	[sflag:s13] =	ssyncadd.s32 $0xFFFFD800  }
0x16: {  	[tilespmem:s14], [sflag:$0x2] =	stream.linear.gather [hbm4b:s7+s4], $0x2800, $0x38;
	[tilespmem:$0x1F080] =	vst v63  }
0x17: {  	_ =	swait.ge [sflag:s13], $0x2800  }
0x18: {  	[sflag:s13] =	ssyncset.done $0x0  }
0x19: {  	[sflag:s13] =	ssyncadd.s32 $0xFFFFD800  }
0x1a: {  	[tilespmem:s15], [sflag:$0x2] =	stream.linear.gather [hbm4b:s8+s4], $0x2800, $0x38;
	[tilespmem:$0x1F080] =	vst v63  }
0x1b: {  	_ =	swait.ge [sflag:s13], $0x2800  }
0x1c: {  	[sflag:s13] =	ssyncset.done $0x0  }
0x1d: {  	[sflag:s13] =	ssyncadd.s32 $0xFFFFD800  }
0x1e: {  	[spmem:s17], [sflag:s16] =	dma.local [hbm:s5], $0x2700  }
0x1f: {  	_ =	swait.ge [sflag:s13], $0x2700  }
0x20: {  	[sflag:s13] =	ssyncset.done $0x0  }
0x21: {  	s23 =	simm.s32 @!p0 $0x2;
	[sflag:s13] =	ssyncadd.s32 $0xFFFFD900  }
0x22: {  	[spmem:s18], [sflag:s16] =	dma.local @!p0 [hbm:s9], $0x100  }
0x23: {  	_ =	swait.ge @!p0 [sflag:s23], $0x100  }
0x24: {  	[sflag:s23] =	ssyncset.done @!p0 $0x0  }
0x25: {  	[sflag:s23] =	ssyncadd.s32 @!p0 $0xFFFFFF00  }
0x26: {  	s23 =	simm.s32 $0x0;
	[bflag:$0x0] =	sbarrier.arrive $0xFFFF  }
.LBB2_2:
0x27: {  	s25 =	simm.s32 $0x0  }
0x28: {  	s24 =	sshll.u32 s23, $0x7;
	v1 =	vmov s25  }
0x29: {  	s31 =	sadd.s32 $0x2800, s24;
	v0 =	vmov s24;
	v1 =	vand.u32 $0x7F, v1  }
0x2a: {  	[tilespmem:s20], [sflag:$0x1] =	stream.indirect.gather [hbm4b:s1+s19], $0x80, s31, s19, $0xb8;
	v1 =	vadd.s32 v0, v1;
	[tilespmem:$0x1F080] =	vst v63  }
0x2b: {  	_ =	swait.ge [sflag:s21], $0x4000;
	v1 =	vbroadcast v1, $0x0  }
0x2c: {  	[sflag:s21] =	ssyncset.done $0x0  }
0x2d: {  	s25 =	simm.s32 $0x7840;
	[sflag:s21] =	ssyncadd.s32 $0xFFFFC000  }
0x2e: {  	v5 =	vld [tilespmem:s25+$0x30]  }
0x2f: {  	v8 =	vld [tilespmem:s25+$0x10]  }
0x30: {  	v6 =	vld [tilespmem:s25+$0xFFFFFFC0]  }
0x31: {  	v2 =	vld.idx.msk [tilespmem:v1+s15+$0x0], $0xffff  }
0x32: {  	v11 =	vld [tilespmem:s25+$0xFFFFFFE0]  }
0x33: {  	v3 =	vld [tilespmem:s25+$0x20]  }
0x34: {  	v4 =	vld [tilespmem:s25+$0xFFFFFFD0]  }
0x35: {  	v1 =	vld [tilespmem:s25+$0xFFFFFFF0]  }
0x36: {  	v9 =	vmul.f32 v5, v2;
	v5 =	vld [tilespmem:s25+$0x0]  }
0x37: {  	s26 =	simm.s32 $0x1;
	v7 =	vmul.f32 v6, v2  }
0x38: {  	s28 =	simm.s32 $0x2;
	v10 =	vmov s26;
	s26 =	simm.s32 $0x7840;
	v6 =	vmul.f32 v11, v2;
	v8 =	vmul.f32 v8, v2  }
.LBB2_3:
0x39: {  	p1 =	sne.s32 s28, $0x7F  }
0x3a: {  	v10 =	vand.u32 $0x7F, v10;
	v4 =	vmul.f32 v4, v2;
	v3 =	vmul.f32 v3, v2;
	[tilespmem:s25+$0x30] =	vst v9;
	s26 =	sadd.s32 $0x80, s26;
	s29 =	smov.u32 s28;
	s28 =	sadd.s32 $0x1, s28  }
0x3b: {  	v9 =	vadd.s32 v0, v10;
	[tilespmem:s25+$0xFFFFFFC0] =	vst v7;
	v7 =	vmul.f32 v1, v2;
	v2 =	vmul.f32 v5, v2  }
0x3c: {  	v5 =	vbroadcast v9, $0x0;
	[tilespmem:s25+$0x10] =	vst v8  }
0x3d: {  	[tilespmem:s25+$0xFFFFFFE0] =	vst v6  }
0x3e: {  	v1 =	vld [tilespmem:s26+$0xFFFFFFF0];
	[tilespmem:s25+$0xFFFFFFF0] =	vst v7  }
0x3f: {  	v6 =	vld [tilespmem:s26+$0x30];
	[tilespmem:s25+$0x0] =	vst v2  }
0x40: {  	v8 =	vld [tilespmem:s26+$0x10];
	[tilespmem:s25+$0x20] =	vst v3  }
0x41: {  	v7 =	vld [tilespmem:s26+$0xFFFFFFC0];
	[tilespmem:s25+$0xFFFFFFD0] =	vst v4;
	s25 =	smov.u32 s26  }
0x42: {  	v2 =	vld.idx.msk [tilespmem:v5+s15+$0x0], $0xffff  }
0x43: {  	v11 =	vld [tilespmem:s26+$0xFFFFFFE0]  }
0x44: {  	v3 =	vld [tilespmem:s26+$0x20]  }
.Ltmp0:
0x45: {  	v4 =	vld [tilespmem:s26+$0xFFFFFFD0];
	(pc) =	sbr.rel @p1 .LBB2_3-.Ltmp0, $3  }
0x46: {  	v5 =	vld [tilespmem:s26+$0x0];
	_ =	sdelay $0x1  }
0x47: {  	v7 =	vmul.f32 v7, v2;
	v9 =	vmul.f32 v6, v2  }
0x48: {  	v10 =	vmov s29;
	v8 =	vmul.f32 v8, v2;
	v6 =	vmul.f32 v11, v2  }
0x49: {  	[tilespmem:s25+$0x30] =	vst v9;
	v53 =	vand.u32 $0x7F, v10  }
0x4a: {  	[tilespmem:s25+$0xFFFFFFC0] =	vst v7;
	v0 =	vadd.s32 v0, v53  }
0x4b: {  	v1 =	vmul.f32 v1, v2;
	[tilespmem:s25+$0x10] =	vst v8;
	v0 =	vbroadcast v0, $0x0  }
0x4c: {  	s26 =	sadd.s32 $0x80, s26;
	[tilespmem:s25+$0xFFFFFFE0] =	vst v6;
	v5 =	vmul.f32 v5, v2  }
0x4d: {  	v55 =	vmul.f32 v4, v2;
	v6 =	vld [tilespmem:s26+$0xFFFFFFF0];
	[tilespmem:s25+$0xFFFFFFF0] =	vst v1  }
0x4e: {  	v3 =	vmul.f32 v3, v2;
	v54 =	vld [tilespmem:s26+$0x30];
	[tilespmem:s25+$0x0] =	vst v5  }
0x4f: {  	v57 =	vld [tilespmem:s26+$0xFFFFFFC0];
	[tilespmem:s25+$0xFFFFFFD0] =	vst v55  }
0x50: {  	v56 =	vld [tilespmem:s26+$0x10];
	[tilespmem:s25+$0x20] =	vst v3  }
0x51: {  	v0 =	vld.idx.msk [tilespmem:v0+s15+$0x0], $0xffff;
	_ =	sdelay $0x2  }
0x52: {  	v2 =	vld [tilespmem:s26+$0xFFFFFFE0];
	_ =	sdelay $0x1  }
0x53: {  	v5 =	vld [tilespmem:s26+$0x0];
	v1 =	vmul.f32 v54, v0  }
0x54: {  	v58 =	vld [tilespmem:s26+$0x20];
	v3 =	vmul.f32 v57, v0  }
0x55: {  	v59 =	vld [tilespmem:s26+$0xFFFFFFD0];
	v4 =	vmul.f32 v56, v0;
	[tilespmem:s26+$0x30] =	vst v1  }
0x56: {  	v60 =	vmul.f32 v2, v0;
	[tilespmem:s26+$0xFFFFFFC0] =	vst v3  }
0x57: {  	v61 =	vmul.f32 v6, v0;
	[tilespmem:s26+$0x10] =	vst v4  }
0x58: {  	v62 =	vmul.f32 v5, v0;
	[tilespmem:s26+$0xFFFFFFE0] =	vst v60  }
0x59: {  	v63 =	vmul.f32 v58, v0;
	[tilespmem:s26+$0xFFFFFFF0] =	vst v61  }
0x5a: {  	s23 =	sadd.s32 $0x1, s23;
	v0 =	vmul.f32 v59, v0;
	[tilespmem:s26+$0x0] =	vst v62  }
0x5b: {  	p1 =	sne.s32 s23, $0x50;
	[tilespmem:s26+$0x20] =	vst v63  }
.Ltmp1:
0x5c: {  	[tilespmem:s26+$0xFFFFFFD0] =	vst v0;
	(pc) =	sbr.rel @p1 .LBB2_2-.Ltmp1, $4  }
0x5d: {  	[spmem:s3] =	stream.indirect.scatter.add.f32 [tilespmem:s20], [sflag:$0x2], $0x80, s24, s19, $0xb8;
	[tilespmem:$0x1F080] =	vst v63  }
0x5e: {  	_ =	swait.ge [sflag:s13], $0x4000  }
0x5f: {  	[sflag:s13] =	ssyncset.done $0x0  }
0x60: {  	[sflag:s13] =	ssyncadd.s32 $0xFFFFC000  }
0x61: {  	[bflag:$0x0] =	sbarrier.arrive $0xFFFF  }
0x62: {  	[hbm:s10], [sflag:s16] =	dma.local [spmem:s17], $0x2700  }
0x63: {  	s22 =	sadd.s32 $0x1, s22;
	_ =	swait.ge [sflag:s13], $0x2700  }
0x64: {  	p1 =	sne.s32 s22, s12;
	[sflag:s13] =	ssyncset.done $0x0  }
.Ltmp2:
0x65: {  	s23 =	simm.s32 @!p0 $0x2;
	[sflag:s13] =	ssyncadd.s32 $0xFFFFD900;
	(pc) =	sbr.rel @p1 .LBB2_1-.Ltmp2, $4  }
0x66: {  	[hbm:s11], [sflag:s16] =	dma.local @!p0 [spmem:s18], $0x100  }
0x67: {  	_ =	swait.ge @!p0 [sflag:s23], $0x100  }
0x68: {  	[sflag:s23] =	ssyncset.done @!p0 $0x0  }
0x69: {  	[sflag:s23] =	ssyncadd.s32 @!p0 $0xFFFFFF00  }
0x6a: {  	_ =	sfence.sel $0x180000  }
0x6b: {  	[bflag:$0x0] =	sbarrier.arrive $0xFFFF  }
0x6c: {  	p0 =	sne.s32 s0, $0x0;
	_ =	strace $0x9000004A  }
0x6d: {  	s0 =	sadd.s32 @!p0 $0x100000, s2;
	[bflag:$0x2] =	sbarrier.arrive $0xFFFF  }
0x6e: {  	[sflag:s0] =	ssyncadd.tile.s32 @!p0 $0x1;
	_ =	shalt  }
.Lfunc_end2:
_tile_overlayer_lowered:
.L_overlay_start_2:
0x6f: {  	(tag) =	ssettag $0x2  }
0x70: {  	s0 =	rddreg [dreg:$0x0];
	s2 =	stileid.u32  }
0x71: {  	s1 =	rddreg [dreg:$0x1];
	p0 =	sne.s32 s2, $0x0  }
0x72: {  	s3 =	rddreg [dreg:$0x2];
	[bflag:$0x3] =	sbarrier.arrive $0xFFFF;
	s2 =	simm.s32 @!p0 $0x1C02  }
0x73: {  	[timem:s3], [sflag:s2] =	dma.local @!p0 [hbm:s0], s1  }
0x74: {  	s0 =	simm.s32 @!p0 $0x2  }
0x75: {  	_ =	swait.ge @!p0 [sflag:s0], s1  }
0x76: {  	s1 =	ssub.s32 @!p0 $0x0, s1;
	[sflag:s0] =	ssyncset.done @!p0 $0x0  }
0x77: {  	[sflag:s0] =	ssyncadd.s32 @!p0 s1  }
0x78: {  	[bflag:$0x3] =	sbarrier.arrive $0xFFFF  }
0x79: {  	_ =	shalt  }

// kernel: kernel.15.cloned.1.call-start
scs
__scs_entry_jumppad:
0x0: {  	(pc) =	sbr.rel $0x88, $3  }
0x1: {  	(tag) =	ssettag $0x0;
	lr =	simm.s32 $0x1  }
0x2: {  	[smem:$0x3F9C] =	sst lr;
	_ =	strace $0xD0000000  }
0x3: {  	_ = 	snop  }
0x4: {  	_ = 	snop  }
0x5: {  	_ = 	snop  }
0x6: {  	_ = 	snop  }
0x7: {  	_ = 	snop  }
__scs_overlays_trampoline_lowered:
0x8: {  	[smem:$0x3FAB] =	sst s0  }
0x9: {  	[smem:$0x3FAC] =	sst s1  }
0xa: {  	[smem:$0x3FAD] =	sst s2  }
0xb: {  	[smem:$0x3FAE] =	sst s3  }
0xc: {  	[smem:$0x3FAF] =	sst s4  }
0xd: {  	[smem:$0x3FB0] =	sst s5  }
0xe: {  	[smem:$0x3FB1] =	sst s6  }
0xf: {  	[smem:$0x3FB2] =	sst s7  }
0x10: {  	[smem:$0x3FB3] =	sst s8  }
0x11: {  	[smem:$0x3FB4] =	sst s9;
	s0 =	simm.s32 @!p0 $0x0  }
0x12: {  	s1 =	sld [smem:$0x3F9A];
	s0 =	simm.s32 @p0 $0x1  }
0x13: {  	[smem:$0x3FB5] =	sst s0;
	s0 =	simm.s32 @!p1 $0x0  }
0x14: {  	s2 =	sld [smem:$0x3F99];
	s0 =	simm.s32 @p1 $0x1  }
0x15: {  	[smem:$0x3FB6] =	sst s0;
	s0 =	simm.s32 @!p2 $0x0  }
0x16: {  	s3 =	sld [smem:$0x3FDB];
	s0 =	simm.s32 @p2 $0x1  }
0x17: {  	s4 =	simm.s32 $0x1BF5;
	[smem:$0x3FB8] =	sst s0  }
0x18: {  	s0 =	sld [smem:$0x3F9B];
	_ =	swait.ge [sflag:s4], $0x0  }
0x19: {  	s7 =	sld [smem:$0x3F9C]  }
0x1a: {  	s8 =	sadd.s32 $0xFFFFE003, lr  }
0x1b: {  	s9 =	sadd.s32 $0xFFFFFEF7, lr;
	s5 =	simm.s32 $0xFFFFFFFF;
	p2 =	slt.u32 s8, $0xFFFFF086  }
0x1c: {  	p1 =	slt.u32 s9, $0xF7A;
	s5 =	simm.s32 @!p2 $0x0  }
0x1d: {  	s5 =	simm.s32 @p1 $0x1;
	p0 =	seq.s32 s7, s2  }
0x1e: {  	s7 =	smul.u32 @!p0 $0xF7A, s2;
	p2 =	seq.s32 @!p0 s5, $0x0  }
0x1f: {  	s9 =	smul.u32 $0xF7A, s1;
	s8 =	simm.s32 @!p0 $0x1BF5;
	p2 =	por !p2, p0  }
0x20: {  	[sflag:s8] =	ssyncset.s32 @!p0 $0xFFFFF086;
	s6 =	sadd.s32 @!p0 s3, s7;
	s7 =	simm.s32 @!p0 $0x108  }
0x21: {  	s3 =	sadd.s32 s3, s9;
	s6 =	sadd.s32 @!p0 $0x88, s6;
	s7 =	simm.s32 @p2 $0x1082  }
0x22: {  	[simem:s7], [sflag:s8] =	dma.local @!p0 [hbm:s6], $0xF7A  }
0x23: {  	s9 =	sor.u32 $0xD0000000, s2;
	s6 =	simm.s32 $0x108;
	_ =	swait.ge @!p0 [sflag:s8], $0x0  }
0x24: {  	s3 =	sadd.s32 $0x88, s3;
	s6 =	simm.s32 @!p1 $0x1082;
	[sflag:s4] =	ssyncset.s32 $0xFFFFF086  }
0x25: {  	[simem:s6], [sflag:s4] =	dma.local [hbm:s3], $0xF7A  }
0x26: {  	[smem:$0x3F9C] =	sst s1;
	(tag) =	ssettag s2;
	_ =	strace s9  }
0x27: {  	s1 =	sld [smem:$0x3FAC]  }
0x28: {  	s2 =	sld [smem:$0x3FAD]  }
0x29: {  	s4 =	sld [smem:$0x3FAF]  }
0x2a: {  	p0 =	seq.s32 s5, $0x0;
	s5 =	sld [smem:$0x3FB0]  }
0x2b: {  	s6 =	sld [smem:$0x3FB1]  }
0x2c: {  	s7 =	sld [smem:$0x3FB2]  }
0x2d: {  	s3 =	simm.s32 $0x108;
	s8 =	sld [smem:$0x3FB3]  }
0x2e: {  	s3 =	simm.s32 @!p0 $0x1082;
	s9 =	sld [smem:$0x3FB4]  }
0x2f: {  	lr =	sadd.s32 s0, s3;
	s0 =	sld [smem:$0x3FAB]  }
0x30: {  	s3 =	sld [smem:$0x3FAE]  }
0x31: {  	[smem:$0x3FB7] =	sst s10  }
0x32: {  	s10 =	sld [smem:$0x3FB5];
	_ =	sdelay $0x3  }
0x33: {  	p0 =	seq.s32 s10, $0x1;
	s10 =	sld [smem:$0x3FB7];
	_ =	sdelay $0x3  }
0x34: {  	[smem:$0x3FB7] =	sst s10  }
0x35: {  	s10 =	sld [smem:$0x3FB6];
	_ =	sdelay $0x3  }
0x36: {  	p1 =	seq.s32 s10, $0x1;
	s10 =	sld [smem:$0x3FB7];
	_ =	sdelay $0x3  }
0x37: {  	[smem:$0x3FB7] =	sst s10  }
0x38: {  	s10 =	sld [smem:$0x3FB8]  }
0x39: {  	_ = 	snop;
	(pc) =	sbr.ind lr, $3  }
0x3a: {  	_ = 	snop  }
0x3b: {  	_ = 	snop  }
0x3c: {  	p2 =	seq.s32 s10, $0x1;
	s10 =	sld [smem:$0x3FB7]  }
0x3d: {  	_ =	shalt  }
0x3e: {  	_ =	shalt  }
0x3f: {  	_ =	shalt  }
0x40: {  	_ =	shalt  }
0x41: {  	_ =	shalt  }
0x42: {  	_ =	shalt  }
0x43: {  	_ =	shalt  }
0x44: {  	_ =	shalt  }
0x45: {  	_ =	shalt  }
0x46: {  	_ =	shalt  }
0x47: {  	_ =	shalt  }
0x48: {  	_ =	shalt  }
0x49: {  	_ =	shalt  }
0x4a: {  	_ =	shalt  }
0x4b: {  	_ =	shalt  }
0x4c: {  	_ =	shalt  }
0x4d: {  	_ =	shalt  }
0x4e: {  	_ =	shalt  }
0x4f: {  	_ =	shalt  }
0x50: {  	_ =	shalt  }
0x51: {  	_ =	shalt  }
0x52: {  	_ =	shalt  }
0x53: {  	_ =	shalt  }
0x54: {  	_ =	shalt  }
0x55: {  	_ =	shalt  }
0x56: {  	_ =	shalt  }
0x57: {  	_ =	shalt  }
0x58: {  	_ =	shalt  }
0x59: {  	_ =	shalt  }
0x5a: {  	_ =	shalt  }
0x5b: {  	_ =	shalt  }
0x5c: {  	_ =	shalt  }
0x5d: {  	_ =	shalt  }
0x5e: {  	_ =	shalt  }
0x5f: {  	_ =	shalt  }
0x60: {  	_ =	shalt  }
0x61: {  	_ =	shalt  }
0x62: {  	_ =	shalt  }
0x63: {  	_ =	shalt  }
0x64: {  	_ =	shalt  }
0x65: {  	_ =	shalt  }
0x66: {  	_ =	shalt  }
0x67: {  	_ =	shalt  }
0x68: {  	_ =	shalt  }
0x69: {  	_ =	shalt  }
0x6a: {  	_ =	shalt  }
0x6b: {  	_ =	shalt  }
0x6c: {  	_ =	shalt  }
0x6d: {  	_ =	shalt  }
0x6e: {  	_ =	shalt  }
0x6f: {  	_ =	shalt  }
0x70: {  	_ =	shalt  }
0x71: {  	_ =	shalt  }
0x72: {  	_ =	shalt  }
0x73: {  	_ =	shalt  }
0x74: {  	_ =	shalt  }
0x75: {  	_ =	shalt  }
0x76: {  	_ =	shalt  }
0x77: {  	_ =	shalt  }
0x78: {  	_ =	shalt  }
0x79: {  	_ =	shalt  }
0x7a: {  	_ =	shalt  }
0x7b: {  	_ =	shalt  }
0x7c: {  	_ =	shalt  }
0x7d: {  	_ =	shalt  }
0x7e: {  	_ =	shalt  }
0x7f: {  	_ =	shalt  }
0x80: {  	_ =	shalt  }
0x81: {  	_ =	shalt  }
0x82: {  	_ =	shalt  }
0x83: {  	_ =	shalt  }
0x84: {  	_ =	shalt  }
0x85: {  	_ =	shalt  }
0x86: {  	_ =	shalt  }
0x87: {  	_ =	shalt  }
.Lfunc_end0:
.L_simem_size_0:
called_computation.2_lowered:
.L_overlay_start_0:
0x88: {  	s2 =	sld [smem:$0x3FD9]  }
0x89: {  	s3 =	sld [smem:$0x3FFE];
	_ =	sdelay $0x1  }
0x8a: {  	s1 =	srdreg.scid  }
0x8b: {  	s0 =	sand.u32 $0x1, s1  }
0x8c: {  	s17 =	sshll.u32 s0, $0xA;
	s2 =	sadd.s32 s3, s2  }
0x8d: {  	s2 =	sadd.s32 s2, s17  }
0x8e: {  	[smem:$0x3FC3] =	sst s2  }
0x8f: {  	_ = 	snop  }
0x90: {  	s2 =	sld [smem:$0x3FD0];
	(tm) =	ssettm $0x1  }
0x91: {  	s18 =	sld [smem:$0x3FFB];
	_ =	sdelay $0x3  }
0x92: {  	_ =	strace s18  }
0x93: {  	s3 =	sld [smem:$0x3FFC];
	_ =	sdelay $0x3  }
0x94: {  	_ =	strace s3  }
0x95: {  	s3 =	sld [smem:$0x3FFD];
	_ =	sdelay $0x3  }
0x96: {  	_ =	strace s3  }
0x97: {  	_ =	strace $0x8FFFFFFF  }
0x98: {  	s19 =	sld [smem:$0x3FDB];
	_ =	sdelay $0x1  }
0x99: {  	s4 =	simm.s32 $_scs_section_size  }
0x9a: {  	s5 =	simm.s32 $_size__tile_overlayer_lowered;
	s6 =	simm.s32 $_tile_overlayer_lowered  }
0x9b: {  	s22 =	simm.s32 $0x1BFF;
	s21 =	sshll.u32 s6, $0x1;
	s3 =	sadd.s32 s4, s19  }
0x9c: {  	s7 =	simm.s32 $0x0;
	s20 =	sshll.u32 s5, $0x1;
	s5 =	sadd.s32 s21, s3  }
0x9d: {  	[timem:s7], [sflag:s22] =	dma.local [hbm:s5], s20  }
0x9e: {  	_ =	swait.ge [sflag:s22], s20  }
0x9f: {  	s4 =	ssub.s32 $0x0, s20;
	[sflag:s22] =	ssyncset.done $0x0  }
0xa0: {  	[sflag:s22] =	ssyncadd.s32 s4;
	_ =	sdelay $0x1  }
0xa1: {  	s23 =	simm.s32 $0x1B8B  }
0xa2: {  	_ =	swait.ge [sflag:s23], $0x1  }
0xa3: {  	[sflag:s23] =	ssyncset.done $0x0  }
0xa4: {  	s25 =	simm.s32 $0x1B8E;
	s24 =	sld [smem:$0x3FFE];
	[sflag:s23] =	ssyncadd.s32 $0xFFFFFFFF  }
0xa5: {  	s26 =	simm.s32 $execute0_lowered;
	[smem:$0x3FD2] =	sst s25  }
0xa6: {  	s5 =	sshll.u32 s26, $0x1;
	_ =	strace $0x8000004C;
	[dreg:$0x1] =	wrdreg $0xFFFFFFFF  }
0xa7: {  	s28 =	simm.s32 $_size_execute0_lowered;
	s3 =	sadd.s32 s3, s5;
	[dreg:$0x0] =	wrdreg $0x0  }
0xa8: {  	s5 =	sshll.u32 s28, $0x1;
	[dreg:$0x2] =	wrdreg s3  }
0xa9: {  	[dreg:$0x3] =	wrdreg s5  }
0xaa: {  	[dreg:$0x4] =	wrdreg $0xC0  }
0xab: {  	_ =	task [dreg:s7], $0x5FFFF  }
0xac: {  	[dreg:$0x1] =	wrdreg $0xFFFFFFFF  }
0xad: {  	[dreg:$0x0] =	wrdreg $0x60  }
0xae: {  	[dreg:$0x2] =	wrdreg s2  }
0xaf: {  	[dreg:$0x3] =	wrdreg s24  }
0xb0: {  	[dreg:$0x4] =	wrdreg $0xB8000  }
0xb1: {  	[dreg:$0x5] =	wrdreg $0x9  }
0xb2: {  	_ =	task.clear_ibuf [dreg:s7], $0x6FFFF;
	_ =	strace $0x9000004C  }
0xb3: {  	s29 =	simm.s32 $0x9;
	_ =	strace $0x8000004E  }
0xb4: {  	_ =	swait.ge [sflag:s29], $0x1  }
0xb5: {  	[sflag:s29] =	ssyncadd.s32 $0xFFFFFFFF  }
0xb6: {  	_ =	strace $0x9000004E  }
0xb7: {  	_ =	sfence  }
0xb8: {  	s30 =	sld [smem:$0x0];
	_ =	sdelay $0x2  }
0xb9: {  	s31 =	sshll.u32 s1, $0xD;
	s1 =	sshrl.u32 s1, $0x2  }
0xba: {  	s3 =	sand.u32 $0x4000, s31;
	s1 =	sadd.s32 s1, s30  }
0xbb: {  	s0 =	sor.u32 s3, s0;
	s1 =	sshll.u32 s1, $0x11  }
0xbc: {  	s0 =	sor.u32 s1, s0  }
0xbd: {  	s0 =	sadd.s32 $0x8F2B, s0  }
0xbe: {  	[sflag:s0] =	ssyncadd.remote.s32 $0x1  }
0xbf: {  	_ =	sfence.sel $0xFFFF  }
0xc0: {  	[dreg:$0x0] =	wrdreg $0xFFFFFFFF;
	(pc) =	sbr.abs _section_cstart, $3  }
0xc1: {  	[dreg:$0x1] =	wrdreg $0xFFFFFFFF  }
0xc2: {  	_ =	task.clear_ibuf [dreg:s7], $0x2FFFF;
	_ =	strace $0x9FFFFFFF  }
0xc3: {  	(tm) =	ssettm $0x7FFFFFFF  }
tec
execute0_lowered:
.L_overlay_start_1:
0x0: {  	(tag) =	ssettag $0x1  }
0x1: {  	s1 =	rddreg [dreg:$0x0]  }
0x2: {  	s2 =	srdreg.scid;
	s9 =	rddreg [dreg:$0x1]  }
0x3: {  	s0 =	stileid.u32;
	s3 =	rddreg [dreg:$0x2];
	s4 =	simm.s32 $0x0  }
0x4: {  	s15 =	simm.s32 $0x5000;
	s19 =	simm.s32 $0x80;
	s20 =	simm.s32 $0x7800  }
0x5: {  	s21 =	simm.s32 $0x1;
	s22 =	simm.s32 $0x0;
	s6 =	sand.u32 $0x1, s2  }
0x6: {  	s28 =	sshll.u32 s0, $0x1;
	s2 =	rddreg [dreg:$0x3];
	s11 =	smul.u32 $0x4E000, s0  }
0x7: {  	[smem:$0x7FF] =	sst s4;
	s12 =	sadd.s32 $0x23200, s9;
	s14 =	smul.u32 $0x13800, s0  }
0x8: {  	s18 =	sadd.s32 $0x138000, s3;
	p0 =	sne.s32 s0, $0xF;
	s16 =	sshll.u32 s0, $0x6  }
0x9: {  	s5 =	sor.u32 s6, s28;
	_ =	strace $0x8000004D;
	s7 =	ssub.s32 $0x2, s6  }
0xa: {  	s29 =	smul.u32 $0x138800, s6;
	s16 =	sor.u32 $0x1C02, s16;
	s18 =	sshrl.u32 @!p0 s18, $0x3  }
0xb: {  	s5 =	smul.u32 $0x500, s5;
	s10 =	sshrl.u32 s7, $0x1;
	s11 =	sshrl.u32 s11, $0x2  }
0xc: {  	s13 =	ssub.s32 s7, s10;
	s17 =	sadd.s32 s11, s3;
	s30 =	sadd.s32 s14, s29  }
0xd: {  	s10 =	sshrl.u32 s29, $0x3;
	s14 =	simm.s32 $0x2800;
	s8 =	sadd.s32 s5, s9  }
0xe: {  	s5 =	sadd.s32 $0x20A00, s9;
	s9 =	sadd.s32 $0x23100, s9;
	s11 =	sshrl.u32 s30, $0x3  }
0xf: {  	s31 =	sadd.s32 s12, s10;
	s17 =	sshrl.u32 s17, $0x3;
	s6 =	sadd.s32 $0xCA00, s8  }
0x10: {  	s7 =	sadd.s32 $0x2A00, s8;
	s8 =	sadd.s32 $0x16A00, s8;
	s10 =	sadd.s32 s12, s11  }
0x11: {  	s11 =	sadd.s32 $0x27000, s31;
	s12 =	smax.u32 s13, $0x1;
	s13 =	simm.s32 $0x2  }
.LBB2_1:
0x12: {  	[tilespmem:s4], [sflag:$0x2] =	stream.linear.gather [hbm4b:s6+s4], $0x2800, $0x38;
	[tilespmem:$0x1F080] =	vst v63  }
0x13: {  	_ =	swait.ge [sflag:s13], $0x2800  }
0x14: {  	[sflag:s13] =	ssyncset.done $0x0  }
0x15: {  	[sflag:s13] =	ssyncadd.s32 $0xFFFFD800  }
0x16: {  	[tilespmem:s14], [sflag:$0x2] =	stream.linear.gather [hbm4b:s7+s4], $0x2800, $0x38;
	[tilespmem:$0x1F080] =	vst v63  }
0x17: {  	_ =	swait.ge [sflag:s13], $0x2800  }
0x18: {  	[sflag:s13] =	ssyncset.done $0x0  }
0x19: {  	[sflag:s13] =	ssyncadd.s32 $0xFFFFD800  }
0x1a: {  	[tilespmem:s15], [sflag:$0x2] =	stream.linear.gather [hbm4b:s8+s4], $0x2800, $0x38;
	[tilespmem:$0x1F080] =	vst v63  }
0x1b: {  	_ =	swait.ge [sflag:s13], $0x2800  }
0x1c: {  	[sflag:s13] =	ssyncset.done $0x0  }
0x1d: {  	[sflag:s13] =	ssyncadd.s32 $0xFFFFD800  }
0x1e: {  	[spmem:s17], [sflag:s16] =	dma.local [hbm:s5], $0x2700  }
0x1f: {  	_ =	swait.ge [sflag:s13], $0x2700  }
0x20: {  	[sflag:s13] =	ssyncset.done $0x0  }
0x21: {  	s23 =	simm.s32 @!p0 $0x2;
	[sflag:s13] =	ssyncadd.s32 $0xFFFFD900  }
0x22: {  	[spmem:s18], [sflag:s16] =	dma.local @!p0 [hbm:s9], $0x100  }
0x23: {  	_ =	swait.ge @!p0 [sflag:s23], $0x100  }
0x24: {  	[sflag:s23] =	ssyncset.done @!p0 $0x0  }
0x25: {  	[sflag:s23] =	ssyncadd.s32 @!p0 $0xFFFFFF00  }
0x26: {  	s23 =	simm.s32 $0x0;
	[bflag:$0x0] =	sbarrier.arrive $0xFFFF  }
.LBB2_2:
0x27: {  	s25 =	simm.s32 $0x0  }
0x28: {  	s24 =	sshll.u32 s23, $0x7;
	v1 =	vmov s25  }
0x29: {  	s31 =	sadd.s32 $0x2800, s24;
	v0 =	vmov s24;
	v1 =	vand.u32 $0x7F, v1  }
0x2a: {  	[tilespmem:s20], [sflag:$0x1] =	stream.indirect.gather [hbm4b:s1+s19], $0x80, s31, s19, $0xb8;
	v1 =	vadd.s32 v0, v1;
	[tilespmem:$0x1F080] =	vst v63  }
0x2b: {  	_ =	swait.ge [sflag:s21], $0x4000;
	v1 =	vbroadcast v1, $0x0  }
0x2c: {  	[sflag:s21] =	ssyncset.done $0x0  }
0x2d: {  	s25 =	simm.s32 $0x7840;
	[sflag:s21] =	ssyncadd.s32 $0xFFFFC000  }
0x2e: {  	v5 =	vld [tilespmem:s25+$0x30]  }
0x2f: {  	v8 =	vld [tilespmem:s25+$0x10]  }
0x30: {  	v6 =	vld [tilespmem:s25+$0xFFFFFFC0]  }
0x31: {  	v2 =	vld.idx.msk [tilespmem:v1+s15+$0x0], $0xffff  }
0x32: {  	v11 =	vld [tilespmem:s25+$0xFFFFFFE0]  }
0x33: {  	v3 =	vld [tilespmem:s25+$0x20]  }
0x34: {  	v4 =	vld [tilespmem:s25+$0xFFFFFFD0]  }
0x35: {  	v1 =	vld [tilespmem:s25+$0xFFFFFFF0]  }
0x36: {  	v9 =	vmul.f32 v5, v2;
	v5 =	vld [tilespmem:s25+$0x0]  }
0x37: {  	s26 =	simm.s32 $0x1;
	v7 =	vmul.f32 v6, v2  }
0x38: {  	s28 =	simm.s32 $0x2;
	v10 =	vmov s26;
	s26 =	simm.s32 $0x7840;
	v6 =	vmul.f32 v11, v2;
	v8 =	vmul.f32 v8, v2  }
.LBB2_3:
0x39: {  	p1 =	sne.s32 s28, $0x7F  }
0x3a: {  	v10 =	vand.u32 $0x7F, v10;
	v4 =	vmul.f32 v4, v2;
	v3 =	vmul.f32 v3, v2;
	[tilespmem:s25+$0x30] =	vst v9;
	s26 =	sadd.s32 $0x80, s26;
	s29 =	smov.u32 s28;
	s28 =	sadd.s32 $0x1, s28  }
0x3b: {  	v9 =	vadd.s32 v0, v10;
	[tilespmem:s25+$0xFFFFFFC0] =	vst v7;
	v7 =	vmul.f32 v1, v2;
	v2 =	vmul.f32 v5, v2  }
0x3c: {  	v5 =	vbroadcast v9, $0x0;
	[tilespmem:s25+$0x10] =	vst v8  }
0x3d: {  	[tilespmem:s25+$0xFFFFFFE0] =	vst v6  }
0x3e: {  	v1 =	vld [tilespmem:s26+$0xFFFFFFF0];
	[tilespmem:s25+$0xFFFFFFF0] =	vst v7  }
0x3f: {  	v6 =	vld [tilespmem:s26+$0x30];
	[tilespmem:s25+$0x0] =	vst v2  }
0x40: {  	v8 =	vld [tilespmem:s26+$0x10];
	[tilespmem:s25+$0x20] =	vst v3  }
0x41: {  	v7 =	vld [tilespmem:s26+$0xFFFFFFC0];
	[tilespmem:s25+$0xFFFFFFD0] =	vst v4;
	s25 =	smov.u32 s26  }
0x42: {  	v2 =	vld.idx.msk [tilespmem:v5+s15+$0x0], $0xffff  }
0x43: {  	v11 =	vld [tilespmem:s26+$0xFFFFFFE0]  }
0x44: {  	v3 =	vld [tilespmem:s26+$0x20]  }
.Ltmp0:
0x45: {  	v4 =	vld [tilespmem:s26+$0xFFFFFFD0];
	(pc) =	sbr.rel @p1 .LBB2_3-.Ltmp0, $3  }
0x46: {  	v5 =	vld [tilespmem:s26+$0x0];
	_ =	sdelay $0x1  }
0x47: {  	v7 =	vmul.f32 v7, v2;
	v9 =	vmul.f32 v6, v2  }
0x48: {  	v10 =	vmov s29;
	v8 =	vmul.f32 v8, v2;
	v6 =	vmul.f32 v11, v2  }
0x49: {  	[tilespmem:s25+$0x30] =	vst v9;
	v53 =	vand.u32 $0x7F, v10  }
0x4a: {  	[tilespmem:s25+$0xFFFFFFC0] =	vst v7;
	v0 =	vadd.s32 v0, v53  }
0x4b: {  	v1 =	vmul.f32 v1, v2;
	[tilespmem:s25+$0x10] =	vst v8;
	v0 =	vbroadcast v0, $0x0  }
0x4c: {  	s26 =	sadd.s32 $0x80, s26;
	[tilespmem:s25+$0xFFFFFFE0] =	vst v6;
	v5 =	vmul.f32 v5, v2  }
0x4d: {  	v55 =	vmul.f32 v4, v2;
	v6 =	vld [tilespmem:s26+$0xFFFFFFF0];
	[tilespmem:s25+$0xFFFFFFF0] =	vst v1  }
0x4e: {  	v3 =	vmul.f32 v3, v2;
	v54 =	vld [tilespmem:s26+$0x30];
	[tilespmem:s25+$0x0] =	vst v5  }
0x4f: {  	v57 =	vld [tilespmem:s26+$0xFFFFFFC0];
	[tilespmem:s25+$0xFFFFFFD0] =	vst v55  }
0x50: {  	v56 =	vld [tilespmem:s26+$0x10];
	[tilespmem:s25+$0x20] =	vst v3  }
0x51: {  	v0 =	vld.idx.msk [tilespmem:v0+s15+$0x0], $0xffff;
	_ =	sdelay $0x2  }
0x52: {  	v2 =	vld [tilespmem:s26+$0xFFFFFFE0];
	_ =	sdelay $0x1  }
0x53: {  	v5 =	vld [tilespmem:s26+$0x0];
	v1 =	vmul.f32 v54, v0  }
0x54: {  	v58 =	vld [tilespmem:s26+$0x20];
	v3 =	vmul.f32 v57, v0  }
0x55: {  	v59 =	vld [tilespmem:s26+$0xFFFFFFD0];
	v4 =	vmul.f32 v56, v0;
	[tilespmem:s26+$0x30] =	vst v1  }
0x56: {  	v60 =	vmul.f32 v2, v0;
	[tilespmem:s26+$0xFFFFFFC0] =	vst v3  }
0x57: {  	v61 =	vmul.f32 v6, v0;
	[tilespmem:s26+$0x10] =	vst v4  }
0x58: {  	v62 =	vmul.f32 v5, v0;
	[tilespmem:s26+$0xFFFFFFE0] =	vst v60  }
0x59: {  	v63 =	vmul.f32 v58, v0;
	[tilespmem:s26+$0xFFFFFFF0] =	vst v61  }
0x5a: {  	s23 =	sadd.s32 $0x1, s23;
	v0 =	vmul.f32 v59, v0;
	[tilespmem:s26+$0x0] =	vst v62  }
0x5b: {  	p1 =	sne.s32 s23, $0x50;
	[tilespmem:s26+$0x20] =	vst v63  }
.Ltmp1:
0x5c: {  	[tilespmem:s26+$0xFFFFFFD0] =	vst v0;
	(pc) =	sbr.rel @p1 .LBB2_2-.Ltmp1, $4  }
0x5d: {  	[spmem:s3] =	stream.indirect.scatter.add.f32 [tilespmem:s20], [sflag:$0x2], $0x80, s24, s19, $0xb8;
	[tilespmem:$0x1F080] =	vst v63  }
0x5e: {  	_ =	swait.ge [sflag:s13], $0x4000  }
0x5f: {  	[sflag:s13] =	ssyncset.done $0x0  }
0x60: {  	[sflag:s13] =	ssyncadd.s32 $0xFFFFC000  }
0x61: {  	[bflag:$0x0] =	sbarrier.arrive $0xFFFF  }
0x62: {  	[hbm:s10], [sflag:s16] =	dma.local [spmem:s17], $0x2700  }
0x63: {  	s22 =	sadd.s32 $0x1, s22;
	_ =	swait.ge [sflag:s13], $0x2700  }
0x64: {  	p1 =	sne.s32 s22, s12;
	[sflag:s13] =	ssyncset.done $0x0  }
.Ltmp2:
0x65: {  	s23 =	simm.s32 @!p0 $0x2;
	[sflag:s13] =	ssyncadd.s32 $0xFFFFD900;
	(pc) =	sbr.rel @p1 .LBB2_1-.Ltmp2, $4  }
0x66: {  	[hbm:s11], [sflag:s16] =	dma.local @!p0 [spmem:s18], $0x100  }
0x67: {  	_ =	swait.ge @!p0 [sflag:s23], $0x100  }
0x68: {  	[sflag:s23] =	ssyncset.done @!p0 $0x0  }
0x69: {  	[sflag:s23] =	ssyncadd.s32 @!p0 $0xFFFFFF00  }
0x6a: {  	_ =	sfence.sel $0x180000  }
0x6b: {  	[bflag:$0x0] =	sbarrier.arrive $0xFFFF  }
0x6c: {  	p0 =	sne.s32 s0, $0x0;
	_ =	strace $0x9000004D  }
0x6d: {  	s0 =	sadd.s32 @!p0 $0x100000, s2;
	[bflag:$0x2] =	sbarrier.arrive $0xFFFF  }
0x6e: {  	[sflag:s0] =	ssyncadd.tile.s32 @!p0 $0x1;
	_ =	shalt  }
.Lfunc_end2:
_tile_overlayer_lowered:
.L_overlay_start_2:
0x6f: {  	(tag) =	ssettag $0x2  }
0x70: {  	s0 =	rddreg [dreg:$0x0];
	s2 =	stileid.u32  }
0x71: {  	s1 =	rddreg [dreg:$0x1];
	p0 =	sne.s32 s2, $0x0  }
0x72: {  	s3 =	rddreg [dreg:$0x2];
	[bflag:$0x3] =	sbarrier.arrive $0xFFFF;
	s2 =	simm.s32 @!p0 $0x1C02  }
0x73: {  	[timem:s3], [sflag:s2] =	dma.local @!p0 [hbm:s0], s1  }
0x74: {  	s0 =	simm.s32 @!p0 $0x2  }
0x75: {  	_ =	swait.ge @!p0 [sflag:s0], s1  }
0x76: {  	s1 =	ssub.s32 @!p0 $0x0, s1;
	[sflag:s0] =	ssyncset.done @!p0 $0x0  }
0x77: {  	[sflag:s0] =	ssyncadd.s32 @!p0 s1  }
0x78: {  	[bflag:$0x3] =	sbarrier.arrive $0xFFFF  }
0x79: {  	_ =	shalt  }

// kernel: kernel.18.cloned.1.call-start
scs
__scs_entry_jumppad:
0x0: {  	(pc) =	sbr.rel $0x88, $3  }
0x1: {  	(tag) =	ssettag $0x0;
	lr =	simm.s32 $0x1  }
0x2: {  	[smem:$0x3F9C] =	sst lr;
	_ =	strace $0xD0000000  }
0x3: {  	_ = 	snop  }
0x4: {  	_ = 	snop  }
0x5: {  	_ = 	snop  }
0x6: {  	_ = 	snop  }
0x7: {  	_ = 	snop  }
__scs_overlays_trampoline_lowered:
0x8: {  	[smem:$0x3FAB] =	sst s0  }
0x9: {  	[smem:$0x3FAC] =	sst s1  }
0xa: {  	[smem:$0x3FAD] =	sst s2  }
0xb: {  	[smem:$0x3FAE] =	sst s3  }
0xc: {  	[smem:$0x3FAF] =	sst s4  }
0xd: {  	[smem:$0x3FB0] =	sst s5  }
0xe: {  	[smem:$0x3FB1] =	sst s6  }
0xf: {  	[smem:$0x3FB2] =	sst s7  }
0x10: {  	[smem:$0x3FB3] =	sst s8  }
0x11: {  	[smem:$0x3FB4] =	sst s9;
	s0 =	simm.s32 @!p0 $0x0  }
0x12: {  	s1 =	sld [smem:$0x3F9A];
	s0 =	simm.s32 @p0 $0x1  }
0x13: {  	[smem:$0x3FB5] =	sst s0;
	s0 =	simm.s32 @!p1 $0x0  }
0x14: {  	s2 =	sld [smem:$0x3F99];
	s0 =	simm.s32 @p1 $0x1  }
0x15: {  	[smem:$0x3FB6] =	sst s0;
	s0 =	simm.s32 @!p2 $0x0  }
0x16: {  	s3 =	sld [smem:$0x3FDB];
	s0 =	simm.s32 @p2 $0x1  }
0x17: {  	s4 =	simm.s32 $0x1BF5;
	[smem:$0x3FB8] =	sst s0  }
0x18: {  	s0 =	sld [smem:$0x3F9B];
	_ =	swait.ge [sflag:s4], $0x0  }
0x19: {  	s7 =	sld [smem:$0x3F9C]  }
0x1a: {  	s8 =	sadd.s32 $0xFFFFE003, lr  }
0x1b: {  	s9 =	sadd.s32 $0xFFFFFEF7, lr;
	s5 =	simm.s32 $0xFFFFFFFF;
	p2 =	slt.u32 s8, $0xFFFFF086  }
0x1c: {  	p1 =	slt.u32 s9, $0xF7A;
	s5 =	simm.s32 @!p2 $0x0  }
0x1d: {  	s5 =	simm.s32 @p1 $0x1;
	p0 =	seq.s32 s7, s2  }
0x1e: {  	s7 =	smul.u32 @!p0 $0xF7A, s2;
	p2 =	seq.s32 @!p0 s5, $0x0  }
0x1f: {  	s9 =	smul.u32 $0xF7A, s1;
	s8 =	simm.s32 @!p0 $0x1BF5;
	p2 =	por !p2, p0  }
0x20: {  	[sflag:s8] =	ssyncset.s32 @!p0 $0xFFFFF086;
	s6 =	sadd.s32 @!p0 s3, s7;
	s7 =	simm.s32 @!p0 $0x108  }
0x21: {  	s3 =	sadd.s32 s3, s9;
	s6 =	sadd.s32 @!p0 $0x88, s6;
	s7 =	simm.s32 @p2 $0x1082  }
0x22: {  	[simem:s7], [sflag:s8] =	dma.local @!p0 [hbm:s6], $0xF7A  }
0x23: {  	s9 =	sor.u32 $0xD0000000, s2;
	s6 =	simm.s32 $0x108;
	_ =	swait.ge @!p0 [sflag:s8], $0x0  }
0x24: {  	s3 =	sadd.s32 $0x88, s3;
	s6 =	simm.s32 @!p1 $0x1082;
	[sflag:s4] =	ssyncset.s32 $0xFFFFF086  }
0x25: {  	[simem:s6], [sflag:s4] =	dma.local [hbm:s3], $0xF7A  }
0x26: {  	[smem:$0x3F9C] =	sst s1;
	(tag) =	ssettag s2;
	_ =	strace s9  }
0x27: {  	s1 =	sld [smem:$0x3FAC]  }
0x28: {  	s2 =	sld [smem:$0x3FAD]  }
0x29: {  	s4 =	sld [smem:$0x3FAF]  }
0x2a: {  	p0 =	seq.s32 s5, $0x0;
	s5 =	sld [smem:$0x3FB0]  }
0x2b: {  	s6 =	sld [smem:$0x3FB1]  }
0x2c: {  	s7 =	sld [smem:$0x3FB2]  }
0x2d: {  	s3 =	simm.s32 $0x108;
	s8 =	sld [smem:$0x3FB3]  }
0x2e: {  	s3 =	simm.s32 @!p0 $0x1082;
	s9 =	sld [smem:$0x3FB4]  }
0x2f: {  	lr =	sadd.s32 s0, s3;
	s0 =	sld [smem:$0x3FAB]  }
0x30: {  	s3 =	sld [smem:$0x3FAE]  }
0x31: {  	[smem:$0x3FB7] =	sst s10  }
0x32: {  	s10 =	sld [smem:$0x3FB5];
	_ =	sdelay $0x3  }
0x33: {  	p0 =	seq.s32 s10, $0x1;
	s10 =	sld [smem:$0x3FB7];
	_ =	sdelay $0x3  }
0x34: {  	[smem:$0x3FB7] =	sst s10  }
0x35: {  	s10 =	sld [smem:$0x3FB6];
	_ =	sdelay $0x3  }
0x36: {  	p1 =	seq.s32 s10, $0x1;
	s10 =	sld [smem:$0x3FB7];
	_ =	sdelay $0x3  }
0x37: {  	[smem:$0x3FB7] =	sst s10  }
0x38: {  	s10 =	sld [smem:$0x3FB8]  }
0x39: {  	_ = 	snop;
	(pc) =	sbr.ind lr, $3  }
0x3a: {  	_ = 	snop  }
0x3b: {  	_ = 	snop  }
0x3c: {  	p2 =	seq.s32 s10, $0x1;
	s10 =	sld [smem:$0x3FB7]  }
0x3d: {  	_ =	shalt  }
0x3e: {  	_ =	shalt  }
0x3f: {  	_ =	shalt  }
0x40: {  	_ =	shalt  }
0x41: {  	_ =	shalt  }
0x42: {  	_ =	shalt  }
0x43: {  	_ =	shalt  }
0x44: {  	_ =	shalt  }
0x45: {  	_ =	shalt  }
0x46: {  	_ =	shalt  }
0x47: {  	_ =	shalt  }
0x48: {  	_ =	shalt  }
0x49: {  	_ =	shalt  }
0x4a: {  	_ =	shalt  }
0x4b: {  	_ =	shalt  }
0x4c: {  	_ =	shalt  }
0x4d: {  	_ =	shalt  }
0x4e: {  	_ =	shalt  }
0x4f: {  	_ =	shalt  }
0x50: {  	_ =	shalt  }
0x51: {  	_ =	shalt  }
0x52: {  	_ =	shalt  }
0x53: {  	_ =	shalt  }
0x54: {  	_ =	shalt  }
0x55: {  	_ =	shalt  }
0x56: {  	_ =	shalt  }
0x57: {  	_ =	shalt  }
0x58: {  	_ =	shalt  }
0x59: {  	_ =	shalt  }
0x5a: {  	_ =	shalt  }
0x5b: {  	_ =	shalt  }
0x5c: {  	_ =	shalt  }
0x5d: {  	_ =	shalt  }
0x5e: {  	_ =	shalt  }
0x5f: {  	_ =	shalt  }
0x60: {  	_ =	shalt  }
0x61: {  	_ =	shalt  }
0x62: {  	_ =	shalt  }
0x63: {  	_ =	shalt  }
0x64: {  	_ =	shalt  }
0x65: {  	_ =	shalt  }
0x66: {  	_ =	shalt  }
0x67: {  	_ =	shalt  }
0x68: {  	_ =	shalt  }
0x69: {  	_ =	shalt  }
0x6a: {  	_ =	shalt  }
0x6b: {  	_ =	shalt  }
0x6c: {  	_ =	shalt  }
0x6d: {  	_ =	shalt  }
0x6e: {  	_ =	shalt  }
0x6f: {  	_ =	shalt  }
0x70: {  	_ =	shalt  }
0x71: {  	_ =	shalt  }
0x72: {  	_ =	shalt  }
0x73: {  	_ =	shalt  }
0x74: {  	_ =	shalt  }
0x75: {  	_ =	shalt  }
0x76: {  	_ =	shalt  }
0x77: {  	_ =	shalt  }
0x78: {  	_ =	shalt  }
0x79: {  	_ =	shalt  }
0x7a: {  	_ =	shalt  }
0x7b: {  	_ =	shalt  }
0x7c: {  	_ =	shalt  }
0x7d: {  	_ =	shalt  }
0x7e: {  	_ =	shalt  }
0x7f: {  	_ =	shalt  }
0x80: {  	_ =	shalt  }
0x81: {  	_ =	shalt  }
0x82: {  	_ =	shalt  }
0x83: {  	_ =	shalt  }
0x84: {  	_ =	shalt  }
0x85: {  	_ =	shalt  }
0x86: {  	_ =	shalt  }
0x87: {  	_ =	shalt  }
.Lfunc_end0:
.L_simem_size_0:
called_computation.3_lowered:
.L_overlay_start_0:
0x88: {  	s2 =	sld [smem:$0x3FD9]  }
0x89: {  	s3 =	sld [smem:$0x3FFE];
	_ =	sdelay $0x1  }
0x8a: {  	s1 =	srdreg.scid  }
0x8b: {  	s0 =	sand.u32 $0x1, s1  }
0x8c: {  	s16 =	sshll.u32 s0, $0xA;
	s2 =	sadd.s32 s3, s2  }
0x8d: {  	s2 =	sadd.s32 s2, s16  }
0x8e: {  	[smem:$0x3FC3] =	sst s2  }
0x8f: {  	_ = 	snop  }
0x90: {  	(tm) =	ssettm $0x1  }
0x91: {  	s17 =	sld [smem:$0x3FFB];
	_ =	sdelay $0x3  }
0x92: {  	_ =	strace s17  }
0x93: {  	s2 =	sld [smem:$0x3FFC];
	_ =	sdelay $0x3  }
0x94: {  	_ =	strace s2  }
0x95: {  	s2 =	sld [smem:$0x3FFD];
	_ =	sdelay $0x3  }
0x96: {  	_ =	strace s2  }
0x97: {  	_ =	strace $0x8FFFFFFF  }
0x98: {  	s18 =	sld [smem:$0x3FDB];
	_ =	sdelay $0x1  }
0x99: {  	s19 =	simm.s32 $_scs_section_size  }
0x9a: {  	s4 =	simm.s32 $_size__tile_overlayer_lowered;
	s5 =	simm.s32 $_tile_overlayer_lowered  }
0x9b: {  	s22 =	simm.s32 $0x1BFF;
	s21 =	sshll.u32 s5, $0x1;
	s2 =	sadd.s32 s19, s18  }
0x9c: {  	s6 =	simm.s32 $0x0;
	s20 =	sshll.u32 s4, $0x1;
	s4 =	sadd.s32 s21, s2  }
0x9d: {  	[timem:s6], [sflag:s22] =	dma.local [hbm:s4], s20  }
0x9e: {  	_ =	swait.ge [sflag:s22], s20  }
0x9f: {  	s3 =	ssub.s32 $0x0, s20;
	[sflag:s22] =	ssyncset.done $0x0  }
0xa0: {  	[sflag:s22] =	ssyncadd.s32 s3;
	_ =	sdelay $0x1  }
0xa1: {  	s23 =	simm.s32 $0x1B8B  }
0xa2: {  	_ =	swait.ge [sflag:s23], $0x1  }
0xa3: {  	[sflag:s23] =	ssyncset.done $0x0  }
0xa4: {  	s25 =	simm.s32 $0x1B8E;
	s24 =	sld [smem:$0x3FFE];
	[sflag:s23] =	ssyncadd.s32 $0xFFFFFFFF  }
0xa5: {  	s26 =	simm.s32 $execute0_lowered;
	[smem:$0x3FD2] =	sst s25  }
0xa6: {  	s4 =	sshll.u32 s26, $0x1;
	_ =	strace $0x8000004F;
	[dreg:$0x1] =	wrdreg $0xFFFFFFFF  }
0xa7: {  	s28 =	simm.s32 $_size_execute0_lowered;
	s2 =	sadd.s32 s2, s4;
	[dreg:$0x0] =	wrdreg $0x0  }
0xa8: {  	s4 =	sshll.u32 s28, $0x1;
	[dreg:$0x2] =	wrdreg s2  }
0xa9: {  	[dreg:$0x3] =	wrdreg s4  }
0xaa: {  	[dreg:$0x4] =	wrdreg $0xC0  }
0xab: {  	_ =	task [dreg:s6], $0x5FFFF  }
0xac: {  	[dreg:$0x1] =	wrdreg $0xFFFFFFFF  }
0xad: {  	[dreg:$0x0] =	wrdreg $0x60  }
0xae: {  	[dreg:$0x2] =	wrdreg s24  }
0xaf: {  	[dreg:$0x3] =	wrdreg $0xB8000  }
0xb0: {  	[dreg:$0x4] =	wrdreg $0x9  }
0xb1: {  	_ =	task.clear_ibuf [dreg:s6], $0x5FFFF;
	_ =	strace $0x9000004F  }
0xb2: {  	s29 =	simm.s32 $0x9;
	_ =	strace $0x80000051  }
0xb3: {  	_ =	swait.ge [sflag:s29], $0x1  }
0xb4: {  	[sflag:s29] =	ssyncadd.s32 $0xFFFFFFFF  }
0xb5: {  	_ =	strace $0x90000051  }
0xb6: {  	_ =	sfence  }
0xb7: {  	s30 =	sld [smem:$0x0];
	_ =	sdelay $0x2  }
0xb8: {  	s31 =	sshll.u32 s1, $0xD;
	s1 =	sshrl.u32 s1, $0x2  }
0xb9: {  	s3 =	sand.u32 $0x4000, s31;
	s1 =	sadd.s32 s1, s30  }
0xba: {  	s0 =	sor.u32 s3, s0;
	s1 =	sshll.u32 s1, $0x11  }
0xbb: {  	s0 =	sor.u32 s1, s0  }
0xbc: {  	s0 =	sadd.s32 $0x8F2B, s0  }
0xbd: {  	[sflag:s0] =	ssyncadd.remote.s32 $0x1  }
0xbe: {  	_ =	sfence.sel $0xFFFF  }
0xbf: {  	[dreg:$0x0] =	wrdreg $0xFFFFFFFF;
	(pc) =	sbr.abs _section_cstart, $3  }
0xc0: {  	[dreg:$0x1] =	wrdreg $0xFFFFFFFF  }
0xc1: {  	_ =	task.clear_ibuf [dreg:s6], $0x2FFFF;
	_ =	strace $0x9FFFFFFF  }
0xc2: {  	(tm) =	ssettm $0x7FFFFFFF  }
0xc3: {  	_ =	shalt  }
tec
execute0_lowered:
.L_overlay_start_1:
0x0: {  	(tag) =	ssettag $0x1  }
0x1: {  	s9 =	rddreg [dreg:$0x0]  }
0x2: {  	s1 =	srdreg.scid;
	s0 =	stileid.u32  }
0x3: {  	s2 =	rddreg [dreg:$0x1];
	s3 =	simm.s32 $0x0;
	s15 =	simm.s32 $0x5000  }
0x4: {  	s19 =	simm.s32 $0x80;
	s20 =	simm.s32 $0x7800;
	s21 =	simm.s32 $0x1  }
0x5: {  	s22 =	simm.s32 $0x0;
	s6 =	sand.u32 $0x1, s1;
	s1 =	rddreg [dreg:$0x2]  }
0x6: {  	s4 =	sshll.u32 s0, $0x1;
	[smem:$0x7FF] =	sst s3;
	s11 =	smul.u32 $0x4E000, s0  }
0x7: {  	s12 =	sadd.s32 $0x4A400, s9;
	s14 =	smul.u32 $0x13800, s0;
	s18 =	sadd.s32 $0x138000, s2  }
0x8: {  	p0 =	sne.s32 s0, $0xF;
	s16 =	sshll.u32 s0, $0x6;
	s4 =	sor.u32 s6, s4  }
0x9: {  	_ =	strace $0x80000050;
	s7 =	ssub.s32 $0x2, s6;
	s29 =	smul.u32 $0x138800, s6  }
0xa: {  	s16 =	sor.u32 $0x1C02, s16;
	s18 =	sshrl.u32 @!p0 s18, $0x3;
	s5 =	smul.u32 $0x500, s4  }
0xb: {  	s4 =	sadd.s32 $0x23200, s9;
	s10 =	sshrl.u32 s7, $0x1;
	s11 =	sshrl.u32 s11, $0x2  }
0xc: {  	s13 =	ssub.s32 s7, s10;
	s17 =	sadd.s32 s11, s2;
	s30 =	sadd.s32 s14, s29  }
0xd: {  	s10 =	sshrl.u32 s29, $0x3;
	s14 =	simm.s32 $0x2800;
	s8 =	sadd.s32 s5, s9  }
0xe: {  	s5 =	sadd.s32 $0x20A00, s9;
	s9 =	sadd.s32 $0x23100, s9;
	s11 =	sshrl.u32 s30, $0x3  }
0xf: {  	s31 =	sadd.s32 s12, s10;
	s17 =	sshrl.u32 s17, $0x3;
	s6 =	sadd.s32 $0xCA00, s8  }
0x10: {  	s7 =	sadd.s32 $0x2A00, s8;
	s8 =	sadd.s32 $0x16A00, s8;
	s10 =	sadd.s32 s12, s11  }
0x11: {  	s11 =	sadd.s32 $0x27000, s31;
	s12 =	smax.u32 s13, $0x1;
	s13 =	simm.s32 $0x2  }
.LBB2_1:
0x12: {  	[tilespmem:s3], [sflag:$0x2] =	stream.linear.gather [hbm4b:s6+s3], $0x2800, $0x38;
	[tilespmem:$0x1F080] =	vst v63  }
0x13: {  	_ =	swait.ge [sflag:s13], $0x2800  }
0x14: {  	[sflag:s13] =	ssyncset.done $0x0  }
0x15: {  	[sflag:s13] =	ssyncadd.s32 $0xFFFFD800  }
0x16: {  	[tilespmem:s14], [sflag:$0x2] =	stream.linear.gather [hbm4b:s7+s3], $0x2800, $0x38;
	[tilespmem:$0x1F080] =	vst v63  }
0x17: {  	_ =	swait.ge [sflag:s13], $0x2800  }
0x18: {  	[sflag:s13] =	ssyncset.done $0x0  }
0x19: {  	[sflag:s13] =	ssyncadd.s32 $0xFFFFD800  }
0x1a: {  	[tilespmem:s15], [sflag:$0x2] =	stream.linear.gather [hbm4b:s8+s3], $0x2800, $0x38;
	[tilespmem:$0x1F080] =	vst v63  }
0x1b: {  	_ =	swait.ge [sflag:s13], $0x2800  }
0x1c: {  	[sflag:s13] =	ssyncset.done $0x0  }
0x1d: {  	[sflag:s13] =	ssyncadd.s32 $0xFFFFD800  }
0x1e: {  	[spmem:s17], [sflag:s16] =	dma.local [hbm:s5], $0x2700  }
0x1f: {  	_ =	swait.ge [sflag:s13], $0x2700  }
0x20: {  	[sflag:s13] =	ssyncset.done $0x0  }
0x21: {  	s23 =	simm.s32 @!p0 $0x2;
	[sflag:s13] =	ssyncadd.s32 $0xFFFFD900  }
0x22: {  	[spmem:s18], [sflag:s16] =	dma.local @!p0 [hbm:s9], $0x100  }
0x23: {  	_ =	swait.ge @!p0 [sflag:s23], $0x100  }
0x24: {  	[sflag:s23] =	ssyncset.done @!p0 $0x0  }
0x25: {  	[sflag:s23] =	ssyncadd.s32 @!p0 $0xFFFFFF00  }
0x26: {  	s23 =	simm.s32 $0x0;
	[bflag:$0x0] =	sbarrier.arrive $0xFFFF  }
.LBB2_2:
0x27: {  	s25 =	simm.s32 $0x0  }
0x28: {  	s24 =	sshll.u32 s23, $0x7;
	v1 =	vmov s25  }
0x29: {  	s31 =	sadd.s32 $0x2800, s24;
	v0 =	vmov s24;
	v1 =	vand.u32 $0x7F, v1  }
0x2a: {  	[tilespmem:s20], [sflag:$0x1] =	stream.indirect.gather [hbm4b:s4+s19], $0x80, s31, s19, $0xb8;
	v1 =	vadd.s32 v0, v1;
	[tilespmem:$0x1F080] =	vst v63  }
0x2b: {  	_ =	swait.ge [sflag:s21], $0x4000;
	v1 =	vbroadcast v1, $0x0  }
0x2c: {  	[sflag:s21] =	ssyncset.done $0x0  }
0x2d: {  	s25 =	simm.s32 $0x7840;
	[sflag:s21] =	ssyncadd.s32 $0xFFFFC000  }
0x2e: {  	v5 =	vld [tilespmem:s25+$0x30]  }
0x2f: {  	v8 =	vld [tilespmem:s25+$0x10]  }
0x30: {  	v6 =	vld [tilespmem:s25+$0xFFFFFFC0]  }
0x31: {  	v2 =	vld.idx.msk [tilespmem:v1+s15+$0x0], $0xffff  }
0x32: {  	v11 =	vld [tilespmem:s25+$0xFFFFFFE0]  }
0x33: {  	v3 =	vld [tilespmem:s25+$0x20]  }
0x34: {  	v4 =	vld [tilespmem:s25+$0xFFFFFFD0]  }
0x35: {  	v1 =	vld [tilespmem:s25+$0xFFFFFFF0]  }
0x36: {  	v9 =	vmul.f32 v5, v2;
	v5 =	vld [tilespmem:s25+$0x0]  }
0x37: {  	s26 =	simm.s32 $0x1;
	v7 =	vmul.f32 v6, v2  }
0x38: {  	s28 =	simm.s32 $0x2;
	v10 =	vmov s26;
	s26 =	simm.s32 $0x7840;
	v6 =	vmul.f32 v11, v2;
	v8 =	vmul.f32 v8, v2  }
.LBB2_3:
0x39: {  	p1 =	sne.s32 s28, $0x7F  }
0x3a: {  	v10 =	vand.u32 $0x7F, v10;
	v4 =	vmul.f32 v4, v2;
	v3 =	vmul.f32 v3, v2;
	[tilespmem:s25+$0x30] =	vst v9;
	s26 =	sadd.s32 $0x80, s26;
	s29 =	smov.u32 s28;
	s28 =	sadd.s32 $0x1, s28  }
0x3b: {  	v9 =	vadd.s32 v0, v10;
	[tilespmem:s25+$0xFFFFFFC0] =	vst v7;
	v7 =	vmul.f32 v1, v2;
	v2 =	vmul.f32 v5, v2  }
0x3c: {  	v5 =	vbroadcast v9, $0x0;
	[tilespmem:s25+$0x10] =	vst v8  }
0x3d: {  	[tilespmem:s25+$0xFFFFFFE0] =	vst v6  }
0x3e: {  	v1 =	vld [tilespmem:s26+$0xFFFFFFF0];
	[tilespmem:s25+$0xFFFFFFF0] =	vst v7  }
0x3f: {  	v6 =	vld [tilespmem:s26+$0x30];
	[tilespmem:s25+$0x0] =	vst v2  }
0x40: {  	v8 =	vld [tilespmem:s26+$0x10];
	[tilespmem:s25+$0x20] =	vst v3  }
0x41: {  	v7 =	vld [tilespmem:s26+$0xFFFFFFC0];
	[tilespmem:s25+$0xFFFFFFD0] =	vst v4;
	s25 =	smov.u32 s26  }
0x42: {  	v2 =	vld.idx.msk [tilespmem:v5+s15+$0x0], $0xffff  }
0x43: {  	v11 =	vld [tilespmem:s26+$0xFFFFFFE0]  }
0x44: {  	v3 =	vld [tilespmem:s26+$0x20]  }
.Ltmp0:
0x45: {  	v4 =	vld [tilespmem:s26+$0xFFFFFFD0];
	(pc) =	sbr.rel @p1 .LBB2_3-.Ltmp0, $3  }
0x46: {  	v5 =	vld [tilespmem:s26+$0x0];
	_ =	sdelay $0x1  }
0x47: {  	v7 =	vmul.f32 v7, v2;
	v9 =	vmul.f32 v6, v2  }
0x48: {  	v10 =	vmov s29;
	v8 =	vmul.f32 v8, v2;
	v6 =	vmul.f32 v11, v2  }
0x49: {  	[tilespmem:s25+$0x30] =	vst v9;
	v53 =	vand.u32 $0x7F, v10  }
0x4a: {  	[tilespmem:s25+$0xFFFFFFC0] =	vst v7;
	v0 =	vadd.s32 v0, v53  }
0x4b: {  	v1 =	vmul.f32 v1, v2;
	[tilespmem:s25+$0x10] =	vst v8;
	v0 =	vbroadcast v0, $0x0  }
0x4c: {  	s26 =	sadd.s32 $0x80, s26;
	[tilespmem:s25+$0xFFFFFFE0] =	vst v6;
	v5 =	vmul.f32 v5, v2  }
0x4d: {  	v55 =	vmul.f32 v4, v2;
	v6 =	vld [tilespmem:s26+$0xFFFFFFF0];
	[tilespmem:s25+$0xFFFFFFF0] =	vst v1  }
0x4e: {  	v3 =	vmul.f32 v3, v2;
	v54 =	vld [tilespmem:s26+$0x30];
	[tilespmem:s25+$0x0] =	vst v5  }
0x4f: {  	v57 =	vld [tilespmem:s26+$0xFFFFFFC0];
	[tilespmem:s25+$0xFFFFFFD0] =	vst v55  }
0x50: {  	v56 =	vld [tilespmem:s26+$0x10];
	[tilespmem:s25+$0x20] =	vst v3  }
0x51: {  	v0 =	vld.idx.msk [tilespmem:v0+s15+$0x0], $0xffff;
	_ =	sdelay $0x2  }
0x52: {  	v2 =	vld [tilespmem:s26+$0xFFFFFFE0];
	_ =	sdelay $0x1  }
0x53: {  	v5 =	vld [tilespmem:s26+$0x0];
	v1 =	vmul.f32 v54, v0  }
0x54: {  	v58 =	vld [tilespmem:s26+$0x20];
	v3 =	vmul.f32 v57, v0  }
0x55: {  	v59 =	vld [tilespmem:s26+$0xFFFFFFD0];
	v4 =	vmul.f32 v56, v0;
	[tilespmem:s26+$0x30] =	vst v1  }
0x56: {  	v60 =	vmul.f32 v2, v0;
	[tilespmem:s26+$0xFFFFFFC0] =	vst v3  }
0x57: {  	v61 =	vmul.f32 v6, v0;
	[tilespmem:s26+$0x10] =	vst v4  }
0x58: {  	v62 =	vmul.f32 v5, v0;
	[tilespmem:s26+$0xFFFFFFE0] =	vst v60  }
0x59: {  	v63 =	vmul.f32 v58, v0;
	[tilespmem:s26+$0xFFFFFFF0] =	vst v61  }
0x5a: {  	s23 =	sadd.s32 $0x1, s23;
	v0 =	vmul.f32 v59, v0;
	[tilespmem:s26+$0x0] =	vst v62  }
0x5b: {  	p1 =	sne.s32 s23, $0x50;
	[tilespmem:s26+$0x20] =	vst v63  }
.Ltmp1:
0x5c: {  	[tilespmem:s26+$0xFFFFFFD0] =	vst v0;
	(pc) =	sbr.rel @p1 .LBB2_2-.Ltmp1, $4  }
0x5d: {  	[spmem:s2] =	stream.indirect.scatter.add.f32 [tilespmem:s20], [sflag:$0x2], $0x80, s24, s19, $0xb8;
	[tilespmem:$0x1F080] =	vst v63  }
0x5e: {  	_ =	swait.ge [sflag:s13], $0x4000  }
0x5f: {  	[sflag:s13] =	ssyncset.done $0x0  }
0x60: {  	[sflag:s13] =	ssyncadd.s32 $0xFFFFC000  }
0x61: {  	[bflag:$0x0] =	sbarrier.arrive $0xFFFF  }
0x62: {  	[hbm:s10], [sflag:s16] =	dma.local [spmem:s17], $0x2700  }
0x63: {  	s22 =	sadd.s32 $0x1, s22;
	_ =	swait.ge [sflag:s13], $0x2700  }
0x64: {  	p1 =	sne.s32 s22, s12;
	[sflag:s13] =	ssyncset.done $0x0  }
.Ltmp2:
0x65: {  	s23 =	simm.s32 @!p0 $0x2;
	[sflag:s13] =	ssyncadd.s32 $0xFFFFD900;
	(pc) =	sbr.rel @p1 .LBB2_1-.Ltmp2, $4  }
0x66: {  	[hbm:s11], [sflag:s16] =	dma.local @!p0 [spmem:s18], $0x100  }
0x67: {  	_ =	swait.ge @!p0 [sflag:s23], $0x100  }
0x68: {  	[sflag:s23] =	ssyncset.done @!p0 $0x0  }
0x69: {  	[sflag:s23] =	ssyncadd.s32 @!p0 $0xFFFFFF00  }
0x6a: {  	_ =	sfence.sel $0x180000  }
0x6b: {  	[bflag:$0x0] =	sbarrier.arrive $0xFFFF  }
0x6c: {  	p0 =	sne.s32 s0, $0x0;
	_ =	strace $0x90000050  }
0x6d: {  	s0 =	sadd.s32 @!p0 $0x100000, s1;
	[bflag:$0x2] =	sbarrier.arrive $0xFFFF  }
0x6e: {  	[sflag:s0] =	ssyncadd.tile.s32 @!p0 $0x1;
	_ =	shalt  }
.Lfunc_end2:
_tile_overlayer_lowered:
.L_overlay_start_2:
0x6f: {  	(tag) =	ssettag $0x2  }
0x70: {  	s0 =	rddreg [dreg:$0x0];
	s2 =	stileid.u32  }
0x71: {  	s1 =	rddreg [dreg:$0x1];
	p0 =	sne.s32 s2, $0x0  }
0x72: {  	s3 =	rddreg [dreg:$0x2];
	[bflag:$0x3] =	sbarrier.arrive $0xFFFF;
	s2 =	simm.s32 @!p0 $0x1C02  }
0x73: {  	[timem:s3], [sflag:s2] =	dma.local @!p0 [hbm:s0], s1  }
0x74: {  	s0 =	simm.s32 @!p0 $0x2  }
0x75: {  	_ =	swait.ge @!p0 [sflag:s0], s1  }
0x76: {  	s1 =	ssub.s32 @!p0 $0x0, s1;
	[sflag:s0] =	ssyncset.done @!p0 $0x0  }
0x77: {  	[sflag:s0] =	ssyncadd.s32 @!p0 s1  }
0x78: {  	[bflag:$0x3] =	sbarrier.arrive $0xFFFF  }
0x79: {  	_ =	shalt  }

// kernel: kernel.9.cloned.1.call-start
scs
__scs_entry_jumppad:
0x0: {  	(pc) =	sbr.rel $0x88, $3  }
0x1: {  	(tag) =	ssettag $0x0;
	lr =	simm.s32 $0x1  }
0x2: {  	[smem:$0x3F9C] =	sst lr;
	_ =	strace $0xD0000000  }
0x3: {  	_ = 	snop  }
0x4: {  	_ = 	snop  }
0x5: {  	_ = 	snop  }
0x6: {  	_ = 	snop  }
0x7: {  	_ = 	snop  }
__scs_overlays_trampoline_lowered:
0x8: {  	[smem:$0x3FAB] =	sst s0  }
0x9: {  	[smem:$0x3FAC] =	sst s1  }
0xa: {  	[smem:$0x3FAD] =	sst s2  }
0xb: {  	[smem:$0x3FAE] =	sst s3  }
0xc: {  	[smem:$0x3FAF] =	sst s4  }
0xd: {  	[smem:$0x3FB0] =	sst s5  }
0xe: {  	[smem:$0x3FB1] =	sst s6  }
0xf: {  	[smem:$0x3FB2] =	sst s7  }
0x10: {  	[smem:$0x3FB3] =	sst s8  }
0x11: {  	[smem:$0x3FB4] =	sst s9;
	s0 =	simm.s32 @!p0 $0x0  }
0x12: {  	s1 =	sld [smem:$0x3F9A];
	s0 =	simm.s32 @p0 $0x1  }
0x13: {  	[smem:$0x3FB5] =	sst s0;
	s0 =	simm.s32 @!p1 $0x0  }
0x14: {  	s2 =	sld [smem:$0x3F99];
	s0 =	simm.s32 @p1 $0x1  }
0x15: {  	[smem:$0x3FB6] =	sst s0;
	s0 =	simm.s32 @!p2 $0x0  }
0x16: {  	s3 =	sld [smem:$0x3FDB];
	s0 =	simm.s32 @p2 $0x1  }
0x17: {  	s4 =	simm.s32 $0x1BF5;
	[smem:$0x3FB8] =	sst s0  }
0x18: {  	s0 =	sld [smem:$0x3F9B];
	_ =	swait.ge [sflag:s4], $0x0  }
0x19: {  	s7 =	sld [smem:$0x3F9C]  }
0x1a: {  	s8 =	sadd.s32 $0xFFFFE003, lr  }
0x1b: {  	s9 =	sadd.s32 $0xFFFFFEF7, lr;
	s5 =	simm.s32 $0xFFFFFFFF;
	p2 =	slt.u32 s8, $0xFFFFF086  }
0x1c: {  	p1 =	slt.u32 s9, $0xF7A;
	s5 =	simm.s32 @!p2 $0x0  }
0x1d: {  	s5 =	simm.s32 @p1 $0x1;
	p0 =	seq.s32 s7, s2  }
0x1e: {  	s7 =	smul.u32 @!p0 $0xF7A, s2;
	p2 =	seq.s32 @!p0 s5, $0x0  }
0x1f: {  	s9 =	smul.u32 $0xF7A, s1;
	s8 =	simm.s32 @!p0 $0x1BF5;
	p2 =	por !p2, p0  }
0x20: {  	[sflag:s8] =	ssyncset.s32 @!p0 $0xFFFFF086;
	s6 =	sadd.s32 @!p0 s3, s7;
	s7 =	simm.s32 @!p0 $0x108  }
0x21: {  	s3 =	sadd.s32 s3, s9;
	s6 =	sadd.s32 @!p0 $0x88, s6;
	s7 =	simm.s32 @p2 $0x1082  }
0x22: {  	[simem:s7], [sflag:s8] =	dma.local @!p0 [hbm:s6], $0xF7A  }
0x23: {  	s9 =	sor.u32 $0xD0000000, s2;
	s6 =	simm.s32 $0x108;
	_ =	swait.ge @!p0 [sflag:s8], $0x0  }
0x24: {  	s3 =	sadd.s32 $0x88, s3;
	s6 =	simm.s32 @!p1 $0x1082;
	[sflag:s4] =	ssyncset.s32 $0xFFFFF086  }
0x25: {  	[simem:s6], [sflag:s4] =	dma.local [hbm:s3], $0xF7A  }
0x26: {  	[smem:$0x3F9C] =	sst s1;
	(tag) =	ssettag s2;
	_ =	strace s9  }
0x27: {  	s1 =	sld [smem:$0x3FAC]  }
0x28: {  	s2 =	sld [smem:$0x3FAD]  }
0x29: {  	s4 =	sld [smem:$0x3FAF]  }
0x2a: {  	p0 =	seq.s32 s5, $0x0;
	s5 =	sld [smem:$0x3FB0]  }
0x2b: {  	s6 =	sld [smem:$0x3FB1]  }
0x2c: {  	s7 =	sld [smem:$0x3FB2]  }
0x2d: {  	s3 =	simm.s32 $0x108;
	s8 =	sld [smem:$0x3FB3]  }
0x2e: {  	s3 =	simm.s32 @!p0 $0x1082;
	s9 =	sld [smem:$0x3FB4]  }
0x2f: {  	lr =	sadd.s32 s0, s3;
	s0 =	sld [smem:$0x3FAB]  }
0x30: {  	s3 =	sld [smem:$0x3FAE]  }
0x31: {  	[smem:$0x3FB7] =	sst s10  }
0x32: {  	s10 =	sld [smem:$0x3FB5];
	_ =	sdelay $0x3  }
0x33: {  	p0 =	seq.s32 s10, $0x1;
	s10 =	sld [smem:$0x3FB7];
	_ =	sdelay $0x3  }
0x34: {  	[smem:$0x3FB7] =	sst s10  }
0x35: {  	s10 =	sld [smem:$0x3FB6];
	_ =	sdelay $0x3  }
0x36: {  	p1 =	seq.s32 s10, $0x1;
	s10 =	sld [smem:$0x3FB7];
	_ =	sdelay $0x3  }
0x37: {  	[smem:$0x3FB7] =	sst s10  }
0x38: {  	s10 =	sld [smem:$0x3FB8]  }
0x39: {  	_ = 	snop;
	(pc) =	sbr.ind lr, $3  }
0x3a: {  	_ = 	snop  }
0x3b: {  	_ = 	snop  }
0x3c: {  	p2 =	seq.s32 s10, $0x1;
	s10 =	sld [smem:$0x3FB7]  }
0x3d: {  	_ =	shalt  }
0x3e: {  	_ =	shalt  }
0x3f: {  	_ =	shalt  }
0x40: {  	_ =	shalt  }
0x41: {  	_ =	shalt  }
0x42: {  	_ =	shalt  }
0x43: {  	_ =	shalt  }
0x44: {  	_ =	shalt  }
0x45: {  	_ =	shalt  }
0x46: {  	_ =	shalt  }
0x47: {  	_ =	shalt  }
0x48: {  	_ =	shalt  }
0x49: {  	_ =	shalt  }
0x4a: {  	_ =	shalt  }
0x4b: {  	_ =	shalt  }
0x4c: {  	_ =	shalt  }
0x4d: {  	_ =	shalt  }
0x4e: {  	_ =	shalt  }
0x4f: {  	_ =	shalt  }
0x50: {  	_ =	shalt  }
0x51: {  	_ =	shalt  }
0x52: {  	_ =	shalt  }
0x53: {  	_ =	shalt  }
0x54: {  	_ =	shalt  }
0x55: {  	_ =	shalt  }
0x56: {  	_ =	shalt  }
0x57: {  	_ =	shalt  }
0x58: {  	_ =	shalt  }
0x59: {  	_ =	shalt  }
0x5a: {  	_ =	shalt  }
0x5b: {  	_ =	shalt  }
0x5c: {  	_ =	shalt  }
0x5d: {  	_ =	shalt  }
0x5e: {  	_ =	shalt  }
0x5f: {  	_ =	shalt  }
0x60: {  	_ =	shalt  }
0x61: {  	_ =	shalt  }
0x62: {  	_ =	shalt  }
0x63: {  	_ =	shalt  }
0x64: {  	_ =	shalt  }
0x65: {  	_ =	shalt  }
0x66: {  	_ =	shalt  }
0x67: {  	_ =	shalt  }
0x68: {  	_ =	shalt  }
0x69: {  	_ =	shalt  }
0x6a: {  	_ =	shalt  }
0x6b: {  	_ =	shalt  }
0x6c: {  	_ =	shalt  }
0x6d: {  	_ =	shalt  }
0x6e: {  	_ =	shalt  }
0x6f: {  	_ =	shalt  }
0x70: {  	_ =	shalt  }
0x71: {  	_ =	shalt  }
0x72: {  	_ =	shalt  }
0x73: {  	_ =	shalt  }
0x74: {  	_ =	shalt  }
0x75: {  	_ =	shalt  }
0x76: {  	_ =	shalt  }
0x77: {  	_ =	shalt  }
0x78: {  	_ =	shalt  }
0x79: {  	_ =	shalt  }
0x7a: {  	_ =	shalt  }
0x7b: {  	_ =	shalt  }
0x7c: {  	_ =	shalt  }
0x7d: {  	_ =	shalt  }
0x7e: {  	_ =	shalt  }
0x7f: {  	_ =	shalt  }
0x80: {  	_ =	shalt  }
0x81: {  	_ =	shalt  }
0x82: {  	_ =	shalt  }
0x83: {  	_ =	shalt  }
0x84: {  	_ =	shalt  }
0x85: {  	_ =	shalt  }
0x86: {  	_ =	shalt  }
0x87: {  	_ =	shalt  }
.Lfunc_end0:
.L_simem_size_0:
called_computation_lowered:
.L_overlay_start_0:
0x88: {  	s2 =	sld [smem:$0x3FD9]  }
0x89: {  	s3 =	sld [smem:$0x3FFE];
	_ =	sdelay $0x1  }
0x8a: {  	s1 =	srdreg.scid  }
0x8b: {  	s0 =	sand.u32 $0x1, s1  }
0x8c: {  	s17 =	sshll.u32 s0, $0xA;
	s2 =	sadd.s32 s3, s2  }
0x8d: {  	s2 =	sadd.s32 s2, s17  }
0x8e: {  	[smem:$0x3FC3] =	sst s2  }
0x8f: {  	_ = 	snop  }
0x90: {  	s2 =	sld [smem:$0x3FD0];
	(tm) =	ssettm $0x1  }
0x91: {  	s18 =	sld [smem:$0x3FFB];
	_ =	sdelay $0x3  }
0x92: {  	_ =	strace s18  }
0x93: {  	s3 =	sld [smem:$0x3FFC];
	_ =	sdelay $0x3  }
0x94: {  	_ =	strace s3  }
0x95: {  	s3 =	sld [smem:$0x3FFD];
	_ =	sdelay $0x3  }
0x96: {  	_ =	strace s3  }
0x97: {  	_ =	strace $0x8FFFFFFF  }
0x98: {  	s19 =	sld [smem:$0x3FDB];
	_ =	sdelay $0x1  }
0x99: {  	s4 =	simm.s32 $_scs_section_size  }
0x9a: {  	s5 =	simm.s32 $_size__tile_overlayer_lowered;
	s6 =	simm.s32 $_tile_overlayer_lowered  }
0x9b: {  	s22 =	simm.s32 $0x1BFF;
	s21 =	sshll.u32 s6, $0x1;
	s3 =	sadd.s32 s4, s19  }
0x9c: {  	s7 =	simm.s32 $0x0;
	s20 =	sshll.u32 s5, $0x1;
	s5 =	sadd.s32 s21, s3  }
0x9d: {  	[timem:s7], [sflag:s22] =	dma.local [hbm:s5], s20  }
0x9e: {  	_ =	swait.ge [sflag:s22], s20  }
0x9f: {  	s4 =	ssub.s32 $0x0, s20;
	[sflag:s22] =	ssyncset.done $0x0  }
0xa0: {  	[sflag:s22] =	ssyncadd.s32 s4;
	_ =	sdelay $0x1  }
0xa1: {  	s23 =	simm.s32 $0x1B8B  }
0xa2: {  	_ =	swait.ge [sflag:s23], $0x1  }
0xa3: {  	[sflag:s23] =	ssyncset.done $0x0  }
0xa4: {  	s25 =	simm.s32 $0x1B8E;
	s24 =	sld [smem:$0x3FFE];
	[sflag:s23] =	ssyncadd.s32 $0xFFFFFFFF  }
0xa5: {  	s26 =	simm.s32 $execute0_lowered;
	[smem:$0x3FD2] =	sst s25  }
0xa6: {  	s5 =	sshll.u32 s26, $0x1;
	_ =	strace $0x80000046;
	[dreg:$0x1] =	wrdreg $0xFFFFFFFF  }
0xa7: {  	s28 =	simm.s32 $_size_execute0_lowered;
	s3 =	sadd.s32 s3, s5;
	[dreg:$0x0] =	wrdreg $0x0  }
0xa8: {  	s5 =	sshll.u32 s28, $0x1;
	[dreg:$0x2] =	wrdreg s3  }
0xa9: {  	[dreg:$0x3] =	wrdreg s5  }
0xaa: {  	[dreg:$0x4] =	wrdreg $0xC0  }
0xab: {  	_ =	task [dreg:s7], $0x5FFFF  }
0xac: {  	[dreg:$0x1] =	wrdreg $0xFFFFFFFF  }
0xad: {  	[dreg:$0x0] =	wrdreg $0x60  }
0xae: {  	[dreg:$0x2] =	wrdreg s24  }
0xaf: {  	[dreg:$0x3] =	wrdreg s2  }
0xb0: {  	[dreg:$0x4] =	wrdreg $0x168000  }
0xb1: {  	[dreg:$0x5] =	wrdreg $0x190000  }
0xb2: {  	[dreg:$0x6] =	wrdreg $0x9  }
0xb3: {  	_ =	task.clear_ibuf [dreg:s7], $0x7FFFF;
	_ =	strace $0x90000046  }
0xb4: {  	s29 =	simm.s32 $0x9;
	_ =	strace $0x80000048  }
0xb5: {  	_ =	swait.ge [sflag:s29], $0x1  }
0xb6: {  	[sflag:s29] =	ssyncadd.s32 $0xFFFFFFFF  }
0xb7: {  	_ =	strace $0x90000048  }
0xb8: {  	_ =	sfence  }
0xb9: {  	s30 =	sld [smem:$0x0];
	_ =	sdelay $0x2  }
0xba: {  	s31 =	sshll.u32 s1, $0xD;
	s1 =	sshrl.u32 s1, $0x2  }
0xbb: {  	s3 =	sand.u32 $0x4000, s31;
	s1 =	sadd.s32 s1, s30  }
0xbc: {  	s0 =	sor.u32 s3, s0;
	s1 =	sshll.u32 s1, $0x11  }
0xbd: {  	s0 =	sor.u32 s1, s0  }
0xbe: {  	s0 =	sadd.s32 $0x8F2B, s0  }
0xbf: {  	[sflag:s0] =	ssyncadd.remote.s32 $0x1  }
0xc0: {  	_ =	sfence.sel $0xFFFF  }
0xc1: {  	[dreg:$0x0] =	wrdreg $0xFFFFFFFF;
	(pc) =	sbr.abs _section_cstart, $3  }
0xc2: {  	[dreg:$0x1] =	wrdreg $0xFFFFFFFF  }
0xc3: {  	_ =	task.clear_ibuf [dreg:s7], $0x2FFFF;
	_ =	strace $0x9FFFFFFF  }
0xc4: {  	(tm) =	ssettm $0x7FFFFFFF  }
0xc5: {  	_ =	shalt  }
tec
execute0_lowered:
.L_overlay_start_1:
0x0: {  	(tag) =	ssettag $0x1  }
0x1: {  	s4 =	rddreg [dreg:$0x0]  }
0x2: {  	s11 =	rddreg [dreg:$0x1]  }
0x3: {  	s7 =	rddreg [dreg:$0x2]  }
0x4: {  	s2 =	rddreg [dreg:$0x3]  }
0x5: {  	s0 =	rddreg [dreg:$0x4]  }
0x6: {  	s5 =	srdreg.scid;
	s1 =	stileid.u32;
	s3 =	simm.s32 $0x0  }
0x7: {  	s16 =	simm.s32 $0xC800;
	s17 =	simm.s32 $0x80;
	s18 =	simm.s32 $0x400  }
0x8: {  	s19 =	simm.s32 $0x1400;
	s20 =	simm.s32 $0x14000;
	s21 =	simm.s32 $0x11800  }
0x9: {  	s22 =	simm.s32 $0xF000;
	s23 =	simm.s32 $0xA000;
	s24 =	simm.s32 $0x0  }
0xa: {  	s5 =	sand.u32 $0x1, s5;
	s6 =	sshll.u32 s1, $0x1;
	[smem:$0x7FF] =	sst s3  }
0xb: {  	s8 =	smul.u32 $0xA00, s1;
	s29 =	sshrl.u32 s1, $0x3;
	s9 =	sadd.s32 $0xCA00, s4  }
0xc: {  	s30 =	sshll.u32 s1, $0x7;
	s15 =	smul.u32 $0x5000, s1;
	s6 =	sor.u32 s5, s6  }
0xd: {  	_ =	strace $0x80000047;
	s5 =	ssub.s32 $0x2, s5;
	s12 =	smul.u32 $0x500, s6  }
0xe: {  	s10 =	sshrl.u32 s5, $0x1;
	s6 =	smul.u32 $0x50000, s29;
	s31 =	sshrl.u32 s15, $0x2  }
0xf: {  	s15 =	simm.s32 $0x5000;
	s14 =	ssub.s32 s5, s10;
	s5 =	sadd.s32 s11, s8  }
0x10: {  	s10 =	sand.u32 $0x380, s30;
	s13 =	sadd.s32 s12, s4;
	s4 =	sadd.s32 s9, s8  }
0x11: {  	s6 =	sshrl.u32 s6, $0x2;
	s8 =	sshrl.u32 s8, $0x2;
	s9 =	sadd.s32 s9, s12  }
0x12: {  	s11 =	sadd.s32 s11, s12;
	s6 =	sadd.s32 s6, s7;
	s7 =	sadd.s32 s31, s7  }
0x13: {  	s8 =	sadd.s32 s8, s2;
	s12 =	sadd.s32 $0x16A00, s13;
	s6 =	sadd.s32 s10, s6  }
0x14: {  	v0 =	vimm.f32 $0.0e+00;
	s10 =	sadd.s32 $0x2A00, s13;
	s13 =	smax.u32 s14, $0x1;
	s14 =	simm.s32 $0x1  }
.LBB2_1:
0x15: {  	[tilespmem:s3], [sflag:$0x1] =	stream.linear.gather [hbm4b:s4+s3], $0x5000, $0x38;
	[tilespmem:$0x19280] =	vst v63  }
0x16: {  	_ =	swait.ge [sflag:s14], $0x5000  }
0x17: {  	[sflag:s14] =	ssyncset.done $0x0  }
0x18: {  	[sflag:s14] =	ssyncadd.s32 $0xFFFFB000  }
0x19: {  	[tilespmem:s15], [sflag:$0x1] =	stream.linear.gather [hbm4b:s5+s3], $0x5000, $0x38;
	[tilespmem:$0x19280] =	vst v63  }
0x1a: {  	_ =	swait.ge [sflag:s14], $0x5000  }
0x1b: {  	[sflag:s14] =	ssyncset.done $0x0  }
0x1c: {  	s25 =	simm.s32 $0x0;
	[sflag:s14] =	ssyncadd.s32 $0xFFFFB000  }
.LBB2_2:
0x1d: {  	p0 =	sne.s32 s25, $0x9FC0  }
.Ltmp0:
0x1e: {  	_ = 	snop;
	(pc) =	sbr.rel @p0 .LBB2_2-.Ltmp0, $3  }
0x1f: {  	_ =	sdelay $0x1  }
0x20: {  	s26 =	sshra.s32 s25, $0x2  }
0x21: {  	s25 =	sadd.s32 $0x40, s25;
	[tilespmem:s26+$0xC800] =	vst v0  }
0x22: {  	s26 =	simm.s32 $0x0;
	s25 =	simm.s32 $0x40  }
.LBB2_4:
0x23: {  	p0 =	sne.s32 s25, $0x13FC0;
	v1 =	vld [tilespmem:s26+$0x0];
	_ =	sdelay $0x2  }
0x24: {  	v2 =	vld [tilespmem:s26+$0x5000]  }
.Ltmp1:
0x25: {  	(pc) =	sbr.rel @p0 .LBB2_4-.Ltmp1, $2  }
0x26: {  	_ =	sdelay $0x2  }
0x27: {  	s26 =	sshra.s32 s25, $0x2;
	s25 =	sadd.s32 $0x40, s25;
	[tilespmem:v1+s16+$0x0] =	vst.idx.add.f32.msk $0xffff, v2  }
0x28: {  	v1 =	vld [tilespmem:s26+$0x0];
	_ =	sdelay $0x2  }
0x29: {  	v2 =	vld [tilespmem:s26+$0x5000];
	_ =	sdelay $0x4  }
0x2a: {  	s25 =	simm.s32 $0xC800;
	[tilespmem:v1+s16+$0x0] =	vst.idx.add.f32.msk $0xffff, v2  }
0x2b: {  	[spmem:s6] =	stream.strided.scatter [tilespmem:s25], [sflag:$0x1], $0x2800, s18, s17, $0x38;
	[tilespmem:$0x19280] =	vst v63  }
0x2c: {  	_ =	swait.ge [sflag:s14], $0x2800  }
0x2d: {  	[sflag:s14] =	ssyncset.done $0x0  }
0x2e: {  	[sflag:s14] =	ssyncadd.s32 $0xFFFFD800  }
0x2f: {  	s31 =	simm.s32 $0x0;
	[bflag:$0x0] =	sbarrier.arrive $0xFFFF  }
0x30: {  	[tilespmem:s21], [sflag:$0x1] =	stream.strided.gather [spmem:s7], $0x2800, s20, s19, $0x38;
	[tilespmem:$0x19280] =	vst v63  }
0x31: {  	s28 =	sand.u32 $0x70, s31;
	s26 =	sand.u32 $0x1C00, s31;
	_ =	swait.ge [sflag:s14], $0x2800  }
0x32: {  	s26 =	sor.u32 s28, s26;
	[sflag:s14] =	ssyncset.done $0x0  }
0x33: {  	s28 =	sadd.s32 $0x11800, s26;
	[sflag:s14] =	ssyncadd.s32 $0xFFFFD800  }
0x34: {  	v1 =	vld [tilespmem:s28+$0x80]  }
0x35: {  	v2 =	vld [tilespmem:s26+$0x11800];
	_ =	sdelay $0x1  }
0x36: {  	v3 =	vld [tilespmem:s28+$0x100];
	_ =	sdelay $0x1  }
0x37: {  	v4 =	vld [tilespmem:s28+$0x180]  }
0x38: {  	v1 =	vadd.f32 v1, v2  }
0x39: {  	v2 =	vld [tilespmem:s28+$0x200]  }
0x3a: {  	v1 =	vadd.f32 v3, v1  }
0x3b: {  	v3 =	vld [tilespmem:s28+$0x280]  }
0x3c: {  	v1 =	vadd.f32 v4, v1  }
0x3d: {  	v59 =	vld [tilespmem:s28+$0x300]  }
0x3e: {  	v1 =	vadd.f32 v2, v1  }
0x3f: {  	v2 =	vld [tilespmem:s28+$0x380]  }
0x40: {  	v1 =	vadd.f32 v3, v1  }
0x41: {  	v3 =	vld [tilespmem:s26+$0x12C00]  }
0x42: {  	v1 =	vadd.f32 v59, v1  }
0x43: {  	v60 =	vld [tilespmem:s26+$0x12C80]  }
0x44: {  	v1 =	vadd.f32 v2, v1  }
0x45: {  	v2 =	vld [tilespmem:s26+$0x12D00]  }
0x46: {  	v1 =	vadd.f32 v3, v1  }
0x47: {  	v3 =	vld [tilespmem:s26+$0x12D80]  }
0x48: {  	v1 =	vadd.f32 v60, v1  }
0x49: {  	v61 =	vld [tilespmem:s26+$0x12E00]  }
0x4a: {  	v1 =	vadd.f32 v2, v1  }
0x4b: {  	v2 =	vld [tilespmem:s26+$0x12E80]  }
0x4c: {  	v1 =	vadd.f32 v3, v1  }
0x4d: {  	v3 =	vld [tilespmem:s26+$0x12F00]  }
0x4e: {  	v1 =	vadd.f32 v61, v1  }
0x4f: {  	v62 =	vld [tilespmem:s26+$0x12F80]  }
0x50: {  	v1 =	vadd.f32 v2, v1;
	_ =	sdelay $0x1  }
0x51: {  	v1 =	vadd.f32 v3, v1;
	_ =	sdelay $0x1  }
0x52: {  	v1 =	vadd.f32 v62, v1;
	_ =	sdelay $0x1  }
0x53: {  	v2 =	vshra.s32 v1, $0x1;
	v3 =	vmul.f32 $5.000000000e-01, v1  }
0x54: {  	v2 =	vsub.s32 $0x5F3759DF, v2  }
0x55: {  	v63 =	vmul.f32 v2, v3;
	_ =	sdelay $0x1  }
0x56: {  	v4 =	vmul.f32 v2, v63;
	_ =	sdelay $0x1  }
0x57: {  	v4 =	vsub.f32 $1.500000000e+00, v4;
	_ =	sdelay $0x1  }
0x58: {  	v2 =	vmul.f32 v2, v4;
	_ =	sdelay $0x1  }
0x59: {  	v4 =	vmul.f32 v2, v3;
	_ =	sdelay $0x1  }
0x5a: {  	v4 =	vmul.f32 v4, v2;
	_ =	sdelay $0x1  }
0x5b: {  	v4 =	vsub.f32 $1.500000000e+00, v4;
	_ =	sdelay $0x1  }
0x5c: {  	v2 =	vmul.f32 v4, v2;
	_ =	sdelay $0x1  }
0x5d: {  	v3 =	vmul.f32 v2, v3;
	_ =	sdelay $0x1  }
0x5e: {  	v3 =	vmul.f32 v3, v2;
	_ =	sdelay $0x1  }
0x5f: {  	v3 =	vsub.f32 $1.500000000e+00, v3;
	_ =	sdelay $0x1  }
0x60: {  	s28 =	simm.s32 $0x10;
	s26 =	simm.s32 $0x80;
	v2 =	vmul.f32 v3, v2  }
0x61: {  	s28 =	sand.u32 $0x70, s28;
	s29 =	sand.u32 $0x1C00, s26;
	vm0 =	vgt.f32 v1, $0.0e+00  }
0x62: {  	s29 =	sor.u32 s28, s29;
	s28 =	simm.s32 $0x20;
	v1 =	vnsel vm0, $0x0, v2  }
.LBB2_6:
0x63: {  	p0 =	sne.s32 s28, $0x270;
	s30 =	sadd.s32 $0x11800, s29;
	[tilespmem:s25+$0x0] =	vst v1  }
0x64: {  	v1 =	vld [tilespmem:s30+$0x80]  }
0x65: {  	v2 =	vld [tilespmem:s29+$0x11800];
	_ =	sdelay $0x1  }
0x66: {  	v3 =	vld [tilespmem:s30+$0x100];
	_ =	sdelay $0x1  }
0x67: {  	v4 =	vld [tilespmem:s30+$0x180]  }
0x68: {  	v1 =	vadd.f32 v1, v2  }
0x69: {  	v2 =	vld [tilespmem:s30+$0x200]  }
0x6a: {  	v1 =	vadd.f32 v3, v1  }
0x6b: {  	v3 =	vld [tilespmem:s30+$0x280]  }
0x6c: {  	v1 =	vadd.f32 v4, v1  }
0x6d: {  	v4 =	vld [tilespmem:s30+$0x300]  }
0x6e: {  	v1 =	vadd.f32 v2, v1  }
0x6f: {  	v2 =	vld [tilespmem:s30+$0x380]  }
0x70: {  	v1 =	vadd.f32 v3, v1  }
0x71: {  	v3 =	vld [tilespmem:s29+$0x12C00]  }
0x72: {  	v1 =	vadd.f32 v4, v1  }
0x73: {  	v4 =	vld [tilespmem:s29+$0x12C80]  }
0x74: {  	v1 =	vadd.f32 v2, v1  }
0x75: {  	v2 =	vld [tilespmem:s29+$0x12D00]  }
0x76: {  	v1 =	vadd.f32 v3, v1  }
0x77: {  	v3 =	vld [tilespmem:s29+$0x12D80]  }
0x78: {  	v1 =	vadd.f32 v4, v1  }
0x79: {  	v4 =	vld [tilespmem:s29+$0x12E00]  }
0x7a: {  	v1 =	vadd.f32 v2, v1  }
0x7b: {  	v2 =	vld [tilespmem:s29+$0x12E80]  }
0x7c: {  	v1 =	vadd.f32 v3, v1  }
0x7d: {  	v3 =	vld [tilespmem:s29+$0x12F00]  }
0x7e: {  	v1 =	vadd.f32 v4, v1  }
0x7f: {  	v4 =	vld [tilespmem:s29+$0x12F80]  }
0x80: {  	v1 =	vadd.f32 v2, v1;
	_ =	sdelay $0x1  }
0x81: {  	v1 =	vadd.f32 v3, v1;
	_ =	sdelay $0x1  }
0x82: {  	v1 =	vadd.f32 v4, v1;
	_ =	sdelay $0x1  }
0x83: {  	v2 =	vshra.s32 v1, $0x1;
	v3 =	vmul.f32 $5.000000000e-01, v1  }
0x84: {  	v2 =	vsub.s32 $0x5F3759DF, v2  }
0x85: {  	v4 =	vmul.f32 v2, v3;
	_ =	sdelay $0x1  }
0x86: {  	v4 =	vmul.f32 v2, v4;
	_ =	sdelay $0x1  }
0x87: {  	v4 =	vsub.f32 $1.500000000e+00, v4;
	_ =	sdelay $0x1  }
0x88: {  	v2 =	vmul.f32 v2, v4;
	_ =	sdelay $0x1  }
0x89: {  	v4 =	vmul.f32 v2, v3;
	_ =	sdelay $0x1  }
0x8a: {  	v4 =	vmul.f32 v4, v2;
	_ =	sdelay $0x1  }
0x8b: {  	v4 =	vsub.f32 $1.500000000e+00, v4;
	_ =	sdelay $0x1  }
0x8c: {  	v2 =	vmul.f32 v4, v2;
	_ =	sdelay $0x1  }
0x8d: {  	v3 =	vmul.f32 v2, v3;
	_ =	sdelay $0x1  }
0x8e: {  	v3 =	vmul.f32 v3, v2;
	_ =	sdelay $0x1  }
.Ltmp2:
0x8f: {  	v3 =	vsub.f32 $1.500000000e+00, v3;
	(pc) =	sbr.rel @p0 .LBB2_6-.Ltmp2, $4  }
0x90: {  	_ = 	snop  }
0x91: {  	s26 =	sadd.s32 $0x80, s26;
	v2 =	vmul.f32 v3, v2  }
0x92: {  	s30 =	sand.u32 $0x1C00, s26;
	s29 =	sand.u32 $0x70, s28;
	vm0 =	vgt.f32 v1, $0.0e+00  }
0x93: {  	s25 =	sadd.s32 $0x10, s25;
	s28 =	sadd.s32 $0x10, s28;
	s29 =	sor.u32 s29, s30;
	v1 =	vnsel vm0, $0x0, v2  }
0x94: {  	s26 =	sadd.s32 $0x11800, s29;
	[tilespmem:s25+$0x0] =	vst v1  }
0x95: {  	v1 =	vld [tilespmem:s26+$0x80]  }
0x96: {  	v2 =	vld [tilespmem:s29+$0x11800];
	_ =	sdelay $0x1  }
0x97: {  	v3 =	vld [tilespmem:s26+$0x100];
	_ =	sdelay $0x1  }
0x98: {  	v4 =	vld [tilespmem:s26+$0x180]  }
0x99: {  	v1 =	vadd.f32 v1, v2  }
0x9a: {  	v2 =	vld [tilespmem:s26+$0x200]  }
0x9b: {  	v1 =	vadd.f32 v3, v1  }
0x9c: {  	v3 =	vld [tilespmem:s26+$0x280]  }
0x9d: {  	v1 =	vadd.f32 v4, v1  }
0x9e: {  	v4 =	vld [tilespmem:s26+$0x300]  }
0x9f: {  	v1 =	vadd.f32 v2, v1  }
0xa0: {  	v2 =	vld [tilespmem:s26+$0x380]  }
0xa1: {  	v1 =	vadd.f32 v3, v1  }
0xa2: {  	v3 =	vld [tilespmem:s29+$0x12C00]  }
0xa3: {  	v1 =	vadd.f32 v4, v1  }
0xa4: {  	v4 =	vld [tilespmem:s29+$0x12C80]  }
0xa5: {  	v1 =	vadd.f32 v2, v1  }
0xa6: {  	v2 =	vld [tilespmem:s29+$0x12D00]  }
0xa7: {  	v1 =	vadd.f32 v3, v1  }
0xa8: {  	v3 =	vld [tilespmem:s29+$0x12D80]  }
0xa9: {  	v1 =	vadd.f32 v4, v1  }
0xaa: {  	v4 =	vld [tilespmem:s29+$0x12E00]  }
0xab: {  	v1 =	vadd.f32 v2, v1  }
0xac: {  	v2 =	vld [tilespmem:s29+$0x12E80]  }
0xad: {  	v1 =	vadd.f32 v3, v1  }
0xae: {  	v3 =	vld [tilespmem:s29+$0x12F00]  }
0xaf: {  	v1 =	vadd.f32 v4, v1  }
0xb0: {  	v4 =	vld [tilespmem:s29+$0x12F80]  }
0xb1: {  	v1 =	vadd.f32 v2, v1;
	_ =	sdelay $0x1  }
0xb2: {  	v1 =	vadd.f32 v3, v1;
	_ =	sdelay $0x1  }
0xb3: {  	v1 =	vadd.f32 v4, v1;
	_ =	sdelay $0x1  }
0xb4: {  	v2 =	vshra.s32 v1, $0x1;
	v3 =	vmul.f32 $5.000000000e-01, v1  }
0xb5: {  	v2 =	vsub.s32 $0x5F3759DF, v2  }
0xb6: {  	v4 =	vmul.f32 v2, v3;
	_ =	sdelay $0x1  }
0xb7: {  	v4 =	vmul.f32 v2, v4;
	_ =	sdelay $0x1  }
0xb8: {  	v4 =	vsub.f32 $1.500000000e+00, v4;
	_ =	sdelay $0x1  }
0xb9: {  	v2 =	vmul.f32 v2, v4;
	_ =	sdelay $0x1  }
0xba: {  	v4 =	vmul.f32 v2, v3;
	_ =	sdelay $0x1  }
0xbb: {  	v4 =	vmul.f32 v4, v2;
	_ =	sdelay $0x1  }
0xbc: {  	v4 =	vsub.f32 $1.500000000e+00, v4;
	_ =	sdelay $0x1  }
0xbd: {  	v2 =	vmul.f32 v4, v2;
	_ =	sdelay $0x1  }
0xbe: {  	v3 =	vmul.f32 v2, v3;
	_ =	sdelay $0x1  }
0xbf: {  	v3 =	vmul.f32 v3, v2;
	_ =	sdelay $0x1  }
0xc0: {  	v3 =	vsub.f32 $1.500000000e+00, v3;
	_ =	sdelay $0x1  }
0xc1: {  	v2 =	vmul.f32 v3, v2  }
0xc2: {  	vm0 =	vgt.f32 v1, $0.0e+00  }
0xc3: {  	s30 =	sadd.s32 $0x10, s25;
	v1 =	vnsel vm0, $0x0, v2  }
0xc4: {  	[tilespmem:s30+$0x0] =	vst v1  }
0xc5: {  	[spmem:s8] =	stream.linear.scatter [tilespmem:s16], [sflag:$0x1], $0x280, $0x38;
	[tilespmem:$0x19280] =	vst v63  }
0xc6: {  	_ =	swait.ge [sflag:s14], $0x280  }
0xc7: {  	[sflag:s14] =	ssyncset.done $0x0  }
0xc8: {  	[sflag:s14] =	ssyncadd.s32 $0xFFFFFD80  }
0xc9: {  	[bflag:$0x0] =	sbarrier.arrive $0xFFFF  }
0xca: {  	[tilespmem:s22], [sflag:$0x1] =	stream.linear.gather [spmem:s2], $0x2800, $0x38;
	[tilespmem:$0x19280] =	vst v63  }
0xcb: {  	_ =	swait.ge [sflag:s14], $0x2800  }
0xcc: {  	[sflag:s14] =	ssyncset.done $0x0  }
0xcd: {  	s31 =	simm.s32 $0x0;
	[sflag:s14] =	ssyncadd.s32 $0xFFFFD800  }
0xce: {  	[tilespmem:s31], [sflag:$0x1] =	stream.linear.gather [hbm4b:s9+s31], $0x2800, $0x38;
	[tilespmem:$0x19280] =	vst v63  }
0xcf: {  	_ =	swait.ge [sflag:s14], $0x2800  }
0xd0: {  	[sflag:s14] =	ssyncset.done $0x0  }
0xd1: {  	[sflag:s14] =	ssyncadd.s32 $0xFFFFD800  }
0xd2: {  	[tilespmem:s23], [sflag:$0x1] =	stream.linear.gather [hbm4b:s10+s31], $0x2800, $0x38;
	[tilespmem:$0x19280] =	vst v63  }
0xd3: {  	_ =	swait.ge [sflag:s14], $0x2800  }
0xd4: {  	[sflag:s14] =	ssyncset.done $0x0  }
0xd5: {  	[sflag:s14] =	ssyncadd.s32 $0xFFFFD800  }
0xd6: {  	[tilespmem:s15], [sflag:$0x1] =	stream.linear.gather [hbm4b:s11+s31], $0x2800, $0x38;
	[tilespmem:$0x19280] =	vst v63  }
0xd7: {  	_ =	swait.ge [sflag:s14], $0x2800  }
0xd8: {  	[sflag:s14] =	ssyncset.done $0x0  }
0xd9: {  	s25 =	simm.s32 $0x0;
	[sflag:s14] =	ssyncadd.s32 $0xFFFFD800  }
0xda: {  	v1 =	vld [tilespmem:s25+$0x0]  }
0xdb: {  	v3 =	vld [tilespmem:s25+$0xA000];
	_ =	sdelay $0x5  }
0xdc: {  	v2 =	vld [tilespmem:s25+$0x5000]  }
0xdd: {  	v1 =	vld.idx.msk [tilespmem:v1+s22+$0x0], $0xffff  }
0xde: {  	s28 =	simm.s32 $0x80;
	s26 =	simm.s32 $0x10;
	v3 =	vld.idx.msk [tilespmem:v3+s22+$0x0], $0xffff  }
.LBB2_8:
0xdf: {  	p0 =	sne.s32 s28, $0x9FC0;
	v4 =	vld [tilespmem:s26+$0x0];
	_ =	sdelay $0x1  }
0xe0: {  	v5 =	vld [tilespmem:s26+$0xA000]  }
0xe1: {  	v1 =	vmul.f32 v1, v2;
	_ =	sdelay $0x1  }
0xe2: {  	v1 =	vmul.f32 v3, v1  }
.Ltmp3:
0xe3: {  	(pc) =	sbr.rel @p0 .LBB2_8-.Ltmp3, $4  }
0xe4: {  	[tilespmem:s25+$0x14000] =	vst v1;
	s25 =	smov.u32 s26  }
0xe5: {  	v1 =	vld.idx.msk [tilespmem:v4+s22+$0x0], $0xffff  }
0xe6: {  	v2 =	vld [tilespmem:s25+$0x5000]  }
0xe7: {  	s26 =	sshra.s32 s28, $0x2;
	s28 =	sadd.s32 $0x40, s28;
	v3 =	vld.idx.msk [tilespmem:v5+s22+$0x0], $0xffff  }
0xe8: {  	v4 =	vld [tilespmem:s26+$0x0];
	_ =	sdelay $0x2  }
0xe9: {  	v5 =	vld [tilespmem:s26+$0xA000];
	v1 =	vmul.f32 v1, v2;
	_ =	sdelay $0x1  }
0xea: {  	v1 =	vmul.f32 v3, v1;
	_ =	sdelay $0x1  }
0xeb: {  	[tilespmem:s25+$0x14000] =	vst v1  }
0xec: {  	v1 =	vld.idx.msk [tilespmem:v4+s22+$0x0], $0xffff  }
0xed: {  	v2 =	vld [tilespmem:s26+$0x5000];
	_ =	sdelay $0x1  }
0xee: {  	v3 =	vld.idx.msk [tilespmem:v5+s22+$0x0], $0xffff;
	_ =	sdelay $0x2  }
0xef: {  	v1 =	vmul.f32 v1, v2;
	_ =	sdelay $0x1  }
0xf0: {  	s24 =	sadd.s32 $0x1, s24;
	v1 =	vmul.f32 v3, v1  }
0xf1: {  	p0 =	sne.s32 s24, s13  }
.Ltmp4:
0xf2: {  	[tilespmem:s26+$0x14000] =	vst v1;
	(pc) =	sbr.rel @p0 .LBB2_1-.Ltmp4, $4  }
0xf3: {  	[hbm4b:s12+s3] =	stream.linear.scatter [tilespmem:s20], [sflag:$0x1], $0x2800, $0x38;
	[tilespmem:$0x19280] =	vst v63  }
0xf4: {  	_ =	swait.ge [sflag:s14], $0x2800  }
0xf5: {  	[sflag:s14] =	ssyncset.done $0x0  }
0xf6: {  	[sflag:s14] =	ssyncadd.s32 $0xFFFFD800  }
0xf7: {  	_ =	sfence.sel $0x180000  }
0xf8: {  	[bflag:$0x0] =	sbarrier.arrive $0xFFFF  }
0xf9: {  	p0 =	sne.s32 s1, $0x0;
	_ =	strace $0x90000047  }
0xfa: {  	s0 =	sadd.s32 @!p0 $0x100000, s0;
	[bflag:$0x2] =	sbarrier.arrive $0xFFFF  }
0xfb: {  	[sflag:s0] =	ssyncadd.tile.s32 @!p0 $0x1;
	_ =	shalt  }
.Lfunc_end2:
_tile_overlayer_lowered:
.L_overlay_start_2:
0xfc: {  	(tag) =	ssettag $0x2  }
0xfd: {  	s0 =	rddreg [dreg:$0x0];
	s2 =	stileid.u32  }
0xfe: {  	s1 =	rddreg [dreg:$0x1];
	p0 =	sne.s32 s2, $0x0  }
0xff: {  	s3 =	rddreg [dreg:$0x2];
	[bflag:$0x3] =	sbarrier.arrive $0xFFFF;
	s2 =	simm.s32 @!p0 $0x1C01  }
0x100: {  	[timem:s3], [sflag:s2] =	dma.local @!p0 [hbm:s0], s1  }
0x101: {  	s0 =	simm.s32 @!p0 $0x1  }
0x102: {  	_ =	swait.ge @!p0 [sflag:s0], s1  }
0x103: {  	s1 =	ssub.s32 @!p0 $0x0, s1;
	[sflag:s0] =	ssyncset.done @!p0 $0x0  }
0x104: {  	[sflag:s0] =	ssyncadd.s32 @!p0 s1  }
0x105: {  	[bflag:$0x3] =	sbarrier.arrive $0xFFFF  }
0x106: {  	_ =	shalt  }

</sc_bundles>
